<compile_context>
chip_gen: v7x
topology: tpu7x:2x2x1
jax: 0.10.2.dev20260603
libtpu: 0.0.44.dev20260713+nightly
codegen_flags: <defaults>
</compile_context>

<pallas_src>
import functools

import jax
import jax.numpy as jnp
from jax import lax
from jax.experimental import pallas as pl
from jax.experimental.pallas import tpu as pltpu
from jax.experimental.pallas import tpu_sc as plsc

N = 10000
E = 320000
D = 128
G = 64

NC = 2
NS = 16
K = 64
EPAD = 327680
ROWS = EPAD // K
CPT = ROWS // (NC * NS)
NROW = 10240
NPT = NROW // NS
DW = 16

_mesh = plsc.VectorSubcoreMesh(core_axis_name="c", subcore_axis_name="s")


DK = 128
DCPT = EPAD // DK // (NC * NS)


@functools.partial(
    pl.kernel,
    out_type=jax.ShapeDtypeStruct((NC, NROW, DW), jnp.float32),
    mesh=_mesh,
    scratch_types=[
        pltpu.VMEM_SHARED((NROW, DW), jnp.float32),
        pltpu.VMEM((DK,), jnp.int32),
        pltpu.VMEM((DK, DW), jnp.float32),
    ],
)
def _sc_degree(dst_hbm, ones_hbm, zeros_hbm, out_hbm, deg_sh, idx_v, ones_v):
    c = lax.axis_index("c")
    s = lax.axis_index("s")
    w = c * NS + s
    pltpu.sync_copy(ones_hbm, ones_v)
    pltpu.sync_copy(zeros_hbm, deg_sh.at[pl.ds(s * NPT, NPT)])
    plsc.subcore_barrier()

    @pl.loop(0, DCPT)
    def _chunk(j):
        pltpu.sync_copy(dst_hbm.at[pl.ds((w * DCPT + j) * DK, DK)], idx_v)
        pltpu.sync_copy(ones_v, deg_sh.at[idx_v], add=True)

    plsc.subcore_barrier()
    pltpu.sync_copy(deg_sh.at[pl.ds(s * NPT, NPT)],
                    out_hbm.at[c, pl.ds(s * NPT, NPT)])


NBUF = 4


@functools.partial(
    pl.kernel,
    out_type=jax.ShapeDtypeStruct((NC, NROW, D), jnp.float32),
    mesh=_mesh,
    scratch_types=(
        [pltpu.VMEM_SHARED((NROW, D), jnp.float32)]
        + [pltpu.VMEM((K,), jnp.int32) for _ in range(2 * NBUF)]
        + [pltpu.VMEM((K, D), jnp.float32) for _ in range(NBUF)]
        + [pltpu.SemaphoreType.DMA for _ in range(2 * NBUF)]
    ),
)
def _sc_prop(y_hbm, src_hbm, dst_hbm, zeros_hbm, out_hbm, acc_sh, *bufs):
    si = bufs[0:NBUF]
    di = bufs[NBUF:2 * NBUF]
    rows = bufs[2 * NBUF:3 * NBUF]
    gsem = bufs[3 * NBUF:4 * NBUF]
    ssem = bufs[4 * NBUF:5 * NBUF]
    c = lax.axis_index("c")
    s = lax.axis_index("s")
    w = c * NS + s
    pltpu.sync_copy(zeros_hbm, acc_sh.at[pl.ds(s * NPT, NPT)])
    plsc.subcore_barrier()

    def _load_and_gather(b, chunk):
        e0 = (w * CPT + chunk) * K
        pltpu.sync_copy(src_hbm.at[pl.ds(e0, K)], si[b])
        pltpu.sync_copy(dst_hbm.at[pl.ds(e0, K)], di[b])
        pltpu.async_copy(y_hbm.at[si[b]], rows[b], gsem[b])

    def _wait_gather_scatter(b):
        pltpu.make_async_copy(y_hbm.at[si[b]], rows[b], gsem[b]).wait()
        pltpu.sync_copy(rows[b], acc_sh.at[di[b]], add=True)

    for b in range(NBUF):
        _load_and_gather(b, b)

    @pl.loop(0, CPT - NBUF, step=NBUF)
    def _group(j):
        for b in range(NBUF):
            _wait_gather_scatter(b)
            _load_and_gather(b, j + NBUF + b)

    for b in range(NBUF):
        _wait_gather_scatter(b)

    plsc.subcore_barrier()
    pltpu.sync_copy(acc_sh.at[pl.ds(s * NPT, NPT)],
                    out_hbm.at[c, pl.ds(s * NPT, NPT)])


R = 1000


def _tc_matmul_body(x_ref, w_ref, xw_ref):
    xw_ref[...] = jnp.dot(x_ref[...], w_ref[...],
                          preferred_element_type=jnp.float32)


_tc_matmul = pl.pallas_call(
    _tc_matmul_body,
    grid=(N // R,),
    in_specs=[
        pl.BlockSpec((R, D), lambda i: (i, 0)),
        pl.BlockSpec((D, D), lambda i: (0, 0)),
    ],
    out_specs=pl.BlockSpec((R, D), lambda i: (i, 0)),
    out_shape=jax.ShapeDtypeStruct((N, D), jnp.float32),
)


PAD = EPAD - E


def _pad_mask(i):
    rid = lax.broadcasted_iota(jnp.int32, (R, 1), 0) + i * R
    return (rid < PAD).astype(jnp.float32)


def _tc_scale_body(xw_ref, deg_ref, dis_ref, y_ref):
    deg = deg_ref[...]
    degt = (deg[0, :, 0:1] + deg[1, :, 0:1] + 1.0
            - _pad_mask(pl.program_id(0)))
    dis = lax.rsqrt(degt)
    dis_ref[...] = dis
    y_ref[...] = xw_ref[...] * dis


_tc_scale = pl.pallas_call(
    _tc_scale_body,
    grid=(N // R,),
    in_specs=[
        pl.BlockSpec((R, D), lambda i: (i, 0)),
        pl.BlockSpec((NC, R, DW), lambda i: (0, i, 0)),
    ],
    out_specs=[
        pl.BlockSpec((R, 1), lambda i: (i, 0)),
        pl.BlockSpec((R, D), lambda i: (i, 0)),
    ],
    out_shape=[
        jax.ShapeDtypeStruct((N, 1), jnp.float32),
        jax.ShapeDtypeStruct((N, D), jnp.float32),
    ],
)


def _tc_mid_body(acc_ref, y_ref, dis_ref, b_ref, w_ref, y2_ref):
    a = acc_ref[...]
    y = y_ref[...]
    t = a[0] + a[1] + y * (1.0 - _pad_mask(pl.program_id(0)))
    dis = dis_ref[...]
    h = jnp.maximum(dis * t + b_ref[...], 0.0)
    y2_ref[...] = jnp.dot(h, w_ref[...],
                          preferred_element_type=jnp.float32) * dis


_tc_mid = pl.pallas_call(
    _tc_mid_body,
    grid=(N // R,),
    in_specs=[
        pl.BlockSpec((NC, R, D), lambda i: (0, i, 0)),
        pl.BlockSpec((R, D), lambda i: (i, 0)),
        pl.BlockSpec((R, 1), lambda i: (i, 0)),
        pl.BlockSpec((1, D), lambda i: (0, 0)),
        pl.BlockSpec((D, D), lambda i: (0, 0)),
    ],
    out_specs=pl.BlockSpec((R, D), lambda i: (i, 0)),
    out_shape=jax.ShapeDtypeStruct((N, D), jnp.float32),
)


def _tc_final_body(acc_ref, y_ref, dis_ref, b_ref, batch_ref, fcw_ref,
                   fcb_ref, out_ref, ps_ref, cnt_ref):
    i = pl.program_id(0)

    @pl.when(i == 0)
    def _():
        ps_ref[...] = jnp.zeros_like(ps_ref)
        cnt_ref[...] = jnp.zeros_like(cnt_ref)

    a = acc_ref[...]
    y = y_ref[...]
    t = a[0] + a[1] + y * (1.0 - _pad_mask(i))
    h = jnp.maximum(dis_ref[...] * t + b_ref[...], 0.0)
    gids = lax.broadcasted_iota(jnp.int32, (G, R), 0)
    m = (gids == batch_ref[...].reshape(1, R)).astype(jnp.float32)
    ps_ref[...] += jnp.dot(m, h, preferred_element_type=jnp.float32)
    cnt_ref[...] += jnp.sum(m, axis=1, keepdims=True)

    @pl.when(i == N // R - 1)
    def _():
        pooled = ps_ref[...] / jnp.maximum(cnt_ref[...], 1.0)
        out_ref[...] = jnp.dot(pooled, fcw_ref[...],
                               preferred_element_type=jnp.float32) + fcb_ref[...]


_tc_final = pl.pallas_call(
    _tc_final_body,
    grid=(N // R,),
    in_specs=[
        pl.BlockSpec((NC, R, D), lambda i: (0, i, 0)),
        pl.BlockSpec((R, D), lambda i: (i, 0)),
        pl.BlockSpec((R, 1), lambda i: (i, 0)),
        pl.BlockSpec((1, D), lambda i: (0, 0)),
        pl.BlockSpec((1, 1, R), lambda i: (i, 0, 0)),
        pl.BlockSpec((D, D), lambda i: (0, 0)),
        pl.BlockSpec((1, D), lambda i: (0, 0)),
    ],
    out_specs=pl.BlockSpec((G, D), lambda i: (0, 0)),
    out_shape=jax.ShapeDtypeStruct((G, D), jnp.float32),
    scratch_shapes=[
        pltpu.VMEM((G, D), jnp.float32),
        pltpu.VMEM((G, 1), jnp.float32),
    ],
)


def kernel(x, edge_index, batch, W1, b1, W2, b2, fc_W, fc_b):
    pad = EPAD - E
    pad_ids = jnp.arange(pad, dtype=jnp.int32)
    src_p = jnp.concatenate([edge_index[0], pad_ids])
    dst_p = jnp.concatenate([edge_index[1], pad_ids])
    zeros_d = jnp.zeros((NPT, D), jnp.float32)
    zeros_w = jnp.zeros((NPT, DW), jnp.float32)
    ones_w = jnp.ones((DK, DW), jnp.float32)

    xw = _tc_matmul(x, W1)
    deg = _sc_degree(dst_p, ones_w, zeros_w)
    dis, y1 = _tc_scale(xw, deg)
    acc1 = _sc_prop(y1, src_p, dst_p, zeros_d)
    y2 = _tc_mid(acc1, y1, dis, b1.reshape(1, D), W2)
    acc2 = _sc_prop(y2, src_p, dst_p, zeros_d)
    out = _tc_final(acc2, y2, dis, b2.reshape(1, D), batch.reshape(N // R, 1, R),
                    fc_W, fc_b.reshape(1, D))
    return out

# --- scband reference (transcript-rebuilt; emitter-appended) ---
"""Pipeline reference for scband-traces-encoder-11287174054679 (READ-ONLY COPY).

The authoritative reference and input builder live on the scoring server;
editing this copy changes nothing except your own understanding.
"""

import jax, jax.numpy as jnp
import numpy as np

N = 10000
E = 320000
D_IN = 128
D_HID = 128
D_OUT = 128
G = 64

def _glorot(key, shape):
    lim = float(np.sqrt(6.0 / (shape[0] + shape[1])))
    return jax.random.uniform(key, shape, dtype=jnp.float32, minval=-lim, maxval=lim)

def setup_inputs(seed: int = 0):
    key = jax.random.key(seed)
    ks = jax.random.split(key, 9)
    x = jax.random.normal(ks[0], (N, D_IN), dtype=jnp.float32)
    edge_index = jax.random.randint(ks[1], (2, E), 0, N, dtype=jnp.int32)
    batch = jnp.sort(jax.random.randint(ks[2], (N,), 0, G, dtype=jnp.int32))
    W1 = _glorot(ks[3], (D_IN, D_HID))
    b1 = jnp.zeros((D_HID,), dtype=jnp.float32)
    W2 = _glorot(ks[4], (D_HID, D_HID))
    b2 = jnp.zeros((D_HID,), dtype=jnp.float32)
    fc_W = _glorot(ks[5], (D_HID, D_OUT))
    fc_b = jnp.zeros((D_OUT,), dtype=jnp.float32)
    return {"x": x, "edge_index": edge_index, "batch": batch,
            "W1": W1, "b1": b1, "W2": W2, "b2": b2,
            "fc_W": fc_W, "fc_b": fc_b}

def _gcn_conv(x, src, dst, W, b, num_nodes):
    # PyG GCNConv: x' = D^{-1/2} (A + I) D^{-1/2} X W + b (self-loops already in src/dst)
    xw = x @ W
    deg = jax.ops.segment_sum(jnp.ones(src.shape[0], dtype=xw.dtype), dst, num_segments=num_nodes)
    deg_inv_sqrt = jnp.where(deg > 0, 1.0 / jnp.sqrt(jnp.maximum(deg, 1e-12)), 0.0)
    norm = deg_inv_sqrt[src] * deg_inv_sqrt[dst]
    msg = xw[src] * norm[:, None]
    out = jax.ops.segment_sum(msg, dst, num_segments=num_nodes)
    return out + b

def reference(x, edge_index, batch, W1, b1, W2, b2, fc_W, fc_b):
    loop = jnp.arange(N, dtype=edge_index.dtype)
    src = jnp.concatenate([edge_index[0], loop])
    dst = jnp.concatenate([edge_index[1], loop])
    # layer 1 (dropout is identity in eval mode)
    h = jax.nn.relu(_gcn_conv(x, src, dst, W1, b1, N))
    # layer 2
    h = jax.nn.relu(_gcn_conv(h, src, dst, W2, b2, N))
    # global mean pool over batch assignment
    sums = jax.ops.segment_sum(h, batch, num_segments=G)
    counts = jax.ops.segment_sum(jnp.ones((N,), dtype=h.dtype), batch, num_segments=G)
    pooled = sums / jnp.maximum(counts, 1.0)[:, None]
    return pooled @ fc_W + fc_b

if __name__ == "__main__":
    import jax
    _d = setup_inputs()
    print(jax.jit(kernel)(*tuple(_d.values())))

</pallas_src>

<mosaic_0001>
#map = affine_map<(d0, d1) -> (0, 0)>
#map1 = affine_map<(d0, d1) -> (0)>
#map2 = affine_map<(d0, d1) -> (0, 0, 0)>
module attributes {stable_mosaic.version = 14 : i64} {
  func.func @_sc_prop(%arg0: i32, %arg1: i32, %arg2: memref<10000x128xf32, #tpu.memory_space<hbm>>, %arg3: memref<327680xi32, #tpu.memory_space<hbm>>, %arg4: memref<327680xi32, #tpu.memory_space<hbm>>, %arg5: memref<640x128xf32, #tpu.memory_space<hbm>>, %arg6: memref<2x10240x128xf32, #tpu.memory_space<hbm>>, %arg7: memref<10240x128xf32, #tpu.memory_space<vmem_shared>>, %arg8: memref<64xi32, #tpu.memory_space<vmem>>, %arg9: memref<64xi32, #tpu.memory_space<vmem>>, %arg10: memref<64xi32, #tpu.memory_space<vmem>>, %arg11: memref<64xi32, #tpu.memory_space<vmem>>, %arg12: memref<64xi32, #tpu.memory_space<vmem>>, %arg13: memref<64xi32, #tpu.memory_space<vmem>>, %arg14: memref<64xi32, #tpu.memory_space<vmem>>, %arg15: memref<64xi32, #tpu.memory_space<vmem>>, %arg16: memref<64x128xf32, #tpu.memory_space<vmem>>, %arg17: memref<64x128xf32, #tpu.memory_space<vmem>>, %arg18: memref<64x128xf32, #tpu.memory_space<vmem>>, %arg19: memref<64x128xf32, #tpu.memory_space<vmem>>, %arg20: memref<!tpu.dma_semaphore, #tpu.memory_space<semaphore_mem>>, %arg21: memref<!tpu.dma_semaphore, #tpu.memory_space<semaphore_mem>>, %arg22: memref<!tpu.dma_semaphore, #tpu.memory_space<semaphore_mem>>, %arg23: memref<!tpu.dma_semaphore, #tpu.memory_space<semaphore_mem>>, %arg24: memref<!tpu.dma_semaphore, #tpu.memory_space<semaphore_mem>>, %arg25: memref<!tpu.dma_semaphore, #tpu.memory_space<semaphore_mem>>, %arg26: memref<!tpu.dma_semaphore, #tpu.memory_space<semaphore_mem>>, %arg27: memref<!tpu.dma_semaphore, #tpu.memory_space<semaphore_mem>>) attributes {dimension_semantics = [#tpu.dimension_semantics<core_parallel>, #tpu.dimension_semantics<subcore_parallel>], iteration_bounds = array<i64: 2, 16>, scalar_prefetch = 0 : i64, scratch_operands = 21 : i64, tpu.core_type = #tpu.core_type<sc_vector_subcore>, window_params = [{transform_indices = #map}, {transform_indices = #map1}, {transform_indices = #map1}, {transform_indices = #map}, {transform_indices = #map2}]} {
    %mul3A = arith.constant 16 : i32
    %mul3A_0 = arith.muli %arg0, %mul3A : i32
    %add3A = arith.addi %mul3A_0, %arg1 : i32
    %mul3A_1 = arith.constant 640 : i32
    %mul3A_2 = arith.muli %arg1, %mul3A_1 : i32
    "tpu.region"() ({
      %run_scoped3A = tpu.sem_alloc : memref<!tpu.dma_semaphore, #tpu.memory_space<semaphore_mem>>
      %dma_start3A_58 = arith.constant 0 : i32
      %dma_start3A_59 = tpu.memref_slice %arg7[%mul3A_2, %dma_start3A_58] : memref<10240x128xf32, #tpu.memory_space<vmem_shared>> -> memref<640x128xf32, #tpu.memory_space<vmem_shared>>
      tpu.enqueue_dma source(%arg5 : memref<640x128xf32, #tpu.memory_space<hbm>>) target(%dma_start3A_59 : memref<640x128xf32, #tpu.memory_space<vmem_shared>>) target_semaphore(%run_scoped3A : memref<!tpu.dma_semaphore, #tpu.memory_space<semaphore_mem>>)
      %dma_wait3A_60 = arith.constant 0 : i32
      %dma_wait3A_61 = tpu.memref_slice %arg7[%mul3A_2, %dma_wait3A_60] : memref<10240x128xf32, #tpu.memory_space<vmem_shared>> -> memref<640x128xf32, #tpu.memory_space<vmem_shared>>
      tpu.wait_dma2 semaphore(%run_scoped3A : memref<!tpu.dma_semaphore, #tpu.memory_space<semaphore_mem>>) src(%arg5 : memref<640x128xf32, #tpu.memory_space<hbm>>) dst(%dma_wait3A_61 : memref<640x128xf32, #tpu.memory_space<vmem_shared>>)
      tpu.yield
    }) : () -> ()
    %barrier3A = arith.constant 0 : index
    tpu.barrier barrier_id(%barrier3A)
    %mul3A_3 = arith.constant 160 : i32
    %mul3A_4 = arith.muli %add3A, %mul3A_3 : i32
    %add3A_5 = arith.constant 0 : i32
    %add3A_6 = arith.addi %mul3A_4, %add3A_5 : i32
    %mul3A_7 = arith.constant 64 : i32
    %mul3A_8 = arith.muli %add3A_6, %mul3A_7 : i32
    "tpu.region"() ({
      %run_scoped3A = tpu.sem_alloc : memref<!tpu.dma_semaphore, #tpu.memory_space<semaphore_mem>>
      %dma_start3A_58 = tpu.memref_slice %arg3[%mul3A_8] : memref<327680xi32, #tpu.memory_space<hbm>> -> memref<64xi32, #tpu.memory_space<hbm>>
      %dma_start3A_59 = tpu.memref_slice %arg3[%mul3A_8] : memref<327680xi32, #tpu.memory_space<hbm>> -> memref<64xi32, #tpu.memory_space<hbm>>
      tpu.enqueue_dma source(%dma_start3A_59 : memref<64xi32, #tpu.memory_space<hbm>>) target(%arg8 : memref<64xi32, #tpu.memory_space<vmem>>) target_semaphore(%run_scoped3A : memref<!tpu.dma_semaphore, #tpu.memory_space<semaphore_mem>>)
      %dma_wait3A_60 = tpu.memref_slice %arg3[%mul3A_8] : memref<327680xi32, #tpu.memory_space<hbm>> -> memref<64xi32, #tpu.memory_space<hbm>>
      %dma_wait3A_61 = tpu.memref_slice %arg3[%mul3A_8] : memref<327680xi32, #tpu.memory_space<hbm>> -> memref<64xi32, #tpu.memory_space<hbm>>
      tpu.wait_dma2 semaphore(%run_scoped3A : memref<!tpu.dma_semaphore, #tpu.memory_space<semaphore_mem>>) src(%dma_wait3A_61 : memref<64xi32, #tpu.memory_space<hbm>>) dst(%arg8 : memref<64xi32, #tpu.memory_space<vmem>>)
      tpu.yield
    }) : () -> ()
    "tpu.region"() ({
      %run_scoped3A = tpu.sem_alloc : memref<!tpu.dma_semaphore, #tpu.memory_space<semaphore_mem>>
      %dma_start3A_58 = tpu.memref_slice %arg4[%mul3A_8] : memref<327680xi32, #tpu.memory_space<hbm>> -> memref<64xi32, #tpu.memory_space<hbm>>
      %dma_start3A_59 = tpu.memref_slice %arg4[%mul3A_8] : memref<327680xi32, #tpu.memory_space<hbm>> -> memref<64xi32, #tpu.memory_space<hbm>>
      tpu.enqueue_dma source(%dma_start3A_59 : memref<64xi32, #tpu.memory_space<hbm>>) target(%arg12 : memref<64xi32, #tpu.memory_space<vmem>>) target_semaphore(%run_scoped3A : memref<!tpu.dma_semaphore, #tpu.memory_space<semaphore_mem>>)
      %dma_wait3A_60 = tpu.memref_slice %arg4[%mul3A_8] : memref<327680xi32, #tpu.memory_space<hbm>> -> memref<64xi32, #tpu.memory_space<hbm>>
      %dma_wait3A_61 = tpu.memref_slice %arg4[%mul3A_8] : memref<327680xi32, #tpu.memory_space<hbm>> -> memref<64xi32, #tpu.memory_space<hbm>>
      tpu.wait_dma2 semaphore(%run_scoped3A : memref<!tpu.dma_semaphore, #tpu.memory_space<semaphore_mem>>) src(%dma_wait3A_61 : memref<64xi32, #tpu.memory_space<hbm>>) dst(%arg12 : memref<64xi32, #tpu.memory_space<vmem>>)
      tpu.yield
    }) : () -> ()
    %dma_start3A = arith.constant 0 : i32
    %dma_start3A_9 = arith.constant 0 : i32
    %dma_start3A_10 = tpu.memref_slice %arg2[%dma_start3A, %dma_start3A_9] : memref<10000x128xf32, #tpu.memory_space<hbm>> -> memref<10000x128xf32, #tpu.memory_space<hbm>>
    tpu.enqueue_indirect_dma source(%dma_start3A_10 : memref<10000x128xf32, #tpu.memory_space<hbm>>) target(%arg16 : memref<64x128xf32, #tpu.memory_space<vmem>>) offsets(%arg8 : memref<64xi32, #tpu.memory_space<vmem>>) semaphore(%arg20 : memref<!tpu.dma_semaphore, #tpu.memory_space<semaphore_mem>>)
    %mul3A_11 = arith.constant 160 : i32
    %mul3A_12 = arith.muli %add3A, %mul3A_11 : i32
    %add3A_13 = arith.constant 1 : i32
    %add3A_14 = arith.addi %mul3A_12, %add3A_13 : i32
    %mul3A_15 = arith.constant 64 : i32
    %mul3A_16 = arith.muli %add3A_14, %mul3A_15 : i32
    "tpu.region"() ({
      %run_scoped3A = tpu.sem_alloc : memref<!tpu.dma_semaphore, #tpu.memory_space<semaphore_mem>>
      %dma_start3A_58 = tpu.memref_slice %arg3[%mul3A_16] : memref<327680xi32, #tpu.memory_space<hbm>> -> memref<64xi32, #tpu.memory_space<hbm>>
      %dma_start3A_59 = tpu.memref_slice %arg3[%mul3A_16] : memref<327680xi32, #tpu.memory_space<hbm>> -> memref<64xi32, #tpu.memory_space<hbm>>
      tpu.enqueue_dma source(%dma_start3A_59 : memref<64xi32, #tpu.memory_space<hbm>>) target(%arg9 : memref<64xi32, #tpu.memory_space<vmem>>) target_semaphore(%run_scoped3A : memref<!tpu.dma_semaphore, #tpu.memory_space<semaphore_mem>>)
      %dma_wait3A_60 = tpu.memref_slice %arg3[%mul3A_16] : memref<327680xi32, #tpu.memory_space<hbm>> -> memref<64xi32, #tpu.memory_space<hbm>>
      %dma_wait3A_61 = tpu.memref_slice %arg3[%mul3A_16] : memref<327680xi32, #tpu.memory_space<hbm>> -> memref<64xi32, #tpu.memory_space<hbm>>
      tpu.wait_dma2 semaphore(%run_scoped3A : memref<!tpu.dma_semaphore, #tpu.memory_space<semaphore_mem>>) src(%dma_wait3A_61 : memref<64xi32, #tpu.memory_space<hbm>>) dst(%arg9 : memref<64xi32, #tpu.memory_space<vmem>>)
      tpu.yield
    }) : () -> ()
    "tpu.region"() ({
      %run_scoped3A = tpu.sem_alloc : memref<!tpu.dma_semaphore, #tpu.memory_space<semaphore_mem>>
      %dma_start3A_58 = tpu.memref_slice %arg4[%mul3A_16] : memref<327680xi32, #tpu.memory_space<hbm>> -> memref<64xi32, #tpu.memory_space<hbm>>
      %dma_start3A_59 = tpu.memref_slice %arg4[%mul3A_16] : memref<327680xi32, #tpu.memory_space<hbm>> -> memref<64xi32, #tpu.memory_space<hbm>>
      tpu.enqueue_dma source(%dma_start3A_59 : memref<64xi32, #tpu.memory_space<hbm>>) target(%arg13 : memref<64xi32, #tpu.memory_space<vmem>>) target_semaphore(%run_scoped3A : memref<!tpu.dma_semaphore, #tpu.memory_space<semaphore_mem>>)
      %dma_wait3A_60 = tpu.memref_slice %arg4[%mul3A_16] : memref<327680xi32, #tpu.memory_space<hbm>> -> memref<64xi32, #tpu.memory_space<hbm>>
      %dma_wait3A_61 = tpu.memref_slice %arg4[%mul3A_16] : memref<327680xi32, #tpu.memory_space<hbm>> -> memref<64xi32, #tpu.memory_space<hbm>>
      tpu.wait_dma2 semaphore(%run_scoped3A : memref<!tpu.dma_semaphore, #tpu.memory_space<semaphore_mem>>) src(%dma_wait3A_61 : memref<64xi32, #tpu.memory_space<hbm>>) dst(%arg13 : memref<64xi32, #tpu.memory_space<vmem>>)
      tpu.yield
    }) : () -> ()
    %dma_start3A_17 = arith.constant 0 : i32
    %dma_start3A_18 = arith.constant 0 : i32
    %dma_start3A_19 = tpu.memref_slice %arg2[%dma_start3A_17, %dma_start3A_18] : memref<10000x128xf32, #tpu.memory_space<hbm>> -> memref<10000x128xf32, #tpu.memory_space<hbm>>
    tpu.enqueue_indirect_dma source(%dma_start3A_19 : memref<10000x128xf32, #tpu.memory_space<hbm>>) target(%arg17 : memref<64x128xf32, #tpu.memory_space<vmem>>) offsets(%arg9 : memref<64xi32, #tpu.memory_space<vmem>>) semaphore(%arg21 : memref<!tpu.dma_semaphore, #tpu.memory_space<semaphore_mem>>)
    %mul3A_20 = arith.constant 160 : i32
    %mul3A_21 = arith.muli %add3A, %mul3A_20 : i32
    %add3A_22 = arith.constant 2 : i32
    %add3A_23 = arith.addi %mul3A_21, %add3A_22 : i32
    %mul3A_24 = arith.constant 64 : i32
    %mul3A_25 = arith.muli %add3A_23, %mul3A_24 : i32
    "tpu.region"() ({
      %run_scoped3A = tpu.sem_alloc : memref<!tpu.dma_semaphore, #tpu.memory_space<semaphore_mem>>
      %dma_start3A_58 = tpu.memref_slice %arg3[%mul3A_25] : memref<327680xi32, #tpu.memory_space<hbm>> -> memref<64xi32, #tpu.memory_space<hbm>>
      %dma_start3A_59 = tpu.memref_slice %arg3[%mul3A_25] : memref<327680xi32, #tpu.memory_space<hbm>> -> memref<64xi32, #tpu.memory_space<hbm>>
      tpu.enqueue_dma source(%dma_start3A_59 : memref<64xi32, #tpu.memory_space<hbm>>) target(%arg10 : memref<64xi32, #tpu.memory_space<vmem>>) target_semaphore(%run_scoped3A : memref<!tpu.dma_semaphore, #tpu.memory_space<semaphore_mem>>)
      %dma_wait3A_60 = tpu.memref_slice %arg3[%mul3A_25] : memref<327680xi32, #tpu.memory_space<hbm>> -> memref<64xi32, #tpu.memory_space<hbm>>
      %dma_wait3A_61 = tpu.memref_slice %arg3[%mul3A_25] : memref<327680xi32, #tpu.memory_space<hbm>> -> memref<64xi32, #tpu.memory_space<hbm>>
      tpu.wait_dma2 semaphore(%run_scoped3A : memref<!tpu.dma_semaphore, #tpu.memory_space<semaphore_mem>>) src(%dma_wait3A_61 : memref<64xi32, #tpu.memory_space<hbm>>) dst(%arg10 : memref<64xi32, #tpu.memory_space<vmem>>)
      tpu.yield
    }) : () -> ()
    "tpu.region"() ({
      %run_scoped3A = tpu.sem_alloc : memref<!tpu.dma_semaphore, #tpu.memory_space<semaphore_mem>>
      %dma_start3A_58 = tpu.memref_slice %arg4[%mul3A_25] : memref<327680xi32, #tpu.memory_space<hbm>> -> memref<64xi32, #tpu.memory_space<hbm>>
      %dma_start3A_59 = tpu.memref_slice %arg4[%mul3A_25] : memref<327680xi32, #tpu.memory_space<hbm>> -> memref<64xi32, #tpu.memory_space<hbm>>
      tpu.enqueue_dma source(%dma_start3A_59 : memref<64xi32, #tpu.memory_space<hbm>>) target(%arg14 : memref<64xi32, #tpu.memory_space<vmem>>) target_semaphore(%run_scoped3A : memref<!tpu.dma_semaphore, #tpu.memory_space<semaphore_mem>>)
      %dma_wait3A_60 = tpu.memref_slice %arg4[%mul3A_25] : memref<327680xi32, #tpu.memory_space<hbm>> -> memref<64xi32, #tpu.memory_space<hbm>>
      %dma_wait3A_61 = tpu.memref_slice %arg4[%mul3A_25] : memref<327680xi32, #tpu.memory_space<hbm>> -> memref<64xi32, #tpu.memory_space<hbm>>
      tpu.wait_dma2 semaphore(%run_scoped3A : memref<!tpu.dma_semaphore, #tpu.memory_space<semaphore_mem>>) src(%dma_wait3A_61 : memref<64xi32, #tpu.memory_space<hbm>>) dst(%arg14 : memref<64xi32, #tpu.memory_space<vmem>>)
      tpu.yield
    }) : () -> ()
    %dma_start3A_26 = arith.constant 0 : i32
    %dma_start3A_27 = arith.constant 0 : i32
    %dma_start3A_28 = tpu.memref_slice %arg2[%dma_start3A_26, %dma_start3A_27] : memref<10000x128xf32, #tpu.memory_space<hbm>> -> memref<10000x128xf32, #tpu.memory_space<hbm>>
    tpu.enqueue_indirect_dma source(%dma_start3A_28 : memref<10000x128xf32, #tpu.memory_space<hbm>>) target(%arg18 : memref<64x128xf32, #tpu.memory_space<vmem>>) offsets(%arg10 : memref<64xi32, #tpu.memory_space<vmem>>) semaphore(%arg22 : memref<!tpu.dma_semaphore, #tpu.memory_space<semaphore_mem>>)
    %mul3A_29 = arith.constant 160 : i32
    %mul3A_30 = arith.muli %add3A, %mul3A_29 : i32
    %add3A_31 = arith.constant 3 : i32
    %add3A_32 = arith.addi %mul3A_30, %add3A_31 : i32
    %mul3A_33 = arith.constant 64 : i32
    %mul3A_34 = arith.muli %add3A_32, %mul3A_33 : i32
    "tpu.region"() ({
      %run_scoped3A = tpu.sem_alloc : memref<!tpu.dma_semaphore, #tpu.memory_space<semaphore_mem>>
      %dma_start3A_58 = tpu.memref_slice %arg3[%mul3A_34] : memref<327680xi32, #tpu.memory_space<hbm>> -> memref<64xi32, #tpu.memory_space<hbm>>
      %dma_start3A_59 = tpu.memref_slice %arg3[%mul3A_34] : memref<327680xi32, #tpu.memory_space<hbm>> -> memref<64xi32, #tpu.memory_space<hbm>>
      tpu.enqueue_dma source(%dma_start3A_59 : memref<64xi32, #tpu.memory_space<hbm>>) target(%arg11 : memref<64xi32, #tpu.memory_space<vmem>>) target_semaphore(%run_scoped3A : memref<!tpu.dma_semaphore, #tpu.memory_space<semaphore_mem>>)
      %dma_wait3A_60 = tpu.memref_slice %arg3[%mul3A_34] : memref<327680xi32, #tpu.memory_space<hbm>> -> memref<64xi32, #tpu.memory_space<hbm>>
      %dma_wait3A_61 = tpu.memref_slice %arg3[%mul3A_34] : memref<327680xi32, #tpu.memory_space<hbm>> -> memref<64xi32, #tpu.memory_space<hbm>>
      tpu.wait_dma2 semaphore(%run_scoped3A : memref<!tpu.dma_semaphore, #tpu.memory_space<semaphore_mem>>) src(%dma_wait3A_61 : memref<64xi32, #tpu.memory_space<hbm>>) dst(%arg11 : memref<64xi32, #tpu.memory_space<vmem>>)
      tpu.yield
    }) : () -> ()
    "tpu.region"() ({
      %run_scoped3A = tpu.sem_alloc : memref<!tpu.dma_semaphore, #tpu.memory_space<semaphore_mem>>
      %dma_start3A_58 = tpu.memref_slice %arg4[%mul3A_34] : memref<327680xi32, #tpu.memory_space<hbm>> -> memref<64xi32, #tpu.memory_space<hbm>>
      %dma_start3A_59 = tpu.memref_slice %arg4[%mul3A_34] : memref<327680xi32, #tpu.memory_space<hbm>> -> memref<64xi32, #tpu.memory_space<hbm>>
      tpu.enqueue_dma source(%dma_start3A_59 : memref<64xi32, #tpu.memory_space<hbm>>) target(%arg15 : memref<64xi32, #tpu.memory_space<vmem>>) target_semaphore(%run_scoped3A : memref<!tpu.dma_semaphore, #tpu.memory_space<semaphore_mem>>)
      %dma_wait3A_60 = tpu.memref_slice %arg4[%mul3A_34] : memref<327680xi32, #tpu.memory_space<hbm>> -> memref<64xi32, #tpu.memory_space<hbm>>
      %dma_wait3A_61 = tpu.memref_slice %arg4[%mul3A_34] : memref<327680xi32, #tpu.memory_space<hbm>> -> memref<64xi32, #tpu.memory_space<hbm>>
      tpu.wait_dma2 semaphore(%run_scoped3A : memref<!tpu.dma_semaphore, #tpu.memory_space<semaphore_mem>>) src(%dma_wait3A_61 : memref<64xi32, #tpu.memory_space<hbm>>) dst(%arg15 : memref<64xi32, #tpu.memory_space<vmem>>)
      tpu.yield
    }) : () -> ()
    %dma_start3A_35 = arith.constant 0 : i32
    %dma_start3A_36 = arith.constant 0 : i32
    %dma_start3A_37 = tpu.memref_slice %arg2[%dma_start3A_35, %dma_start3A_36] : memref<10000x128xf32, #tpu.memory_space<hbm>> -> memref<10000x128xf32, #tpu.memory_space<hbm>>
    tpu.enqueue_indirect_dma source(%dma_start3A_37 : memref<10000x128xf32, #tpu.memory_space<hbm>>) target(%arg19 : memref<64x128xf32, #tpu.memory_space<vmem>>) offsets(%arg11 : memref<64xi32, #tpu.memory_space<vmem>>) semaphore(%arg23 : memref<!tpu.dma_semaphore, #tpu.memory_space<semaphore_mem>>)
    %scan3A = arith.constant 0 : i32
    %scan3A_38 = arith.constant 39 : i32
    %scan3A_39 = arith.addi %scan3A, %scan3A_38 : i32
    %scan3A_40 = arith.constant 1 : i32
    scf.for %scan3A_58 = %scan3A to %scan3A_39 step %scan3A_40  : i32 {
      %mul3A_59 = arith.constant 4 : i32
      %mul3A_60 = arith.muli %scan3A_58, %mul3A_59 : i32
      %add3A_61 = arith.constant 0 : i32
      %add3A_62 = arith.addi %add3A_61, %mul3A_60 : i32
      %dma_wait3A_63 = arith.constant 0 : i32
      %dma_wait3A_64 = arith.constant 0 : i32
      %dma_wait3A_65 = tpu.memref_slice %arg2[%dma_wait3A_63, %dma_wait3A_64] : memref<10000x128xf32, #tpu.memory_space<hbm>> -> memref<10000x128xf32, #tpu.memory_space<hbm>>
      tpu.wait_indirect_dma semaphore(%arg20 : memref<!tpu.dma_semaphore, #tpu.memory_space<semaphore_mem>>) src(%dma_wait3A_65 : memref<10000x128xf32, #tpu.memory_space<hbm>>) dst(%arg16 : memref<64x128xf32, #tpu.memory_space<vmem>>)
      "tpu.region"() ({
        %run_scoped3A = tpu.sem_alloc : memref<!tpu.dma_semaphore, #tpu.memory_space<semaphore_mem>>
        %dma_start3A_123 = arith.constant 0 : i32
        %dma_start3A_124 = arith.constant 0 : i32
        %dma_start3A_125 = tpu.memref_slice %arg7[%dma_start3A_123, %dma_start3A_124] : memref<10240x128xf32, #tpu.memory_space<vmem_shared>> -> memref<10240x128xf32, #tpu.memory_space<vmem_shared>>
        tpu.enqueue_indirect_dma source(%arg16 : memref<64x128xf32, #tpu.memory_space<vmem>>) target(%dma_start3A_125 : memref<10240x128xf32, #tpu.memory_space<vmem_shared>>) offsets(%arg12 : memref<64xi32, #tpu.memory_space<vmem>>) semaphore(%run_scoped3A : memref<!tpu.dma_semaphore, #tpu.memory_space<semaphore_mem>>) {add = true}
        %dma_wait3A_126 = arith.constant 0 : i32
        %dma_wait3A_127 = arith.constant 0 : i32
        %dma_wait3A_128 = tpu.memref_slice %arg7[%dma_wait3A_126, %dma_wait3A_127] : memref<10240x128xf32, #tpu.memory_space<vmem_shared>> -> memref<10240x128xf32, #tpu.memory_space<vmem_shared>>
        tpu.wait_indirect_dma semaphore(%run_scoped3A : memref<!tpu.dma_semaphore, #tpu.memory_space<semaphore_mem>>) src(%arg16 : memref<64x128xf32, #tpu.memory_space<vmem>>) dst(%dma_wait3A_128 : memref<10240x128xf32, #tpu.memory_space<vmem_shared>>)
        tpu.yield
      }) : () -> ()
      %add3A_66 = arith.constant 4 : i32
      %add3A_67 = arith.addi %add3A_62, %add3A_66 : i32
      %add3A_68 = arith.constant 0 : i32
      %add3A_69 = arith.addi %add3A_67, %add3A_68 : i32
      %mul3A_70 = arith.constant 160 : i32
      %mul3A_71 = arith.muli %add3A, %mul3A_70 : i32
      %add3A_72 = arith.addi %mul3A_71, %add3A_69 : i32
      %mul3A_73 = arith.constant 64 : i32
      %mul3A_74 = arith.muli %add3A_72, %mul3A_73 : i32
      "tpu.region"() ({
        %run_scoped3A = tpu.sem_alloc : memref<!tpu.dma_semaphore, #tpu.memory_space<semaphore_mem>>
        %dma_start3A_123 = tpu.memref_slice %arg3[%mul3A_74] : memref<327680xi32, #tpu.memory_space<hbm>> -> memref<64xi32, #tpu.memory_space<hbm>>
        %dma_start3A_124 = tpu.memref_slice %arg3[%mul3A_74] : memref<327680xi32, #tpu.memory_space<hbm>> -> memref<64xi32, #tpu.memory_space<hbm>>
        tpu.enqueue_dma source(%dma_start3A_124 : memref<64xi32, #tpu.memory_space<hbm>>) target(%arg8 : memref<64xi32, #tpu.memory_space<vmem>>) target_semaphore(%run_scoped3A : memref<!tpu.dma_semaphore, #tpu.memory_space<semaphore_mem>>)
        %dma_wait3A_125 = tpu.memref_slice %arg3[%mul3A_74] : memref<327680xi32, #tpu.memory_space<hbm>> -> memref<64xi32, #tpu.memory_space<hbm>>
        %dma_wait3A_126 = tpu.memref_slice %arg3[%mul3A_74] : memref<327680xi32, #tpu.memory_space<hbm>> -> memref<64xi32, #tpu.memory_space<hbm>>
        tpu.wait_dma2 semaphore(%run_scoped3A : memref<!tpu.dma_semaphore, #tpu.memory_space<semaphore_mem>>) src(%dma_wait3A_126 : memref<64xi32, #tpu.memory_space<hbm>>) dst(%arg8 : memref<64xi32, #tpu.memory_space<vmem>>)
        tpu.yield
      }) : () -> ()
      "tpu.region"() ({
        %run_scoped3A = tpu.sem_alloc : memref<!tpu.dma_semaphore, #tpu.memory_space<semaphore_mem>>
        %dma_start3A_123 = tpu.memref_slice %arg4[%mul3A_74] : memref<327680xi32, #tpu.memory_space<hbm>> -> memref<64xi32, #tpu.memory_space<hbm>>
        %dma_start3A_124 = tpu.memref_slice %arg4[%mul3A_74] : memref<327680xi32, #tpu.memory_space<hbm>> -> memref<64xi32, #tpu.memory_space<hbm>>
        tpu.enqueue_dma source(%dma_start3A_124 : memref<64xi32, #tpu.memory_space<hbm>>) target(%arg12 : memref<64xi32, #tpu.memory_space<vmem>>) target_semaphore(%run_scoped3A : memref<!tpu.dma_semaphore, #tpu.memory_space<semaphore_mem>>)
        %dma_wait3A_125 = tpu.memref_slice %arg4[%mul3A_74] : memref<327680xi32, #tpu.memory_space<hbm>> -> memref<64xi32, #tpu.memory_space<hbm>>
        %dma_wait3A_126 = tpu.memref_slice %arg4[%mul3A_74] : memref<327680xi32, #tpu.memory_space<hbm>> -> memref<64xi32, #tpu.memory_space<hbm>>
        tpu.wait_dma2 semaphore(%run_scoped3A : memref<!tpu.dma_semaphore, #tpu.memory_space<semaphore_mem>>) src(%dma_wait3A_126 : memref<64xi32, #tpu.memory_space<hbm>>) dst(%arg12 : memref<64xi32, #tpu.memory_space<vmem>>)
        tpu.yield
      }) : () -> ()
      %dma_start3A_75 = arith.constant 0 : i32
      %dma_start3A_76 = arith.constant 0 : i32
      %dma_start3A_77 = tpu.memref_slice %arg2[%dma_start3A_75, %dma_start3A_76] : memref<10000x128xf32, #tpu.memory_space<hbm>> -> memref<10000x128xf32, #tpu.memory_space<hbm>>
      tpu.enqueue_indirect_dma source(%dma_start3A_77 : memref<10000x128xf32, #tpu.memory_space<hbm>>) target(%arg16 : memref<64x128xf32, #tpu.memory_space<vmem>>) offsets(%arg8 : memref<64xi32, #tpu.memory_space<vmem>>) semaphore(%arg20 : memref<!tpu.dma_semaphore, #tpu.memory_space<semaphore_mem>>)
      %dma_wait3A_78 = arith.constant 0 : i32
      %dma_wait3A_79 = arith.constant 0 : i32
      %dma_wait3A_80 = tpu.memref_slice %arg2[%dma_wait3A_78, %dma_wait3A_79] : memref<10000x128xf32, #tpu.memory_space<hbm>> -> memref<10000x128xf32, #tpu.memory_space<hbm>>
      tpu.wait_indirect_dma semaphore(%arg21 : memref<!tpu.dma_semaphore, #tpu.memory_space<semaphore_mem>>) src(%dma_wait3A_80 : memref<10000x128xf32, #tpu.memory_space<hbm>>) dst(%arg17 : memref<64x128xf32, #tpu.memory_space<vmem>>)
      "tpu.region"() ({
        %run_scoped3A = tpu.sem_alloc : memref<!tpu.dma_semaphore, #tpu.memory_space<semaphore_mem>>
        %dma_start3A_123 = arith.constant 0 : i32
        %dma_start3A_124 = arith.constant 0 : i32
        %dma_start3A_125 = tpu.memref_slice %arg7[%dma_start3A_123, %dma_start3A_124] : memref<10240x128xf32, #tpu.memory_space<vmem_shared>> -> memref<10240x128xf32, #tpu.memory_space<vmem_shared>>
        tpu.enqueue_indirect_dma source(%arg17 : memref<64x128xf32, #tpu.memory_space<vmem>>) target(%dma_start3A_125 : memref<10240x128xf32, #tpu.memory_space<vmem_shared>>) offsets(%arg13 : memref<64xi32, #tpu.memory_space<vmem>>) semaphore(%run_scoped3A : memref<!tpu.dma_semaphore, #tpu.memory_space<semaphore_mem>>) {add = true}
        %dma_wait3A_126 = arith.constant 0 : i32
        %dma_wait3A_127 = arith.constant 0 : i32
        %dma_wait3A_128 = tpu.memref_slice %arg7[%dma_wait3A_126, %dma_wait3A_127] : memref<10240x128xf32, #tpu.memory_space<vmem_shared>> -> memref<10240x128xf32, #tpu.memory_space<vmem_shared>>
        tpu.wait_indirect_dma semaphore(%run_scoped3A : memref<!tpu.dma_semaphore, #tpu.memory_space<semaphore_mem>>) src(%arg17 : memref<64x128xf32, #tpu.memory_space<vmem>>) dst(%dma_wait3A_128 : memref<10240x128xf32, #tpu.memory_space<vmem_shared>>)
        tpu.yield
      }) : () -> ()
      %add3A_81 = arith.constant 4 : i32
      %add3A_82 = arith.addi %add3A_62, %add3A_81 : i32
      %add3A_83 = arith.constant 1 : i32
      %add3A_84 = arith.addi %add3A_82, %add3A_83 : i32
      %mul3A_85 = arith.constant 160 : i32
      %mul3A_86 = arith.muli %add3A, %mul3A_85 : i32
      %add3A_87 = arith.addi %mul3A_86, %add3A_84 : i32
      %mul3A_88 = arith.constant 64 : i32
      %mul3A_89 = arith.muli %add3A_87, %mul3A_88 : i32
      "tpu.region"() ({
        %run_scoped3A = tpu.sem_alloc : memref<!tpu.dma_semaphore, #tpu.memory_space<semaphore_mem>>
        %dma_start3A_123 = tpu.memref_slice %arg3[%mul3A_89] : memref<327680xi32, #tpu.memory_space<hbm>> -> memref<64xi32, #tpu.memory_space<hbm>>
        %dma_start3A_124 = tpu.memref_slice %arg3[%mul3A_89] : memref<327680xi32, #tpu.memory_space<hbm>> -> memref<64xi32, #tpu.memory_space<hbm>>
        tpu.enqueue_dma source(%dma_start3A_124 : memref<64xi32, #tpu.memory_space<hbm>>) target(%arg9 : memref<64xi32, #tpu.memory_space<vmem>>) target_semaphore(%run_scoped3A : memref<!tpu.dma_semaphore, #tpu.memory_space<semaphore_mem>>)
        %dma_wait3A_125 = tpu.memref_slice %arg3[%mul3A_89] : memref<327680xi32, #tpu.memory_space<hbm>> -> memref<64xi32, #tpu.memory_space<hbm>>
        %dma_wait3A_126 = tpu.memref_slice %arg3[%mul3A_89] : memref<327680xi32, #tpu.memory_space<hbm>> -> memref<64xi32, #tpu.memory_space<hbm>>
        tpu.wait_dma2 semaphore(%run_scoped3A : memref<!tpu.dma_semaphore, #tpu.memory_space<semaphore_mem>>) src(%dma_wait3A_126 : memref<64xi32, #tpu.memory_space<hbm>>) dst(%arg9 : memref<64xi32, #tpu.memory_space<vmem>>)
        tpu.yield
      }) : () -> ()
      "tpu.region"() ({
        %run_scoped3A = tpu.sem_alloc : memref<!tpu.dma_semaphore, #tpu.memory_space<semaphore_mem>>
        %dma_start3A_123 = tpu.memref_slice %arg4[%mul3A_89] : memref<327680xi32, #tpu.memory_space<hbm>> -> memref<64xi32, #tpu.memory_space<hbm>>
        %dma_start3A_124 = tpu.memref_slice %arg4[%mul3A_89] : memref<327680xi32, #tpu.memory_space<hbm>> -> memref<64xi32, #tpu.memory_space<hbm>>
        tpu.enqueue_dma source(%dma_start3A_124 : memref<64xi32, #tpu.memory_space<hbm>>) target(%arg13 : memref<64xi32, #tpu.memory_space<vmem>>) target_semaphore(%run_scoped3A : memref<!tpu.dma_semaphore, #tpu.memory_space<semaphore_mem>>)
        %dma_wait3A_125 = tpu.memref_slice %arg4[%mul3A_89] : memref<327680xi32, #tpu.memory_space<hbm>> -> memref<64xi32, #tpu.memory_space<hbm>>
        %dma_wait3A_126 = tpu.memref_slice %arg4[%mul3A_89] : memref<327680xi32, #tpu.memory_space<hbm>> -> memref<64xi32, #tpu.memory_space<hbm>>
        tpu.wait_dma2 semaphore(%run_scoped3A : memref<!tpu.dma_semaphore, #tpu.memory_space<semaphore_mem>>) src(%dma_wait3A_126 : memref<64xi32, #tpu.memory_space<hbm>>) dst(%arg13 : memref<64xi32, #tpu.memory_space<vmem>>)
        tpu.yield
      }) : () -> ()
      %dma_start3A_90 = arith.constant 0 : i32
      %dma_start3A_91 = arith.constant 0 : i32
      %dma_start3A_92 = tpu.memref_slice %arg2[%dma_start3A_90, %dma_start3A_91] : memref<10000x128xf32, #tpu.memory_space<hbm>> -> memref<10000x128xf32, #tpu.memory_space<hbm>>
      tpu.enqueue_indirect_dma source(%dma_start3A_92 : memref<10000x128xf32, #tpu.memory_space<hbm>>) target(%arg17 : memref<64x128xf32, #tpu.memory_space<vmem>>) offsets(%arg9 : memref<64xi32, #tpu.memory_space<vmem>>) semaphore(%arg21 : memref<!tpu.dma_semaphore, #tpu.memory_space<semaphore_mem>>)
      %dma_wait3A_93 = arith.constant 0 : i32
      %dma_wait3A_94 = arith.constant 0 : i32
      %dma_wait3A_95 = tpu.memref_slice %arg2[%dma_wait3A_93, %dma_wait3A_94] : memref<10000x128xf32, #tpu.memory_space<hbm>> -> memref<10000x128xf32, #tpu.memory_space<hbm>>
      tpu.wait_indirect_dma semaphore(%arg22 : memref<!tpu.dma_semaphore, #tpu.memory_space<semaphore_mem>>) src(%dma_wait3A_95 : memref<10000x128xf32, #tpu.memory_space<hbm>>) dst(%arg18 : memref<64x128xf32, #tpu.memory_space<vmem>>)
      "tpu.region"() ({
        %run_scoped3A = tpu.sem_alloc : memref<!tpu.dma_semaphore, #tpu.memory_space<semaphore_mem>>
        %dma_start3A_123 = arith.constant 0 : i32
        %dma_start3A_124 = arith.constant 0 : i32
        %dma_start3A_125 = tpu.memref_slice %arg7[%dma_start3A_123, %dma_start3A_124] : memref<10240x128xf32, #tpu.memory_space<vmem_shared>> -> memref<10240x128xf32, #tpu.memory_space<vmem_shared>>
        tpu.enqueue_indirect_dma source(%arg18 : memref<64x128xf32, #tpu.memory_space<vmem>>) target(%dma_start3A_125 : memref<10240x128xf32, #tpu.memory_space<vmem_shared>>) offsets(%arg14 : memref<64xi32, #tpu.memory_space<vmem>>) semaphore(%run_scoped3A : memref<!tpu.dma_semaphore, #tpu.memory_space<semaphore_mem>>) {add = true}
        %dma_wait3A_126 = arith.constant 0 : i32
        %dma_wait3A_127 = arith.constant 0 : i32
        %dma_wait3A_128 = tpu.memref_slice %arg7[%dma_wait3A_126, %dma_wait3A_127] : memref<10240x128xf32, #tpu.memory_space<vmem_shared>> -> memref<10240x128xf32, #tpu.memory_space<vmem_shared>>
        tpu.wait_indirect_dma semaphore(%run_scoped3A : memref<!tpu.dma_semaphore, #tpu.memory_space<semaphore_mem>>) src(%arg18 : memref<64x128xf32, #tpu.memory_space<vmem>>) dst(%dma_wait3A_128 : memref<10240x128xf32, #tpu.memory_space<vmem_shared>>)
        tpu.yield
      }) : () -> ()
      %add3A_96 = arith.constant 4 : i32
      %add3A_97 = arith.addi %add3A_62, %add3A_96 : i32
      %add3A_98 = arith.constant 2 : i32
      %add3A_99 = arith.addi %add3A_97, %add3A_98 : i32
      %mul3A_100 = arith.constant 160 : i32
      %mul3A_101 = arith.muli %add3A, %mul3A_100 : i32
      %add3A_102 = arith.addi %mul3A_101, %add3A_99 : i32
      %mul3A_103 = arith.constant 64 : i32
      %mul3A_104 = arith.muli %add3A_102, %mul3A_103 : i32
      "tpu.region"() ({
        %run_scoped3A = tpu.sem_alloc : memref<!tpu.dma_semaphore, #tpu.memory_space<semaphore_mem>>
        %dma_start3A_123 = tpu.memref_slice %arg3[%mul3A_104] : memref<327680xi32, #tpu.memory_space<hbm>> -> memref<64xi32, #tpu.memory_space<hbm>>
        %dma_start3A_124 = tpu.memref_slice %arg3[%mul3A_104] : memref<327680xi32, #tpu.memory_space<hbm>> -> memref<64xi32, #tpu.memory_space<hbm>>
        tpu.enqueue_dma source(%dma_start3A_124 : memref<64xi32, #tpu.memory_space<hbm>>) target(%arg10 : memref<64xi32, #tpu.memory_space<vmem>>) target_semaphore(%run_scoped3A : memref<!tpu.dma_semaphore, #tpu.memory_space<semaphore_mem>>)
        %dma_wait3A_125 = tpu.memref_slice %arg3[%mul3A_104] : memref<327680xi32, #tpu.memory_space<hbm>> -> memref<64xi32, #tpu.memory_space<hbm>>
        %dma_wait3A_126 = tpu.memref_slice %arg3[%mul3A_104] : memref<327680xi32, #tpu.memory_space<hbm>> -> memref<64xi32, #tpu.memory_space<hbm>>
        tpu.wait_dma2 semaphore(%run_scoped3A : memref<!tpu.dma_semaphore, #tpu.memory_space<semaphore_mem>>) src(%dma_wait3A_126 : memref<64xi32, #tpu.memory_space<hbm>>) dst(%arg10 : memref<64xi32, #tpu.memory_space<vmem>>)
        tpu.yield
      }) : () -> ()
      "tpu.region"() ({
        %run_scoped3A = tpu.sem_alloc : memref<!tpu.dma_semaphore, #tpu.memory_space<semaphore_mem>>
        %dma_start3A_123 = tpu.memref_slice %arg4[%mul3A_104] : memref<327680xi32, #tpu.memory_space<hbm>> -> memref<64xi32, #tpu.memory_space<hbm>>
        %dma_start3A_124 = tpu.memref_slice %arg4[%mul3A_104] : memref<327680xi32, #tpu.memory_space<hbm>> -> memref<64xi32, #tpu.memory_space<hbm>>
        tpu.enqueue_dma source(%dma_start3A_124 : memref<64xi32, #tpu.memory_space<hbm>>) target(%arg14 : memref<64xi32, #tpu.memory_space<vmem>>) target_semaphore(%run_scoped3A : memref<!tpu.dma_semaphore, #tpu.memory_space<semaphore_mem>>)
        %dma_wait3A_125 = tpu.memref_slice %arg4[%mul3A_104] : memref<327680xi32, #tpu.memory_space<hbm>> -> memref<64xi32, #tpu.memory_space<hbm>>
        %dma_wait3A_126 = tpu.memref_slice %arg4[%mul3A_104] : memref<327680xi32, #tpu.memory_space<hbm>> -> memref<64xi32, #tpu.memory_space<hbm>>
        tpu.wait_dma2 semaphore(%run_scoped3A : memref<!tpu.dma_semaphore, #tpu.memory_space<semaphore_mem>>) src(%dma_wait3A_126 : memref<64xi32, #tpu.memory_space<hbm>>) dst(%arg14 : memref<64xi32, #tpu.memory_space<vmem>>)
        tpu.yield
      }) : () -> ()
      %dma_start3A_105 = arith.constant 0 : i32
      %dma_start3A_106 = arith.constant 0 : i32
      %dma_start3A_107 = tpu.memref_slice %arg2[%dma_start3A_105, %dma_start3A_106] : memref<10000x128xf32, #tpu.memory_space<hbm>> -> memref<10000x128xf32, #tpu.memory_space<hbm>>
      tpu.enqueue_indirect_dma source(%dma_start3A_107 : memref<10000x128xf32, #tpu.memory_space<hbm>>) target(%arg18 : memref<64x128xf32, #tpu.memory_space<vmem>>) offsets(%arg10 : memref<64xi32, #tpu.memory_space<vmem>>) semaphore(%arg22 : memref<!tpu.dma_semaphore, #tpu.memory_space<semaphore_mem>>)
      %dma_wait3A_108 = arith.constant 0 : i32
      %dma_wait3A_109 = arith.constant 0 : i32
      %dma_wait3A_110 = tpu.memref_slice %arg2[%dma_wait3A_108, %dma_wait3A_109] : memref<10000x128xf32, #tpu.memory_space<hbm>> -> memref<10000x128xf32, #tpu.memory_space<hbm>>
      tpu.wait_indirect_dma semaphore(%arg23 : memref<!tpu.dma_semaphore, #tpu.memory_space<semaphore_mem>>) src(%dma_wait3A_110 : memref<10000x128xf32, #tpu.memory_space<hbm>>) dst(%arg19 : memref<64x128xf32, #tpu.memory_space<vmem>>)
      "tpu.region"() ({
        %run_scoped3A = tpu.sem_alloc : memref<!tpu.dma_semaphore, #tpu.memory_space<semaphore_mem>>
        %dma_start3A_123 = arith.constant 0 : i32
        %dma_start3A_124 = arith.constant 0 : i32
        %dma_start3A_125 = tpu.memref_slice %arg7[%dma_start3A_123, %dma_start3A_124] : memref<10240x128xf32, #tpu.memory_space<vmem_shared>> -> memref<10240x128xf32, #tpu.memory_space<vmem_shared>>
        tpu.enqueue_indirect_dma source(%arg19 : memref<64x128xf32, #tpu.memory_space<vmem>>) target(%dma_start3A_125 : memref<10240x128xf32, #tpu.memory_space<vmem_shared>>) offsets(%arg15 : memref<64xi32, #tpu.memory_space<vmem>>) semaphore(%run_scoped3A : memref<!tpu.dma_semaphore, #tpu.memory_space<semaphore_mem>>) {add = true}
        %dma_wait3A_126 = arith.constant 0 : i32
        %dma_wait3A_127 = arith.constant 0 : i32
        %dma_wait3A_128 = tpu.memref_slice %arg7[%dma_wait3A_126, %dma_wait3A_127] : memref<10240x128xf32, #tpu.memory_space<vmem_shared>> -> memref<10240x128xf32, #tpu.memory_space<vmem_shared>>
        tpu.wait_indirect_dma semaphore(%run_scoped3A : memref<!tpu.dma_semaphore, #tpu.memory_space<semaphore_mem>>) src(%arg19 : memref<64x128xf32, #tpu.memory_space<vmem>>) dst(%dma_wait3A_128 : memref<10240x128xf32, #tpu.memory_space<vmem_shared>>)
        tpu.yield
      }) : () -> ()
      %add3A_111 = arith.constant 4 : i32
      %add3A_112 = arith.addi %add3A_62, %add3A_111 : i32
      %add3A_113 = arith.constant 3 : i32
      %add3A_114 = arith.addi %add3A_112, %add3A_113 : i32
      %mul3A_115 = arith.constant 160 : i32
      %mul3A_116 = arith.muli %add3A, %mul3A_115 : i32
      %add3A_117 = arith.addi %mul3A_116, %add3A_114 : i32
      %mul3A_118 = arith.constant 64 : i32
      %mul3A_119 = arith.muli %add3A_117, %mul3A_118 : i32
      "tpu.region"() ({
        %run_scoped3A = tpu.sem_alloc : memref<!tpu.dma_semaphore, #tpu.memory_space<semaphore_mem>>
        %dma_start3A_123 = tpu.memref_slice %arg3[%mul3A_119] : memref<327680xi32, #tpu.memory_space<hbm>> -> memref<64xi32, #tpu.memory_space<hbm>>
        %dma_start3A_124 = tpu.memref_slice %arg3[%mul3A_119] : memref<327680xi32, #tpu.memory_space<hbm>> -> memref<64xi32, #tpu.memory_space<hbm>>
        tpu.enqueue_dma source(%dma_start3A_124 : memref<64xi32, #tpu.memory_space<hbm>>) target(%arg11 : memref<64xi32, #tpu.memory_space<vmem>>) target_semaphore(%run_scoped3A : memref<!tpu.dma_semaphore, #tpu.memory_space<semaphore_mem>>)
        %dma_wait3A_125 = tpu.memref_slice %arg3[%mul3A_119] : memref<327680xi32, #tpu.memory_space<hbm>> -> memref<64xi32, #tpu.memory_space<hbm>>
        %dma_wait3A_126 = tpu.memref_slice %arg3[%mul3A_119] : memref<327680xi32, #tpu.memory_space<hbm>> -> memref<64xi32, #tpu.memory_space<hbm>>
        tpu.wait_dma2 semaphore(%run_scoped3A : memref<!tpu.dma_semaphore, #tpu.memory_space<semaphore_mem>>) src(%dma_wait3A_126 : memref<64xi32, #tpu.memory_space<hbm>>) dst(%arg11 : memref<64xi32, #tpu.memory_space<vmem>>)
        tpu.yield
      }) : () -> ()
      "tpu.region"() ({
        %run_scoped3A = tpu.sem_alloc : memref<!tpu.dma_semaphore, #tpu.memory_space<semaphore_mem>>
        %dma_start3A_123 = tpu.memref_slice %arg4[%mul3A_119] : memref<327680xi32, #tpu.memory_space<hbm>> -> memref<64xi32, #tpu.memory_space<hbm>>
        %dma_start3A_124 = tpu.memref_slice %arg4[%mul3A_119] : memref<327680xi32, #tpu.memory_space<hbm>> -> memref<64xi32, #tpu.memory_space<hbm>>
        tpu.enqueue_dma source(%dma_start3A_124 : memref<64xi32, #tpu.memory_space<hbm>>) target(%arg15 : memref<64xi32, #tpu.memory_space<vmem>>) target_semaphore(%run_scoped3A : memref<!tpu.dma_semaphore, #tpu.memory_space<semaphore_mem>>)
        %dma_wait3A_125 = tpu.memref_slice %arg4[%mul3A_119] : memref<327680xi32, #tpu.memory_space<hbm>> -> memref<64xi32, #tpu.memory_space<hbm>>
        %dma_wait3A_126 = tpu.memref_slice %arg4[%mul3A_119] : memref<327680xi32, #tpu.memory_space<hbm>> -> memref<64xi32, #tpu.memory_space<hbm>>
        tpu.wait_dma2 semaphore(%run_scoped3A : memref<!tpu.dma_semaphore, #tpu.memory_space<semaphore_mem>>) src(%dma_wait3A_126 : memref<64xi32, #tpu.memory_space<hbm>>) dst(%arg15 : memref<64xi32, #tpu.memory_space<vmem>>)
        tpu.yield
      }) : () -> ()
      %dma_start3A_120 = arith.constant 0 : i32
      %dma_start3A_121 = arith.constant 0 : i32
      %dma_start3A_122 = tpu.memref_slice %arg2[%dma_start3A_120, %dma_start3A_121] : memref<10000x128xf32, #tpu.memory_space<hbm>> -> memref<10000x128xf32, #tpu.memory_space<hbm>>
      tpu.enqueue_indirect_dma source(%dma_start3A_122 : memref<10000x128xf32, #tpu.memory_space<hbm>>) target(%arg19 : memref<64x128xf32, #tpu.memory_space<vmem>>) offsets(%arg11 : memref<64xi32, #tpu.memory_space<vmem>>) semaphore(%arg23 : memref<!tpu.dma_semaphore, #tpu.memory_space<semaphore_mem>>)
    }
    %scan3A_41 = arith.constant 39 : i32
    %dma_wait3A = arith.constant 0 : i32
    %dma_wait3A_42 = arith.constant 0 : i32
    %dma_wait3A_43 = tpu.memref_slice %arg2[%dma_wait3A, %dma_wait3A_42] : memref<10000x128xf32, #tpu.memory_space<hbm>> -> memref<10000x128xf32, #tpu.memory_space<hbm>>
    tpu.wait_indirect_dma semaphore(%arg20 : memref<!tpu.dma_semaphore, #tpu.memory_space<semaphore_mem>>) src(%dma_wait3A_43 : memref<10000x128xf32, #tpu.memory_space<hbm>>) dst(%arg16 : memref<64x128xf32, #tpu.memory_space<vmem>>)
    "tpu.region"() ({
      %run_scoped3A = tpu.sem_alloc : memref<!tpu.dma_semaphore, #tpu.memory_space<semaphore_mem>>
      %dma_start3A_58 = arith.constant 0 : i32
      %dma_start3A_59 = arith.constant 0 : i32
      %dma_start3A_60 = tpu.memref_slice %arg7[%dma_start3A_58, %dma_start3A_59] : memref<10240x128xf32, #tpu.memory_space<vmem_shared>> -> memref<10240x128xf32, #tpu.memory_space<vmem_shared>>
      tpu.enqueue_indirect_dma source(%arg16 : memref<64x128xf32, #tpu.memory_space<vmem>>) target(%dma_start3A_60 : memref<10240x128xf32, #tpu.memory_space<vmem_shared>>) offsets(%arg12 : memref<64xi32, #tpu.memory_space<vmem>>) semaphore(%run_scoped3A : memref<!tpu.dma_semaphore, #tpu.memory_space<semaphore_mem>>) {add = true}
      %dma_wait3A_61 = arith.constant 0 : i32
      %dma_wait3A_62 = arith.constant 0 : i32
      %dma_wait3A_63 = tpu.memref_slice %arg7[%dma_wait3A_61, %dma_wait3A_62] : memref<10240x128xf32, #tpu.memory_space<vmem_shared>> -> memref<10240x128xf32, #tpu.memory_space<vmem_shared>>
      tpu.wait_indirect_dma semaphore(%run_scoped3A : memref<!tpu.dma_semaphore, #tpu.memory_space<semaphore_mem>>) src(%arg16 : memref<64x128xf32, #tpu.memory_space<vmem>>) dst(%dma_wait3A_63 : memref<10240x128xf32, #tpu.memory_space<vmem_shared>>)
      tpu.yield
    }) : () -> ()
    %dma_wait3A_44 = arith.constant 0 : i32
    %dma_wait3A_45 = arith.constant 0 : i32
    %dma_wait3A_46 = tpu.memref_slice %arg2[%dma_wait3A_44, %dma_wait3A_45] : memref<10000x128xf32, #tpu.memory_space<hbm>> -> memref<10000x128xf32, #tpu.memory_space<hbm>>
    tpu.wait_indirect_dma semaphore(%arg21 : memref<!tpu.dma_semaphore, #tpu.memory_space<semaphore_mem>>) src(%dma_wait3A_46 : memref<10000x128xf32, #tpu.memory_space<hbm>>) dst(%arg17 : memref<64x128xf32, #tpu.memory_space<vmem>>)
    "tpu.region"() ({
      %run_scoped3A = tpu.sem_alloc : memref<!tpu.dma_semaphore, #tpu.memory_space<semaphore_mem>>
      %dma_start3A_58 = arith.constant 0 : i32
      %dma_start3A_59 = arith.constant 0 : i32
      %dma_start3A_60 = tpu.memref_slice %arg7[%dma_start3A_58, %dma_start3A_59] : memref<10240x128xf32, #tpu.memory_space<vmem_shared>> -> memref<10240x128xf32, #tpu.memory_space<vmem_shared>>
      tpu.enqueue_indirect_dma source(%arg17 : memref<64x128xf32, #tpu.memory_space<vmem>>) target(%dma_start3A_60 : memref<10240x128xf32, #tpu.memory_space<vmem_shared>>) offsets(%arg13 : memref<64xi32, #tpu.memory_space<vmem>>) semaphore(%run_scoped3A : memref<!tpu.dma_semaphore, #tpu.memory_space<semaphore_mem>>) {add = true}
      %dma_wait3A_61 = arith.constant 0 : i32
      %dma_wait3A_62 = arith.constant 0 : i32
      %dma_wait3A_63 = tpu.memref_slice %arg7[%dma_wait3A_61, %dma_wait3A_62] : memref<10240x128xf32, #tpu.memory_space<vmem_shared>> -> memref<10240x128xf32, #tpu.memory_space<vmem_shared>>
      tpu.wait_indirect_dma semaphore(%run_scoped3A : memref<!tpu.dma_semaphore, #tpu.memory_space<semaphore_mem>>) src(%arg17 : memref<64x128xf32, #tpu.memory_space<vmem>>) dst(%dma_wait3A_63 : memref<10240x128xf32, #tpu.memory_space<vmem_shared>>)
      tpu.yield
    }) : () -> ()
    %dma_wait3A_47 = arith.constant 0 : i32
    %dma_wait3A_48 = arith.constant 0 : i32
    %dma_wait3A_49 = tpu.memref_slice %arg2[%dma_wait3A_47, %dma_wait3A_48] : memref<10000x128xf32, #tpu.memory_space<hbm>> -> memref<10000x128xf32, #tpu.memory_space<hbm>>
    tpu.wait_indirect_dma semaphore(%arg22 : memref<!tpu.dma_semaphore, #tpu.memory_space<semaphore_mem>>) src(%dma_wait3A_49 : memref<10000x128xf32, #tpu.memory_space<hbm>>) dst(%arg18 : memref<64x128xf32, #tpu.memory_space<vmem>>)
    "tpu.region"() ({
      %run_scoped3A = tpu.sem_alloc : memref<!tpu.dma_semaphore, #tpu.memory_space<semaphore_mem>>
      %dma_start3A_58 = arith.constant 0 : i32
      %dma_start3A_59 = arith.constant 0 : i32
      %dma_start3A_60 = tpu.memref_slice %arg7[%dma_start3A_58, %dma_start3A_59] : memref<10240x128xf32, #tpu.memory_space<vmem_shared>> -> memref<10240x128xf32, #tpu.memory_space<vmem_shared>>
      tpu.enqueue_indirect_dma source(%arg18 : memref<64x128xf32, #tpu.memory_space<vmem>>) target(%dma_start3A_60 : memref<10240x128xf32, #tpu.memory_space<vmem_shared>>) offsets(%arg14 : memref<64xi32, #tpu.memory_space<vmem>>) semaphore(%run_scoped3A : memref<!tpu.dma_semaphore, #tpu.memory_space<semaphore_mem>>) {add = true}
      %dma_wait3A_61 = arith.constant 0 : i32
      %dma_wait3A_62 = arith.constant 0 : i32
      %dma_wait3A_63 = tpu.memref_slice %arg7[%dma_wait3A_61, %dma_wait3A_62] : memref<10240x128xf32, #tpu.memory_space<vmem_shared>> -> memref<10240x128xf32, #tpu.memory_space<vmem_shared>>
      tpu.wait_indirect_dma semaphore(%run_scoped3A : memref<!tpu.dma_semaphore, #tpu.memory_space<semaphore_mem>>) src(%arg18 : memref<64x128xf32, #tpu.memory_space<vmem>>) dst(%dma_wait3A_63 : memref<10240x128xf32, #tpu.memory_space<vmem_shared>>)
      tpu.yield
    }) : () -> ()
    %dma_wait3A_50 = arith.constant 0 : i32
    %dma_wait3A_51 = arith.constant 0 : i32
    %dma_wait3A_52 = tpu.memref_slice %arg2[%dma_wait3A_50, %dma_wait3A_51] : memref<10000x128xf32, #tpu.memory_space<hbm>> -> memref<10000x128xf32, #tpu.memory_space<hbm>>
    tpu.wait_indirect_dma semaphore(%arg23 : memref<!tpu.dma_semaphore, #tpu.memory_space<semaphore_mem>>) src(%dma_wait3A_52 : memref<10000x128xf32, #tpu.memory_space<hbm>>) dst(%arg19 : memref<64x128xf32, #tpu.memory_space<vmem>>)
    "tpu.region"() ({
      %run_scoped3A = tpu.sem_alloc : memref<!tpu.dma_semaphore, #tpu.memory_space<semaphore_mem>>
      %dma_start3A_58 = arith.constant 0 : i32
      %dma_start3A_59 = arith.constant 0 : i32
      %dma_start3A_60 = tpu.memref_slice %arg7[%dma_start3A_58, %dma_start3A_59] : memref<10240x128xf32, #tpu.memory_space<vmem_shared>> -> memref<10240x128xf32, #tpu.memory_space<vmem_shared>>
      tpu.enqueue_indirect_dma source(%arg19 : memref<64x128xf32, #tpu.memory_space<vmem>>) target(%dma_start3A_60 : memref<10240x128xf32, #tpu.memory_space<vmem_shared>>) offsets(%arg15 : memref<64xi32, #tpu.memory_space<vmem>>) semaphore(%run_scoped3A : memref<!tpu.dma_semaphore, #tpu.memory_space<semaphore_mem>>) {add = true}
      %dma_wait3A_61 = arith.constant 0 : i32
      %dma_wait3A_62 = arith.constant 0 : i32
      %dma_wait3A_63 = tpu.memref_slice %arg7[%dma_wait3A_61, %dma_wait3A_62] : memref<10240x128xf32, #tpu.memory_space<vmem_shared>> -> memref<10240x128xf32, #tpu.memory_space<vmem_shared>>
      tpu.wait_indirect_dma semaphore(%run_scoped3A : memref<!tpu.dma_semaphore, #tpu.memory_space<semaphore_mem>>) src(%arg19 : memref<64x128xf32, #tpu.memory_space<vmem>>) dst(%dma_wait3A_63 : memref<10240x128xf32, #tpu.memory_space<vmem_shared>>)
      tpu.yield
    }) : () -> ()
    %barrier3A_53 = arith.constant 0 : index
    tpu.barrier barrier_id(%barrier3A_53)
    %mul3A_54 = arith.constant 640 : i32
    %mul3A_55 = arith.muli %arg1, %mul3A_54 : i32
    %mul3A_56 = arith.constant 640 : i32
    %mul3A_57 = arith.muli %arg1, %mul3A_56 : i32
    "tpu.region"() ({
      %run_scoped3A = tpu.sem_alloc : memref<!tpu.dma_semaphore, #tpu.memory_space<semaphore_mem>>
      %dma_start3A_58 = arith.constant 0 : i32
      %dma_start3A_59 = tpu.memref_slice %arg6[%arg0, %mul3A_57, %dma_start3A_58] : memref<2x10240x128xf32, #tpu.memory_space<hbm>> -> memref<1x640x128xf32, #tpu.memory_space<hbm>>
      %dma_start3A_60 = tpu.memref_squeeze %dma_start3A_59 : memref<1x640x128xf32, #tpu.memory_space<hbm>> -> memref<640x128xf32, #tpu.memory_space<hbm>>
      %dma_start3A_61 = arith.constant 0 : i32
      %dma_start3A_62 = tpu.memref_slice %arg7[%mul3A_55, %dma_start3A_61] : memref<10240x128xf32, #tpu.memory_space<vmem_shared>> -> memref<640x128xf32, #tpu.memory_space<vmem_shared>>
      tpu.enqueue_dma source(%dma_start3A_62 : memref<640x128xf32, #tpu.memory_space<vmem_shared>>) target(%dma_start3A_60 : memref<640x128xf32, #tpu.memory_space<hbm>>) target_semaphore(%run_scoped3A : memref<!tpu.dma_semaphore, #tpu.memory_space<semaphore_mem>>)
      %dma_wait3A_63 = arith.constant 0 : i32
      %dma_wait3A_64 = tpu.memref_slice %arg6[%arg0, %mul3A_57, %dma_wait3A_63] : memref<2x10240x128xf32, #tpu.memory_space<hbm>> -> memref<1x640x128xf32, #tpu.memory_space<hbm>>
      %dma_wait3A_65 = tpu.memref_squeeze %dma_wait3A_64 : memref<1x640x128xf32, #tpu.memory_space<hbm>> -> memref<640x128xf32, #tpu.memory_space<hbm>>
      %dma_wait3A_66 = arith.constant 0 : i32
      %dma_wait3A_67 = tpu.memref_slice %arg7[%mul3A_55, %dma_wait3A_66] : memref<10240x128xf32, #tpu.memory_space<vmem_shared>> -> memref<640x128xf32, #tpu.memory_space<vmem_shared>>
      tpu.wait_dma2 semaphore(%run_scoped3A : memref<!tpu.dma_semaphore, #tpu.memory_space<semaphore_mem>>) src(%dma_wait3A_67 : memref<640x128xf32, #tpu.memory_space<vmem_shared>>) dst(%dma_wait3A_65 : memref<640x128xf32, #tpu.memory_space<hbm>>)
      tpu.yield
    }) : () -> ()
    return
  }
}

#map = affine_map<(d0, d1) -> (0, 0)>
#map1 = affine_map<(d0, d1) -> (0)>
#map2 = affine_map<(d0, d1) -> (0, 0, 0)>
module attributes {stable_mosaic.version = 14 : i64} {
  func.func @_sc_prop(%arg0: i32, %arg1: i32, %arg2: memref<10000x128xf32, #tpu.memory_space<hbm>>, %arg3: memref<327680xi32, #tpu.memory_space<hbm>>, %arg4: memref<327680xi32, #tpu.memory_space<hbm>>, %arg5: memref<640x128xf32, #tpu.memory_space<hbm>>, %arg6: memref<2x10240x128xf32, #tpu.memory_space<hbm>>, %arg7: memref<10240x128xf32, #tpu.memory_space<vmem_shared>>, %arg8: memref<64xi32, #tpu.memory_space<vmem>>, %arg9: memref<64xi32, #tpu.memory_space<vmem>>, %arg10: memref<64xi32, #tpu.memory_space<vmem>>, %arg11: memref<64xi32, #tpu.memory_space<vmem>>, %arg12: memref<64xi32, #tpu.memory_space<vmem>>, %arg13: memref<64xi32, #tpu.memory_space<vmem>>, %arg14: memref<64xi32, #tpu.memory_space<vmem>>, %arg15: memref<64xi32, #tpu.memory_space<vmem>>, %arg16: memref<64x128xf32, #tpu.memory_space<vmem>>, %arg17: memref<64x128xf32, #tpu.memory_space<vmem>>, %arg18: memref<64x128xf32, #tpu.memory_space<vmem>>, %arg19: memref<64x128xf32, #tpu.memory_space<vmem>>, %arg20: memref<!tpu.dma_semaphore, #tpu.memory_space<semaphore_mem>>, %arg21: memref<!tpu.dma_semaphore, #tpu.memory_space<semaphore_mem>>, %arg22: memref<!tpu.dma_semaphore, #tpu.memory_space<semaphore_mem>>, %arg23: memref<!tpu.dma_semaphore, #tpu.memory_space<semaphore_mem>>, %arg24: memref<!tpu.dma_semaphore, #tpu.memory_space<semaphore_mem>>, %arg25: memref<!tpu.dma_semaphore, #tpu.memory_space<semaphore_mem>>, %arg26: memref<!tpu.dma_semaphore, #tpu.memory_space<semaphore_mem>>, %arg27: memref<!tpu.dma_semaphore, #tpu.memory_space<semaphore_mem>>) attributes {dimension_semantics = [#tpu.dimension_semantics<core_parallel>, #tpu.dimension_semantics<subcore_parallel>], iteration_bounds = array<i64: 2, 16>, scalar_prefetch = 0 : i64, scratch_operands = 21 : i64, tpu.core_type = #tpu.core_type<sc_vector_subcore>, window_params = [{transform_indices = #map}, {transform_indices = #map1}, {transform_indices = #map1}, {transform_indices = #map}, {transform_indices = #map2}]} {
    %mul3A = arith.constant 16 : i32
    %mul3A_0 = arith.muli %arg0, %mul3A : i32
    %add3A = arith.addi %mul3A_0, %arg1 : i32
    %mul3A_1 = arith.constant 640 : i32
    %mul3A_2 = arith.muli %arg1, %mul3A_1 : i32
    "tpu.region"() ({
      %run_scoped3A = tpu.sem_alloc : memref<!tpu.dma_semaphore, #tpu.memory_space<semaphore_mem>>
      %dma_start3A_58 = arith.constant 0 : i32
      %dma_start3A_59 = tpu.memref_slice %arg7[%mul3A_2, %dma_start3A_58] : memref<10240x128xf32, #tpu.memory_space<vmem_shared>> -> memref<640x128xf32, #tpu.memory_space<vmem_shared>>
      tpu.enqueue_dma source(%arg5 : memref<640x128xf32, #tpu.memory_space<hbm>>) target(%dma_start3A_59 : memref<640x128xf32, #tpu.memory_space<vmem_shared>>) target_semaphore(%run_scoped3A : memref<!tpu.dma_semaphore, #tpu.memory_space<semaphore_mem>>)
      %dma_wait3A_60 = arith.constant 0 : i32
      %dma_wait3A_61 = tpu.memref_slice %arg7[%mul3A_2, %dma_wait3A_60] : memref<10240x128xf32, #tpu.memory_space<vmem_shared>> -> memref<640x128xf32, #tpu.memory_space<vmem_shared>>
      tpu.wait_dma2 semaphore(%run_scoped3A : memref<!tpu.dma_semaphore, #tpu.memory_space<semaphore_mem>>) src(%arg5 : memref<640x128xf32, #tpu.memory_space<hbm>>) dst(%dma_wait3A_61 : memref<640x128xf32, #tpu.memory_space<vmem_shared>>)
      tpu.yield
    }) : () -> ()
    %barrier3A = arith.constant 0 : index
    tpu.barrier barrier_id(%barrier3A)
    %mul3A_3 = arith.constant 160 : i32
    %mul3A_4 = arith.muli %add3A, %mul3A_3 : i32
    %add3A_5 = arith.constant 0 : i32
    %add3A_6 = arith.addi %mul3A_4, %add3A_5 : i32
    %mul3A_7 = arith.constant 64 : i32
    %mul3A_8 = arith.muli %add3A_6, %mul3A_7 : i32
    "tpu.region"() ({
      %run_scoped3A = tpu.sem_alloc : memref<!tpu.dma_semaphore, #tpu.memory_space<semaphore_mem>>
      %dma_start3A_58 = tpu.memref_slice %arg3[%mul3A_8] : memref<327680xi32, #tpu.memory_space<hbm>> -> memref<64xi32, #tpu.memory_space<hbm>>
      %dma_start3A_59 = tpu.memref_slice %arg3[%mul3A_8] : memref<327680xi32, #tpu.memory_space<hbm>> -> memref<64xi32, #tpu.memory_space<hbm>>
      tpu.enqueue_dma source(%dma_start3A_59 : memref<64xi32, #tpu.memory_space<hbm>>) target(%arg8 : memref<64xi32, #tpu.memory_space<vmem>>) target_semaphore(%run_scoped3A : memref<!tpu.dma_semaphore, #tpu.memory_space<semaphore_mem>>)
      %dma_wait3A_60 = tpu.memref_slice %arg3[%mul3A_8] : memref<327680xi32, #tpu.memory_space<hbm>> -> memref<64xi32, #tpu.memory_space<hbm>>
      %dma_wait3A_61 = tpu.memref_slice %arg3[%mul3A_8] : memref<327680xi32, #tpu.memory_space<hbm>> -> memref<64xi32, #tpu.memory_space<hbm>>
      tpu.wait_dma2 semaphore(%run_scoped3A : memref<!tpu.dma_semaphore, #tpu.memory_space<semaphore_mem>>) src(%dma_wait3A_61 : memref<64xi32, #tpu.memory_space<hbm>>) dst(%arg8 : memref<64xi32, #tpu.memory_space<vmem>>)
      tpu.yield
    }) : () -> ()
    "tpu.region"() ({
      %run_scoped3A = tpu.sem_alloc : memref<!tpu.dma_semaphore, #tpu.memory_space<semaphore_mem>>
      %dma_start3A_58 = tpu.memref_slice %arg4[%mul3A_8] : memref<327680xi32, #tpu.memory_space<hbm>> -> memref<64xi32, #tpu.memory_space<hbm>>
      %dma_start3A_59 = tpu.memref_slice %arg4[%mul3A_8] : memref<327680xi32, #tpu.memory_space<hbm>> -> memref<64xi32, #tpu.memory_space<hbm>>
      tpu.enqueue_dma source(%dma_start3A_59 : memref<64xi32, #tpu.memory_space<hbm>>) target(%arg12 : memref<64xi32, #tpu.memory_space<vmem>>) target_semaphore(%run_scoped3A : memref<!tpu.dma_semaphore, #tpu.memory_space<semaphore_mem>>)
      %dma_wait3A_60 = tpu.memref_slice %arg4[%mul3A_8] : memref<327680xi32, #tpu.memory_space<hbm>> -> memref<64xi32, #tpu.memory_space<hbm>>
      %dma_wait3A_61 = tpu.memref_slice %arg4[%mul3A_8] : memref<327680xi32, #tpu.memory_space<hbm>> -> memref<64xi32, #tpu.memory_space<hbm>>
      tpu.wait_dma2 semaphore(%run_scoped3A : memref<!tpu.dma_semaphore, #tpu.memory_space<semaphore_mem>>) src(%dma_wait3A_61 : memref<64xi32, #tpu.memory_space<hbm>>) dst(%arg12 : memref<64xi32, #tpu.memory_space<vmem>>)
      tpu.yield
    }) : () -> ()
    %dma_start3A = arith.constant 0 : i32
    %dma_start3A_9 = arith.constant 0 : i32
    %dma_start3A_10 = tpu.memref_slice %arg2[%dma_start3A, %dma_start3A_9] : memref<10000x128xf32, #tpu.memory_space<hbm>> -> memref<10000x128xf32, #tpu.memory_space<hbm>>
    tpu.enqueue_indirect_dma source(%dma_start3A_10 : memref<10000x128xf32, #tpu.memory_space<hbm>>) target(%arg16 : memref<64x128xf32, #tpu.memory_space<vmem>>) offsets(%arg8 : memref<64xi32, #tpu.memory_space<vmem>>) semaphore(%arg20 : memref<!tpu.dma_semaphore, #tpu.memory_space<semaphore_mem>>)
    %mul3A_11 = arith.constant 160 : i32
    %mul3A_12 = arith.muli %add3A, %mul3A_11 : i32
    %add3A_13 = arith.constant 1 : i32
    %add3A_14 = arith.addi %mul3A_12, %add3A_13 : i32
    %mul3A_15 = arith.constant 64 : i32
    %mul3A_16 = arith.muli %add3A_14, %mul3A_15 : i32
    "tpu.region"() ({
      %run_scoped3A = tpu.sem_alloc : memref<!tpu.dma_semaphore, #tpu.memory_space<semaphore_mem>>
      %dma_start3A_58 = tpu.memref_slice %arg3[%mul3A_16] : memref<327680xi32, #tpu.memory_space<hbm>> -> memref<64xi32, #tpu.memory_space<hbm>>
      %dma_start3A_59 = tpu.memref_slice %arg3[%mul3A_16] : memref<327680xi32, #tpu.memory_space<hbm>> -> memref<64xi32, #tpu.memory_space<hbm>>
      tpu.enqueue_dma source(%dma_start3A_59 : memref<64xi32, #tpu.memory_space<hbm>>) target(%arg9 : memref<64xi32, #tpu.memory_space<vmem>>) target_semaphore(%run_scoped3A : memref<!tpu.dma_semaphore, #tpu.memory_space<semaphore_mem>>)
      %dma_wait3A_60 = tpu.memref_slice %arg3[%mul3A_16] : memref<327680xi32, #tpu.memory_space<hbm>> -> memref<64xi32, #tpu.memory_space<hbm>>
      %dma_wait3A_61 = tpu.memref_slice %arg3[%mul3A_16] : memref<327680xi32, #tpu.memory_space<hbm>> -> memref<64xi32, #tpu.memory_space<hbm>>
      tpu.wait_dma2 semaphore(%run_scoped3A : memref<!tpu.dma_semaphore, #tpu.memory_space<semaphore_mem>>) src(%dma_wait3A_61 : memref<64xi32, #tpu.memory_space<hbm>>) dst(%arg9 : memref<64xi32, #tpu.memory_space<vmem>>)
      tpu.yield
    }) : () -> ()
    "tpu.region"() ({
      %run_scoped3A = tpu.sem_alloc : memref<!tpu.dma_semaphore, #tpu.memory_space<semaphore_mem>>
      %dma_start3A_58 = tpu.memref_slice %arg4[%mul3A_16] : memref<327680xi32, #tpu.memory_space<hbm>> -> memref<64xi32, #tpu.memory_space<hbm>>
      %dma_start3A_59 = tpu.memref_slice %arg4[%mul3A_16] : memref<327680xi32, #tpu.memory_space<hbm>> -> memref<64xi32, #tpu.memory_space<hbm>>
      tpu.enqueue_dma source(%dma_start3A_59 : memref<64xi32, #tpu.memory_space<hbm>>) target(%arg13 : memref<64xi32, #tpu.memory_space<vmem>>) target_semaphore(%run_scoped3A : memref<!tpu.dma_semaphore, #tpu.memory_space<semaphore_mem>>)
      %dma_wait3A_60 = tpu.memref_slice %arg4[%mul3A_16] : memref<327680xi32, #tpu.memory_space<hbm>> -> memref<64xi32, #tpu.memory_space<hbm>>
      %dma_wait3A_61 = tpu.memref_slice %arg4[%mul3A_16] : memref<327680xi32, #tpu.memory_space<hbm>> -> memref<64xi32, #tpu.memory_space<hbm>>
      tpu.wait_dma2 semaphore(%run_scoped3A : memref<!tpu.dma_semaphore, #tpu.memory_space<semaphore_mem>>) src(%dma_wait3A_61 : memref<64xi32, #tpu.memory_space<hbm>>) dst(%arg13 : memref<64xi32, #tpu.memory_space<vmem>>)
      tpu.yield
    }) : () -> ()
    %dma_start3A_17 = arith.constant 0 : i32
    %dma_start3A_18 = arith.constant 0 : i32
    %dma_start3A_19 = tpu.memref_slice %arg2[%dma_start3A_17, %dma_start3A_18] : memref<10000x128xf32, #tpu.memory_space<hbm>> -> memref<10000x128xf32, #tpu.memory_space<hbm>>
    tpu.enqueue_indirect_dma source(%dma_start3A_19 : memref<10000x128xf32, #tpu.memory_space<hbm>>) target(%arg17 : memref<64x128xf32, #tpu.memory_space<vmem>>) offsets(%arg9 : memref<64xi32, #tpu.memory_space<vmem>>) semaphore(%arg21 : memref<!tpu.dma_semaphore, #tpu.memory_space<semaphore_mem>>)
    %mul3A_20 = arith.constant 160 : i32
    %mul3A_21 = arith.muli %add3A, %mul3A_20 : i32
    %add3A_22 = arith.constant 2 : i32
    %add3A_23 = arith.addi %mul3A_21, %add3A_22 : i32
    %mul3A_24 = arith.constant 64 : i32
    %mul3A_25 = arith.muli %add3A_23, %mul3A_24 : i32
    "tpu.region"() ({
      %run_scoped3A = tpu.sem_alloc : memref<!tpu.dma_semaphore, #tpu.memory_space<semaphore_mem>>
      %dma_start3A_58 = tpu.memref_slice %arg3[%mul3A_25] : memref<327680xi32, #tpu.memory_space<hbm>> -> memref<64xi32, #tpu.memory_space<hbm>>
      %dma_start3A_59 = tpu.memref_slice %arg3[%mul3A_25] : memref<327680xi32, #tpu.memory_space<hbm>> -> memref<64xi32, #tpu.memory_space<hbm>>
      tpu.enqueue_dma source(%dma_start3A_59 : memref<64xi32, #tpu.memory_space<hbm>>) target(%arg10 : memref<64xi32, #tpu.memory_space<vmem>>) target_semaphore(%run_scoped3A : memref<!tpu.dma_semaphore, #tpu.memory_space<semaphore_mem>>)
      %dma_wait3A_60 = tpu.memref_slice %arg3[%mul3A_25] : memref<327680xi32, #tpu.memory_space<hbm>> -> memref<64xi32, #tpu.memory_space<hbm>>
      %dma_wait3A_61 = tpu.memref_slice %arg3[%mul3A_25] : memref<327680xi32, #tpu.memory_space<hbm>> -> memref<64xi32, #tpu.memory_space<hbm>>
      tpu.wait_dma2 semaphore(%run_scoped3A : memref<!tpu.dma_semaphore, #tpu.memory_space<semaphore_mem>>) src(%dma_wait3A_61 : memref<64xi32, #tpu.memory_space<hbm>>) dst(%arg10 : memref<64xi32, #tpu.memory_space<vmem>>)
      tpu.yield
    }) : () -> ()
    "tpu.region"() ({
      %run_scoped3A = tpu.sem_alloc : memref<!tpu.dma_semaphore, #tpu.memory_space<semaphore_mem>>
      %dma_start3A_58 = tpu.memref_slice %arg4[%mul3A_25] : memref<327680xi32, #tpu.memory_space<hbm>> -> memref<64xi32, #tpu.memory_space<hbm>>
      %dma_start3A_59 = tpu.memref_slice %arg4[%mul3A_25] : memref<327680xi32, #tpu.memory_space<hbm>> -> memref<64xi32, #tpu.memory_space<hbm>>
      tpu.enqueue_dma source(%dma_start3A_59 : memref<64xi32, #tpu.memory_space<hbm>>) target(%arg14 : memref<64xi32, #tpu.memory_space<vmem>>) target_semaphore(%run_scoped3A : memref<!tpu.dma_semaphore, #tpu.memory_space<semaphore_mem>>)
      %dma_wait3A_60 = tpu.memref_slice %arg4[%mul3A_25] : memref<327680xi32, #tpu.memory_space<hbm>> -> memref<64xi32, #tpu.memory_space<hbm>>
      %dma_wait3A_61 = tpu.memref_slice %arg4[%mul3A_25] : memref<327680xi32, #tpu.memory_space<hbm>> -> memref<64xi32, #tpu.memory_space<hbm>>
      tpu.wait_dma2 semaphore(%run_scoped3A : memref<!tpu.dma_semaphore, #tpu.memory_space<semaphore_mem>>) src(%dma_wait3A_61 : memref<64xi32, #tpu.memory_space<hbm>>) dst(%arg14 : memref<64xi32, #tpu.memory_space<vmem>>)
      tpu.yield
    }) : () -> ()
    %dma_start3A_26 = arith.constant 0 : i32
    %dma_start3A_27 = arith.constant 0 : i32
    %dma_start3A_28 = tpu.memref_slice %arg2[%dma_start3A_26, %dma_start3A_27] : memref<10000x128xf32, #tpu.memory_space<hbm>> -> memref<10000x128xf32, #tpu.memory_space<hbm>>
    tpu.enqueue_indirect_dma source(%dma_start3A_28 : memref<10000x128xf32, #tpu.memory_space<hbm>>) target(%arg18 : memref<64x128xf32, #tpu.memory_space<vmem>>) offsets(%arg10 : memref<64xi32, #tpu.memory_space<vmem>>) semaphore(%arg22 : memref<!tpu.dma_semaphore, #tpu.memory_space<semaphore_mem>>)
    %mul3A_29 = arith.constant 160 : i32
    %mul3A_30 = arith.muli %add3A, %mul3A_29 : i32
    %add3A_31 = arith.constant 3 : i32
    %add3A_32 = arith.addi %mul3A_30, %add3A_31 : i32
    %mul3A_33 = arith.constant 64 : i32
    %mul3A_34 = arith.muli %add3A_32, %mul3A_33 : i32
    "tpu.region"() ({
      %run_scoped3A = tpu.sem_alloc : memref<!tpu.dma_semaphore, #tpu.memory_space<semaphore_mem>>
      %dma_start3A_58 = tpu.memref_slice %arg3[%mul3A_34] : memref<327680xi32, #tpu.memory_space<hbm>> -> memref<64xi32, #tpu.memory_space<hbm>>
      %dma_start3A_59 = tpu.memref_slice %arg3[%mul3A_34] : memref<327680xi32, #tpu.memory_space<hbm>> -> memref<64xi32, #tpu.memory_space<hbm>>
      tpu.enqueue_dma source(%dma_start3A_59 : memref<64xi32, #tpu.memory_space<hbm>>) target(%arg11 : memref<64xi32, #tpu.memory_space<vmem>>) target_semaphore(%run_scoped3A : memref<!tpu.dma_semaphore, #tpu.memory_space<semaphore_mem>>)
      %dma_wait3A_60 = tpu.memref_slice %arg3[%mul3A_34] : memref<327680xi32, #tpu.memory_space<hbm>> -> memref<64xi32, #tpu.memory_space<hbm>>
      %dma_wait3A_61 = tpu.memref_slice %arg3[%mul3A_34] : memref<327680xi32, #tpu.memory_space<hbm>> -> memref<64xi32, #tpu.memory_space<hbm>>
      tpu.wait_dma2 semaphore(%run_scoped3A : memref<!tpu.dma_semaphore, #tpu.memory_space<semaphore_mem>>) src(%dma_wait3A_61 : memref<64xi32, #tpu.memory_space<hbm>>) dst(%arg11 : memref<64xi32, #tpu.memory_space<vmem>>)
      tpu.yield
    }) : () -> ()
    "tpu.region"() ({
      %run_scoped3A = tpu.sem_alloc : memref<!tpu.dma_semaphore, #tpu.memory_space<semaphore_mem>>
      %dma_start3A_58 = tpu.memref_slice %arg4[%mul3A_34] : memref<327680xi32, #tpu.memory_space<hbm>> -> memref<64xi32, #tpu.memory_space<hbm>>
      %dma_start3A_59 = tpu.memref_slice %arg4[%mul3A_34] : memref<327680xi32, #tpu.memory_space<hbm>> -> memref<64xi32, #tpu.memory_space<hbm>>
      tpu.enqueue_dma source(%dma_start3A_59 : memref<64xi32, #tpu.memory_space<hbm>>) target(%arg15 : memref<64xi32, #tpu.memory_space<vmem>>) target_semaphore(%run_scoped3A : memref<!tpu.dma_semaphore, #tpu.memory_space<semaphore_mem>>)
      %dma_wait3A_60 = tpu.memref_slice %arg4[%mul3A_34] : memref<327680xi32, #tpu.memory_space<hbm>> -> memref<64xi32, #tpu.memory_space<hbm>>
      %dma_wait3A_61 = tpu.memref_slice %arg4[%mul3A_34] : memref<327680xi32, #tpu.memory_space<hbm>> -> memref<64xi32, #tpu.memory_space<hbm>>
      tpu.wait_dma2 semaphore(%run_scoped3A : memref<!tpu.dma_semaphore, #tpu.memory_space<semaphore_mem>>) src(%dma_wait3A_61 : memref<64xi32, #tpu.memory_space<hbm>>) dst(%arg15 : memref<64xi32, #tpu.memory_space<vmem>>)
      tpu.yield
    }) : () -> ()
    %dma_start3A_35 = arith.constant 0 : i32
    %dma_start3A_36 = arith.constant 0 : i32
    %dma_start3A_37 = tpu.memref_slice %arg2[%dma_start3A_35, %dma_start3A_36] : memref<10000x128xf32, #tpu.memory_space<hbm>> -> memref<10000x128xf32, #tpu.memory_space<hbm>>
    tpu.enqueue_indirect_dma source(%dma_start3A_37 : memref<10000x128xf32, #tpu.memory_space<hbm>>) target(%arg19 : memref<64x128xf32, #tpu.memory_space<vmem>>) offsets(%arg11 : memref<64xi32, #tpu.memory_space<vmem>>) semaphore(%arg23 : memref<!tpu.dma_semaphore, #tpu.memory_space<semaphore_mem>>)
    %scan3A = arith.constant 0 : i32
    %scan3A_38 = arith.constant 39 : i32
    %scan3A_39 = arith.addi %scan3A, %scan3A_38 : i32
    %scan3A_40 = arith.constant 1 : i32
    scf.for %scan3A_58 = %scan3A to %scan3A_39 step %scan3A_40  : i32 {
      %mul3A_59 = arith.constant 4 : i32
      %mul3A_60 = arith.muli %scan3A_58, %mul3A_59 : i32
      %add3A_61 = arith.constant 0 : i32
      %add3A_62 = arith.addi %add3A_61, %mul3A_60 : i32
      %dma_wait3A_63 = arith.constant 0 : i32
      %dma_wait3A_64 = arith.constant 0 : i32
      %dma_wait3A_65 = tpu.memref_slice %arg2[%dma_wait3A_63, %dma_wait3A_64] : memref<10000x128xf32, #tpu.memory_space<hbm>> -> memref<10000x128xf32, #tpu.memory_space<hbm>>
      tpu.wait_indirect_dma semaphore(%arg20 : memref<!tpu.dma_semaphore, #tpu.memory_space<semaphore_mem>>) src(%dma_wait3A_65 : memref<10000x128xf32, #tpu.memory_space<hbm>>) dst(%arg16 : memref<64x128xf32, #tpu.memory_space<vmem>>)
      "tpu.region"() ({
        %run_scoped3A = tpu.sem_alloc : memref<!tpu.dma_semaphore, #tpu.memory_space<semaphore_mem>>
        %dma_start3A_123 = arith.constant 0 : i32
        %dma_start3A_124 = arith.constant 0 : i32
        %dma_start3A_125 = tpu.memref_slice %arg7[%dma_start3A_123, %dma_start3A_124] : memref<10240x128xf32, #tpu.memory_space<vmem_shared>> -> memref<10240x128xf32, #tpu.memory_space<vmem_shared>>
        tpu.enqueue_indirect_dma source(%arg16 : memref<64x128xf32, #tpu.memory_space<vmem>>) target(%dma_start3A_125 : memref<10240x128xf32, #tpu.memory_space<vmem_shared>>) offsets(%arg12 : memref<64xi32, #tpu.memory_space<vmem>>) semaphore(%run_scoped3A : memref<!tpu.dma_semaphore, #tpu.memory_space<semaphore_mem>>) {add = true}
        %dma_wait3A_126 = arith.constant 0 : i32
        %dma_wait3A_127 = arith.constant 0 : i32
        %dma_wait3A_128 = tpu.memref_slice %arg7[%dma_wait3A_126, %dma_wait3A_127] : memref<10240x128xf32, #tpu.memory_space<vmem_shared>> -> memref<10240x128xf32, #tpu.memory_space<vmem_shared>>
        tpu.wait_indirect_dma semaphore(%run_scoped3A : memref<!tpu.dma_semaphore, #tpu.memory_space<semaphore_mem>>) src(%arg16 : memref<64x128xf32, #tpu.memory_space<vmem>>) dst(%dma_wait3A_128 : memref<10240x128xf32, #tpu.memory_space<vmem_shared>>)
        tpu.yield
      }) : () -> ()
      %add3A_66 = arith.constant 4 : i32
      %add3A_67 = arith.addi %add3A_62, %add3A_66 : i32
      %add3A_68 = arith.constant 0 : i32
      %add3A_69 = arith.addi %add3A_67, %add3A_68 : i32
      %mul3A_70 = arith.constant 160 : i32
      %mul3A_71 = arith.muli %add3A, %mul3A_70 : i32
      %add3A_72 = arith.addi %mul3A_71, %add3A_69 : i32
      %mul3A_73 = arith.constant 64 : i32
      %mul3A_74 = arith.muli %add3A_72, %mul3A_73 : i32
      "tpu.region"() ({
        %run_scoped3A = tpu.sem_alloc : memref<!tpu.dma_semaphore, #tpu.memory_space<semaphore_mem>>
        %dma_start3A_123 = tpu.memref_slice %arg3[%mul3A_74] : memref<327680xi32, #tpu.memory_space<hbm>> -> memref<64xi32, #tpu.memory_space<hbm>>
        %dma_start3A_124 = tpu.memref_slice %arg3[%mul3A_74] : memref<327680xi32, #tpu.memory_space<hbm>> -> memref<64xi32, #tpu.memory_space<hbm>>
        tpu.enqueue_dma source(%dma_start3A_124 : memref<64xi32, #tpu.memory_space<hbm>>) target(%arg8 : memref<64xi32, #tpu.memory_space<vmem>>) target_semaphore(%run_scoped3A : memref<!tpu.dma_semaphore, #tpu.memory_space<semaphore_mem>>)
        %dma_wait3A_125 = tpu.memref_slice %arg3[%mul3A_74] : memref<327680xi32, #tpu.memory_space<hbm>> -> memref<64xi32, #tpu.memory_space<hbm>>
        %dma_wait3A_126 = tpu.memref_slice %arg3[%mul3A_74] : memref<327680xi32, #tpu.memory_space<hbm>> -> memref<64xi32, #tpu.memory_space<hbm>>
        tpu.wait_dma2 semaphore(%run_scoped3A : memref<!tpu.dma_semaphore, #tpu.memory_space<semaphore_mem>>) src(%dma_wait3A_126 : memref<64xi32, #tpu.memory_space<hbm>>) dst(%arg8 : memref<64xi32, #tpu.memory_space<vmem>>)
        tpu.yield
      }) : () -> ()
      "tpu.region"() ({
        %run_scoped3A = tpu.sem_alloc : memref<!tpu.dma_semaphore, #tpu.memory_space<semaphore_mem>>
        %dma_start3A_123 = tpu.memref_slice %arg4[%mul3A_74] : memref<327680xi32, #tpu.memory_space<hbm>> -> memref<64xi32, #tpu.memory_space<hbm>>
        %dma_start3A_124 = tpu.memref_slice %arg4[%mul3A_74] : memref<327680xi32, #tpu.memory_space<hbm>> -> memref<64xi32, #tpu.memory_space<hbm>>
        tpu.enqueue_dma source(%dma_start3A_124 : memref<64xi32, #tpu.memory_space<hbm>>) target(%arg12 : memref<64xi32, #tpu.memory_space<vmem>>) target_semaphore(%run_scoped3A : memref<!tpu.dma_semaphore, #tpu.memory_space<semaphore_mem>>)
        %dma_wait3A_125 = tpu.memref_slice %arg4[%mul3A_74] : memref<327680xi32, #tpu.memory_space<hbm>> -> memref<64xi32, #tpu.memory_space<hbm>>
        %dma_wait3A_126 = tpu.memref_slice %arg4[%mul3A_74] : memref<327680xi32, #tpu.memory_space<hbm>> -> memref<64xi32, #tpu.memory_space<hbm>>
        tpu.wait_dma2 semaphore(%run_scoped3A : memref<!tpu.dma_semaphore, #tpu.memory_space<semaphore_mem>>) src(%dma_wait3A_126 : memref<64xi32, #tpu.memory_space<hbm>>) dst(%arg12 : memref<64xi32, #tpu.memory_space<vmem>>)
        tpu.yield
      }) : () -> ()
      %dma_start3A_75 = arith.constant 0 : i32
      %dma_start3A_76 = arith.constant 0 : i32
      %dma_start3A_77 = tpu.memref_slice %arg2[%dma_start3A_75, %dma_start3A_76] : memref<10000x128xf32, #tpu.memory_space<hbm>> -> memref<10000x128xf32, #tpu.memory_space<hbm>>
      tpu.enqueue_indirect_dma source(%dma_start3A_77 : memref<10000x128xf32, #tpu.memory_space<hbm>>) target(%arg16 : memref<64x128xf32, #tpu.memory_space<vmem>>) offsets(%arg8 : memref<64xi32, #tpu.memory_space<vmem>>) semaphore(%arg20 : memref<!tpu.dma_semaphore, #tpu.memory_space<semaphore_mem>>)
      %dma_wait3A_78 = arith.constant 0 : i32
      %dma_wait3A_79 = arith.constant 0 : i32
      %dma_wait3A_80 = tpu.memref_slice %arg2[%dma_wait3A_78, %dma_wait3A_79] : memref<10000x128xf32, #tpu.memory_space<hbm>> -> memref<10000x128xf32, #tpu.memory_space<hbm>>
      tpu.wait_indirect_dma semaphore(%arg21 : memref<!tpu.dma_semaphore, #tpu.memory_space<semaphore_mem>>) src(%dma_wait3A_80 : memref<10000x128xf32, #tpu.memory_space<hbm>>) dst(%arg17 : memref<64x128xf32, #tpu.memory_space<vmem>>)
      "tpu.region"() ({
        %run_scoped3A = tpu.sem_alloc : memref<!tpu.dma_semaphore, #tpu.memory_space<semaphore_mem>>
        %dma_start3A_123 = arith.constant 0 : i32
        %dma_start3A_124 = arith.constant 0 : i32
        %dma_start3A_125 = tpu.memref_slice %arg7[%dma_start3A_123, %dma_start3A_124] : memref<10240x128xf32, #tpu.memory_space<vmem_shared>> -> memref<10240x128xf32, #tpu.memory_space<vmem_shared>>
        tpu.enqueue_indirect_dma source(%arg17 : memref<64x128xf32, #tpu.memory_space<vmem>>) target(%dma_start3A_125 : memref<10240x128xf32, #tpu.memory_space<vmem_shared>>) offsets(%arg13 : memref<64xi32, #tpu.memory_space<vmem>>) semaphore(%run_scoped3A : memref<!tpu.dma_semaphore, #tpu.memory_space<semaphore_mem>>) {add = true}
        %dma_wait3A_126 = arith.constant 0 : i32
        %dma_wait3A_127 = arith.constant 0 : i32
        %dma_wait3A_128 = tpu.memref_slice %arg7[%dma_wait3A_126, %dma_wait3A_127] : memref<10240x128xf32, #tpu.memory_space<vmem_shared>> -> memref<10240x128xf32, #tpu.memory_space<vmem_shared>>
        tpu.wait_indirect_dma semaphore(%run_scoped3A : memref<!tpu.dma_semaphore, #tpu.memory_space<semaphore_mem>>) src(%arg17 : memref<64x128xf32, #tpu.memory_space<vmem>>) dst(%dma_wait3A_128 : memref<10240x128xf32, #tpu.memory_space<vmem_shared>>)
        tpu.yield
      }) : () -> ()
      %add3A_81 = arith.constant 4 : i32
      %add3A_82 = arith.addi %add3A_62, %add3A_81 : i32
      %add3A_83 = arith.constant 1 : i32
      %add3A_84 = arith.addi %add3A_82, %add3A_83 : i32
      %mul3A_85 = arith.constant 160 : i32
      %mul3A_86 = arith.muli %add3A, %mul3A_85 : i32
      %add3A_87 = arith.addi %mul3A_86, %add3A_84 : i32
      %mul3A_88 = arith.constant 64 : i32
      %mul3A_89 = arith.muli %add3A_87, %mul3A_88 : i32
      "tpu.region"() ({
        %run_scoped3A = tpu.sem_alloc : memref<!tpu.dma_semaphore, #tpu.memory_space<semaphore_mem>>
        %dma_start3A_123 = tpu.memref_slice %arg3[%mul3A_89] : memref<327680xi32, #tpu.memory_space<hbm>> -> memref<64xi32, #tpu.memory_space<hbm>>
        %dma_start3A_124 = tpu.memref_slice %arg3[%mul3A_89] : memref<327680xi32, #tpu.memory_space<hbm>> -> memref<64xi32, #tpu.memory_space<hbm>>
        tpu.enqueue_dma source(%dma_start3A_124 : memref<64xi32, #tpu.memory_space<hbm>>) target(%arg9 : memref<64xi32, #tpu.memory_space<vmem>>) target_semaphore(%run_scoped3A : memref<!tpu.dma_semaphore, #tpu.memory_space<semaphore_mem>>)
        %dma_wait3A_125 = tpu.memref_slice %arg3[%mul3A_89] : memref<327680xi32, #tpu.memory_space<hbm>> -> memref<64xi32, #tpu.memory_space<hbm>>
        %dma_wait3A_126 = tpu.memref_slice %arg3[%mul3A_89] : memref<327680xi32, #tpu.memory_space<hbm>> -> memref<64xi32, #tpu.memory_space<hbm>>
        tpu.wait_dma2 semaphore(%run_scoped3A : memref<!tpu.dma_semaphore, #tpu.memory_space<semaphore_mem>>) src(%dma_wait3A_126 : memref<64xi32, #tpu.memory_space<hbm>>) dst(%arg9 : memref<64xi32, #tpu.memory_space<vmem>>)
        tpu.yield
      }) : () -> ()
      "tpu.region"() ({
        %run_scoped3A = tpu.sem_alloc : memref<!tpu.dma_semaphore, #tpu.memory_space<semaphore_mem>>
        %dma_start3A_123 = tpu.memref_slice %arg4[%mul3A_89] : memref<327680xi32, #tpu.memory_space<hbm>> -> memref<64xi32, #tpu.memory_space<hbm>>
        %dma_start3A_124 = tpu.memref_slice %arg4[%mul3A_89] : memref<327680xi32, #tpu.memory_space<hbm>> -> memref<64xi32, #tpu.memory_space<hbm>>
        tpu.enqueue_dma source(%dma_start3A_124 : memref<64xi32, #tpu.memory_space<hbm>>) target(%arg13 : memref<64xi32, #tpu.memory_space<vmem>>) target_semaphore(%run_scoped3A : memref<!tpu.dma_semaphore, #tpu.memory_space<semaphore_mem>>)
        %dma_wait3A_125 = tpu.memref_slice %arg4[%mul3A_89] : memref<327680xi32, #tpu.memory_space<hbm>> -> memref<64xi32, #tpu.memory_space<hbm>>
        %dma_wait3A_126 = tpu.memref_slice %arg4[%mul3A_89] : memref<327680xi32, #tpu.memory_space<hbm>> -> memref<64xi32, #tpu.memory_space<hbm>>
        tpu.wait_dma2 semaphore(%run_scoped3A : memref<!tpu.dma_semaphore, #tpu.memory_space<semaphore_mem>>) src(%dma_wait3A_126 : memref<64xi32, #tpu.memory_space<hbm>>) dst(%arg13 : memref<64xi32, #tpu.memory_space<vmem>>)
        tpu.yield
      }) : () -> ()
      %dma_start3A_90 = arith.constant 0 : i32
      %dma_start3A_91 = arith.constant 0 : i32
      %dma_start3A_92 = tpu.memref_slice %arg2[%dma_start3A_90, %dma_start3A_91] : memref<10000x128xf32, #tpu.memory_space<hbm>> -> memref<10000x128xf32, #tpu.memory_space<hbm>>
      tpu.enqueue_indirect_dma source(%dma_start3A_92 : memref<10000x128xf32, #tpu.memory_space<hbm>>) target(%arg17 : memref<64x128xf32, #tpu.memory_space<vmem>>) offsets(%arg9 : memref<64xi32, #tpu.memory_space<vmem>>) semaphore(%arg21 : memref<!tpu.dma_semaphore, #tpu.memory_space<semaphore_mem>>)
      %dma_wait3A_93 = arith.constant 0 : i32
      %dma_wait3A_94 = arith.constant 0 : i32
      %dma_wait3A_95 = tpu.memref_slice %arg2[%dma_wait3A_93, %dma_wait3A_94] : memref<10000x128xf32, #tpu.memory_space<hbm>> -> memref<10000x128xf32, #tpu.memory_space<hbm>>
      tpu.wait_indirect_dma semaphore(%arg22 : memref<!tpu.dma_semaphore, #tpu.memory_space<semaphore_mem>>) src(%dma_wait3A_95 : memref<10000x128xf32, #tpu.memory_space<hbm>>) dst(%arg18 : memref<64x128xf32, #tpu.memory_space<vmem>>)
      "tpu.region"() ({
        %run_scoped3A = tpu.sem_alloc : memref<!tpu.dma_semaphore, #tpu.memory_space<semaphore_mem>>
        %dma_start3A_123 = arith.constant 0 : i32
        %dma_start3A_124 = arith.constant 0 : i32
        %dma_start3A_125 = tpu.memref_slice %arg7[%dma_start3A_123, %dma_start3A_124] : memref<10240x128xf32, #tpu.memory_space<vmem_shared>> -> memref<10240x128xf32, #tpu.memory_space<vmem_shared>>
        tpu.enqueue_indirect_dma source(%arg18 : memref<64x128xf32, #tpu.memory_space<vmem>>) target(%dma_start3A_125 : memref<10240x128xf32, #tpu.memory_space<vmem_shared>>) offsets(%arg14 : memref<64xi32, #tpu.memory_space<vmem>>) semaphore(%run_scoped3A : memref<!tpu.dma_semaphore, #tpu.memory_space<semaphore_mem>>) {add = true}
        %dma_wait3A_126 = arith.constant 0 : i32
        %dma_wait3A_127 = arith.constant 0 : i32
        %dma_wait3A_128 = tpu.memref_slice %arg7[%dma_wait3A_126, %dma_wait3A_127] : memref<10240x128xf32, #tpu.memory_space<vmem_shared>> -> memref<10240x128xf32, #tpu.memory_space<vmem_shared>>
        tpu.wait_indirect_dma semaphore(%run_scoped3A : memref<!tpu.dma_semaphore, #tpu.memory_space<semaphore_mem>>) src(%arg18 : memref<64x128xf32, #tpu.memory_space<vmem>>) dst(%dma_wait3A_128 : memref<10240x128xf32, #tpu.memory_space<vmem_shared>>)
        tpu.yield
      }) : () -> ()
      %add3A_96 = arith.constant 4 : i32
      %add3A_97 = arith.addi %add3A_62, %add3A_96 : i32
      %add3A_98 = arith.constant 2 : i32
      %add3A_99 = arith.addi %add3A_97, %add3A_98 : i32
      %mul3A_100 = arith.constant 160 : i32
      %mul3A_101 = arith.muli %add3A, %mul3A_100 : i32
      %add3A_102 = arith.addi %mul3A_101, %add3A_99 : i32
      %mul3A_103 = arith.constant 64 : i32
      %mul3A_104 = arith.muli %add3A_102, %mul3A_103 : i32
      "tpu.region"() ({
        %run_scoped3A = tpu.sem_alloc : memref<!tpu.dma_semaphore, #tpu.memory_space<semaphore_mem>>
        %dma_start3A_123 = tpu.memref_slice %arg3[%mul3A_104] : memref<327680xi32, #tpu.memory_space<hbm>> -> memref<64xi32, #tpu.memory_space<hbm>>
        %dma_start3A_124 = tpu.memref_slice %arg3[%mul3A_104] : memref<327680xi32, #tpu.memory_space<hbm>> -> memref<64xi32, #tpu.memory_space<hbm>>
        tpu.enqueue_dma source(%dma_start3A_124 : memref<64xi32, #tpu.memory_space<hbm>>) target(%arg10 : memref<64xi32, #tpu.memory_space<vmem>>) target_semaphore(%run_scoped3A : memref<!tpu.dma_semaphore, #tpu.memory_space<semaphore_mem>>)
        %dma_wait3A_125 = tpu.memref_slice %arg3[%mul3A_104] : memref<327680xi32, #tpu.memory_space<hbm>> -> memref<64xi32, #tpu.memory_space<hbm>>
        %dma_wait3A_126 = tpu.memref_slice %arg3[%mul3A_104] : memref<327680xi32, #tpu.memory_space<hbm>> -> memref<64xi32, #tpu.memory_space<hbm>>
        tpu.wait_dma2 semaphore(%run_scoped3A : memref<!tpu.dma_semaphore, #tpu.memory_space<semaphore_mem>>) src(%dma_wait3A_126 : memref<64xi32, #tpu.memory_space<hbm>>) dst(%arg10 : memref<64xi32, #tpu.memory_space<vmem>>)
        tpu.yield
      }) : () -> ()
      "tpu.region"() ({
        %run_scoped3A = tpu.sem_alloc : memref<!tpu.dma_semaphore, #tpu.memory_space<semaphore_mem>>
        %dma_start3A_123 = tpu.memref_slice %arg4[%mul3A_104] : memref<327680xi32, #tpu.memory_space<hbm>> -> memref<64xi32, #tpu.memory_space<hbm>>
        %dma_start3A_124 = tpu.memref_slice %arg4[%mul3A_104] : memref<327680xi32, #tpu.memory_space<hbm>> -> memref<64xi32, #tpu.memory_space<hbm>>
        tpu.enqueue_dma source(%dma_start3A_124 : memref<64xi32, #tpu.memory_space<hbm>>) target(%arg14 : memref<64xi32, #tpu.memory_space<vmem>>) target_semaphore(%run_scoped3A : memref<!tpu.dma_semaphore, #tpu.memory_space<semaphore_mem>>)
        %dma_wait3A_125 = tpu.memref_slice %arg4[%mul3A_104] : memref<327680xi32, #tpu.memory_space<hbm>> -> memref<64xi32, #tpu.memory_space<hbm>>
        %dma_wait3A_126 = tpu.memref_slice %arg4[%mul3A_104] : memref<327680xi32, #tpu.memory_space<hbm>> -> memref<64xi32, #tpu.memory_space<hbm>>
        tpu.wait_dma2 semaphore(%run_scoped3A : memref<!tpu.dma_semaphore, #tpu.memory_space<semaphore_mem>>) src(%dma_wait3A_126 : memref<64xi32, #tpu.memory_space<hbm>>) dst(%arg14 : memref<64xi32, #tpu.memory_space<vmem>>)
        tpu.yield
      }) : () -> ()
      %dma_start3A_105 = arith.constant 0 : i32
      %dma_start3A_106 = arith.constant 0 : i32
      %dma_start3A_107 = tpu.memref_slice %arg2[%dma_start3A_105, %dma_start3A_106] : memref<10000x128xf32, #tpu.memory_space<hbm>> -> memref<10000x128xf32, #tpu.memory_space<hbm>>
      tpu.enqueue_indirect_dma source(%dma_start3A_107 : memref<10000x128xf32, #tpu.memory_space<hbm>>) target(%arg18 : memref<64x128xf32, #tpu.memory_space<vmem>>) offsets(%arg10 : memref<64xi32, #tpu.memory_space<vmem>>) semaphore(%arg22 : memref<!tpu.dma_semaphore, #tpu.memory_space<semaphore_mem>>)
      %dma_wait3A_108 = arith.constant 0 : i32
      %dma_wait3A_109 = arith.constant 0 : i32
      %dma_wait3A_110 = tpu.memref_slice %arg2[%dma_wait3A_108, %dma_wait3A_109] : memref<10000x128xf32, #tpu.memory_space<hbm>> -> memref<10000x128xf32, #tpu.memory_space<hbm>>
      tpu.wait_indirect_dma semaphore(%arg23 : memref<!tpu.dma_semaphore, #tpu.memory_space<semaphore_mem>>) src(%dma_wait3A_110 : memref<10000x128xf32, #tpu.memory_space<hbm>>) dst(%arg19 : memref<64x128xf32, #tpu.memory_space<vmem>>)
      "tpu.region"() ({
        %run_scoped3A = tpu.sem_alloc : memref<!tpu.dma_semaphore, #tpu.memory_space<semaphore_mem>>
        %dma_start3A_123 = arith.constant 0 : i32
        %dma_start3A_124 = arith.constant 0 : i32
        %dma_start3A_125 = tpu.memref_slice %arg7[%dma_start3A_123, %dma_start3A_124] : memref<10240x128xf32, #tpu.memory_space<vmem_shared>> -> memref<10240x128xf32, #tpu.memory_space<vmem_shared>>
        tpu.enqueue_indirect_dma source(%arg19 : memref<64x128xf32, #tpu.memory_space<vmem>>) target(%dma_start3A_125 : memref<10240x128xf32, #tpu.memory_space<vmem_shared>>) offsets(%arg15 : memref<64xi32, #tpu.memory_space<vmem>>) semaphore(%run_scoped3A : memref<!tpu.dma_semaphore, #tpu.memory_space<semaphore_mem>>) {add = true}
        %dma_wait3A_126 = arith.constant 0 : i32
        %dma_wait3A_127 = arith.constant 0 : i32
        %dma_wait3A_128 = tpu.memref_slice %arg7[%dma_wait3A_126, %dma_wait3A_127] : memref<10240x128xf32, #tpu.memory_space<vmem_shared>> -> memref<10240x128xf32, #tpu.memory_space<vmem_shared>>
        tpu.wait_indirect_dma semaphore(%run_scoped3A : memref<!tpu.dma_semaphore, #tpu.memory_space<semaphore_mem>>) src(%arg19 : memref<64x128xf32, #tpu.memory_space<vmem>>) dst(%dma_wait3A_128 : memref<10240x128xf32, #tpu.memory_space<vmem_shared>>)
        tpu.yield
      }) : () -> ()
      %add3A_111 = arith.constant 4 : i32
      %add3A_112 = arith.addi %add3A_62, %add3A_111 : i32
      %add3A_113 = arith.constant 3 : i32
      %add3A_114 = arith.addi %add3A_112, %add3A_113 : i32
      %mul3A_115 = arith.constant 160 : i32
      %mul3A_116 = arith.muli %add3A, %mul3A_115 : i32
      %add3A_117 = arith.addi %mul3A_116, %add3A_114 : i32
      %mul3A_118 = arith.constant 64 : i32
      %mul3A_119 = arith.muli %add3A_117, %mul3A_118 : i32
      "tpu.region"() ({
        %run_scoped3A = tpu.sem_alloc : memref<!tpu.dma_semaphore, #tpu.memory_space<semaphore_mem>>
        %dma_start3A_123 = tpu.memref_slice %arg3[%mul3A_119] : memref<327680xi32, #tpu.memory_space<hbm>> -> memref<64xi32, #tpu.memory_space<hbm>>
        %dma_start3A_124 = tpu.memref_slice %arg3[%mul3A_119] : memref<327680xi32, #tpu.memory_space<hbm>> -> memref<64xi32, #tpu.memory_space<hbm>>
        tpu.enqueue_dma source(%dma_start3A_124 : memref<64xi32, #tpu.memory_space<hbm>>) target(%arg11 : memref<64xi32, #tpu.memory_space<vmem>>) target_semaphore(%run_scoped3A : memref<!tpu.dma_semaphore, #tpu.memory_space<semaphore_mem>>)
        %dma_wait3A_125 = tpu.memref_slice %arg3[%mul3A_119] : memref<327680xi32, #tpu.memory_space<hbm>> -> memref<64xi32, #tpu.memory_space<hbm>>
        %dma_wait3A_126 = tpu.memref_slice %arg3[%mul3A_119] : memref<327680xi32, #tpu.memory_space<hbm>> -> memref<64xi32, #tpu.memory_space<hbm>>
        tpu.wait_dma2 semaphore(%run_scoped3A : memref<!tpu.dma_semaphore, #tpu.memory_space<semaphore_mem>>) src(%dma_wait3A_126 : memref<64xi32, #tpu.memory_space<hbm>>) dst(%arg11 : memref<64xi32, #tpu.memory_space<vmem>>)
        tpu.yield
      }) : () -> ()
      "tpu.region"() ({
        %run_scoped3A = tpu.sem_alloc : memref<!tpu.dma_semaphore, #tpu.memory_space<semaphore_mem>>
        %dma_start3A_123 = tpu.memref_slice %arg4[%mul3A_119] : memref<327680xi32, #tpu.memory_space<hbm>> -> memref<64xi32, #tpu.memory_space<hbm>>
        %dma_start3A_124 = tpu.memref_slice %arg4[%mul3A_119] : memref<327680xi32, #tpu.memory_space<hbm>> -> memref<64xi32, #tpu.memory_space<hbm>>
        tpu.enqueue_dma source(%dma_start3A_124 : memref<64xi32, #tpu.memory_space<hbm>>) target(%arg15 : memref<64xi32, #tpu.memory_space<vmem>>) target_semaphore(%run_scoped3A : memref<!tpu.dma_semaphore, #tpu.memory_space<semaphore_mem>>)
        %dma_wait3A_125 = tpu.memref_slice %arg4[%mul3A_119] : memref<327680xi32, #tpu.memory_space<hbm>> -> memref<64xi32, #tpu.memory_space<hbm>>
        %dma_wait3A_126 = tpu.memref_slice %arg4[%mul3A_119] : memref<327680xi32, #tpu.memory_space<hbm>> -> memref<64xi32, #tpu.memory_space<hbm>>
        tpu.wait_dma2 semaphore(%run_scoped3A : memref<!tpu.dma_semaphore, #tpu.memory_space<semaphore_mem>>) src(%dma_wait3A_126 : memref<64xi32, #tpu.memory_space<hbm>>) dst(%arg15 : memref<64xi32, #tpu.memory_space<vmem>>)
        tpu.yield
      }) : () -> ()
      %dma_start3A_120 = arith.constant 0 : i32
      %dma_start3A_121 = arith.constant 0 : i32
      %dma_start3A_122 = tpu.memref_slice %arg2[%dma_start3A_120, %dma_start3A_121] : memref<10000x128xf32, #tpu.memory_space<hbm>> -> memref<10000x128xf32, #tpu.memory_space<hbm>>
      tpu.enqueue_indirect_dma source(%dma_start3A_122 : memref<10000x128xf32, #tpu.memory_space<hbm>>) target(%arg19 : memref<64x128xf32, #tpu.memory_space<vmem>>) offsets(%arg11 : memref<64xi32, #tpu.memory_space<vmem>>) semaphore(%arg23 : memref<!tpu.dma_semaphore, #tpu.memory_space<semaphore_mem>>)
    }
    %scan3A_41 = arith.constant 39 : i32
    %dma_wait3A = arith.constant 0 : i32
    %dma_wait3A_42 = arith.constant 0 : i32
    %dma_wait3A_43 = tpu.memref_slice %arg2[%dma_wait3A, %dma_wait3A_42] : memref<10000x128xf32, #tpu.memory_space<hbm>> -> memref<10000x128xf32, #tpu.memory_space<hbm>>
    tpu.wait_indirect_dma semaphore(%arg20 : memref<!tpu.dma_semaphore, #tpu.memory_space<semaphore_mem>>) src(%dma_wait3A_43 : memref<10000x128xf32, #tpu.memory_space<hbm>>) dst(%arg16 : memref<64x128xf32, #tpu.memory_space<vmem>>)
    "tpu.region"() ({
      %run_scoped3A = tpu.sem_alloc : memref<!tpu.dma_semaphore, #tpu.memory_space<semaphore_mem>>
      %dma_start3A_58 = arith.constant 0 : i32
      %dma_start3A_59 = arith.constant 0 : i32
      %dma_start3A_60 = tpu.memref_slice %arg7[%dma_start3A_58, %dma_start3A_59] : memref<10240x128xf32, #tpu.memory_space<vmem_shared>> -> memref<10240x128xf32, #tpu.memory_space<vmem_shared>>
      tpu.enqueue_indirect_dma source(%arg16 : memref<64x128xf32, #tpu.memory_space<vmem>>) target(%dma_start3A_60 : memref<10240x128xf32, #tpu.memory_space<vmem_shared>>) offsets(%arg12 : memref<64xi32, #tpu.memory_space<vmem>>) semaphore(%run_scoped3A : memref<!tpu.dma_semaphore, #tpu.memory_space<semaphore_mem>>) {add = true}
      %dma_wait3A_61 = arith.constant 0 : i32
      %dma_wait3A_62 = arith.constant 0 : i32
      %dma_wait3A_63 = tpu.memref_slice %arg7[%dma_wait3A_61, %dma_wait3A_62] : memref<10240x128xf32, #tpu.memory_space<vmem_shared>> -> memref<10240x128xf32, #tpu.memory_space<vmem_shared>>
      tpu.wait_indirect_dma semaphore(%run_scoped3A : memref<!tpu.dma_semaphore, #tpu.memory_space<semaphore_mem>>) src(%arg16 : memref<64x128xf32, #tpu.memory_space<vmem>>) dst(%dma_wait3A_63 : memref<10240x128xf32, #tpu.memory_space<vmem_shared>>)
      tpu.yield
    }) : () -> ()
    %dma_wait3A_44 = arith.constant 0 : i32
    %dma_wait3A_45 = arith.constant 0 : i32
    %dma_wait3A_46 = tpu.memref_slice %arg2[%dma_wait3A_44, %dma_wait3A_45] : memref<10000x128xf32, #tpu.memory_space<hbm>> -> memref<10000x128xf32, #tpu.memory_space<hbm>>
    tpu.wait_indirect_dma semaphore(%arg21 : memref<!tpu.dma_semaphore, #tpu.memory_space<semaphore_mem>>) src(%dma_wait3A_46 : memref<10000x128xf32, #tpu.memory_space<hbm>>) dst(%arg17 : memref<64x128xf32, #tpu.memory_space<vmem>>)
    "tpu.region"() ({
      %run_scoped3A = tpu.sem_alloc : memref<!tpu.dma_semaphore, #tpu.memory_space<semaphore_mem>>
      %dma_start3A_58 = arith.constant 0 : i32
      %dma_start3A_59 = arith.constant 0 : i32
      %dma_start3A_60 = tpu.memref_slice %arg7[%dma_start3A_58, %dma_start3A_59] : memref<10240x128xf32, #tpu.memory_space<vmem_shared>> -> memref<10240x128xf32, #tpu.memory_space<vmem_shared>>
      tpu.enqueue_indirect_dma source(%arg17 : memref<64x128xf32, #tpu.memory_space<vmem>>) target(%dma_start3A_60 : memref<10240x128xf32, #tpu.memory_space<vmem_shared>>) offsets(%arg13 : memref<64xi32, #tpu.memory_space<vmem>>) semaphore(%run_scoped3A : memref<!tpu.dma_semaphore, #tpu.memory_space<semaphore_mem>>) {add = true}
      %dma_wait3A_61 = arith.constant 0 : i32
      %dma_wait3A_62 = arith.constant 0 : i32
      %dma_wait3A_63 = tpu.memref_slice %arg7[%dma_wait3A_61, %dma_wait3A_62] : memref<10240x128xf32, #tpu.memory_space<vmem_shared>> -> memref<10240x128xf32, #tpu.memory_space<vmem_shared>>
      tpu.wait_indirect_dma semaphore(%run_scoped3A : memref<!tpu.dma_semaphore, #tpu.memory_space<semaphore_mem>>) src(%arg17 : memref<64x128xf32, #tpu.memory_space<vmem>>) dst(%dma_wait3A_63 : memref<10240x128xf32, #tpu.memory_space<vmem_shared>>)
      tpu.yield
    }) : () -> ()
    %dma_wait3A_47 = arith.constant 0 : i32
    %dma_wait3A_48 = arith.constant 0 : i32
    %dma_wait3A_49 = tpu.memref_slice %arg2[%dma_wait3A_47, %dma_wait3A_48] : memref<10000x128xf32, #tpu.memory_space<hbm>> -> memref<10000x128xf32, #tpu.memory_space<hbm>>
    tpu.wait_indirect_dma semaphore(%arg22 : memref<!tpu.dma_semaphore, #tpu.memory_space<semaphore_mem>>) src(%dma_wait3A_49 : memref<10000x128xf32, #tpu.memory_space<hbm>>) dst(%arg18 : memref<64x128xf32, #tpu.memory_space<vmem>>)
    "tpu.region"() ({
      %run_scoped3A = tpu.sem_alloc : memref<!tpu.dma_semaphore, #tpu.memory_space<semaphore_mem>>
      %dma_start3A_58 = arith.constant 0 : i32
      %dma_start3A_59 = arith.constant 0 : i32
      %dma_start3A_60 = tpu.memref_slice %arg7[%dma_start3A_58, %dma_start3A_59] : memref<10240x128xf32, #tpu.memory_space<vmem_shared>> -> memref<10240x128xf32, #tpu.memory_space<vmem_shared>>
      tpu.enqueue_indirect_dma source(%arg18 : memref<64x128xf32, #tpu.memory_space<vmem>>) target(%dma_start3A_60 : memref<10240x128xf32, #tpu.memory_space<vmem_shared>>) offsets(%arg14 : memref<64xi32, #tpu.memory_space<vmem>>) semaphore(%run_scoped3A : memref<!tpu.dma_semaphore, #tpu.memory_space<semaphore_mem>>) {add = true}
      %dma_wait3A_61 = arith.constant 0 : i32
      %dma_wait3A_62 = arith.constant 0 : i32
      %dma_wait3A_63 = tpu.memref_slice %arg7[%dma_wait3A_61, %dma_wait3A_62] : memref<10240x128xf32, #tpu.memory_space<vmem_shared>> -> memref<10240x128xf32, #tpu.memory_space<vmem_shared>>
      tpu.wait_indirect_dma semaphore(%run_scoped3A : memref<!tpu.dma_semaphore, #tpu.memory_space<semaphore_mem>>) src(%arg18 : memref<64x128xf32, #tpu.memory_space<vmem>>) dst(%dma_wait3A_63 : memref<10240x128xf32, #tpu.memory_space<vmem_shared>>)
      tpu.yield
    }) : () -> ()
    %dma_wait3A_50 = arith.constant 0 : i32
    %dma_wait3A_51 = arith.constant 0 : i32
    %dma_wait3A_52 = tpu.memref_slice %arg2[%dma_wait3A_50, %dma_wait3A_51] : memref<10000x128xf32, #tpu.memory_space<hbm>> -> memref<10000x128xf32, #tpu.memory_space<hbm>>
    tpu.wait_indirect_dma semaphore(%arg23 : memref<!tpu.dma_semaphore, #tpu.memory_space<semaphore_mem>>) src(%dma_wait3A_52 : memref<10000x128xf32, #tpu.memory_space<hbm>>) dst(%arg19 : memref<64x128xf32, #tpu.memory_space<vmem>>)
    "tpu.region"() ({
      %run_scoped3A = tpu.sem_alloc : memref<!tpu.dma_semaphore, #tpu.memory_space<semaphore_mem>>
      %dma_start3A_58 = arith.constant 0 : i32
      %dma_start3A_59 = arith.constant 0 : i32
      %dma_start3A_60 = tpu.memref_slice %arg7[%dma_start3A_58, %dma_start3A_59] : memref<10240x128xf32, #tpu.memory_space<vmem_shared>> -> memref<10240x128xf32, #tpu.memory_space<vmem_shared>>
      tpu.enqueue_indirect_dma source(%arg19 : memref<64x128xf32, #tpu.memory_space<vmem>>) target(%dma_start3A_60 : memref<10240x128xf32, #tpu.memory_space<vmem_shared>>) offsets(%arg15 : memref<64xi32, #tpu.memory_space<vmem>>) semaphore(%run_scoped3A : memref<!tpu.dma_semaphore, #tpu.memory_space<semaphore_mem>>) {add = true}
      %dma_wait3A_61 = arith.constant 0 : i32
      %dma_wait3A_62 = arith.constant 0 : i32
      %dma_wait3A_63 = tpu.memref_slice %arg7[%dma_wait3A_61, %dma_wait3A_62] : memref<10240x128xf32, #tpu.memory_space<vmem_shared>> -> memref<10240x128xf32, #tpu.memory_space<vmem_shared>>
      tpu.wait_indirect_dma semaphore(%run_scoped3A : memref<!tpu.dma_semaphore, #tpu.memory_space<semaphore_mem>>) src(%arg19 : memref<64x128xf32, #tpu.memory_space<vmem>>) dst(%dma_wait3A_63 : memref<10240x128xf32, #tpu.memory_space<vmem_shared>>)
      tpu.yield
    }) : () -> ()
    %barrier3A_53 = arith.constant 0 : index
    tpu.barrier barrier_id(%barrier3A_53)
    %mul3A_54 = arith.constant 640 : i32
    %mul3A_55 = arith.muli %arg1, %mul3A_54 : i32
    %mul3A_56 = arith.constant 640 : i32
    %mul3A_57 = arith.muli %arg1, %mul3A_56 : i32
    "tpu.region"() ({
      %run_scoped3A = tpu.sem_alloc : memref<!tpu.dma_semaphore, #tpu.memory_space<semaphore_mem>>
      %dma_start3A_58 = arith.constant 0 : i32
      %dma_start3A_59 = tpu.memref_slice %arg6[%arg0, %mul3A_57, %dma_start3A_58] : memref<2x10240x128xf32, #tpu.memory_space<hbm>> -> memref<1x640x128xf32, #tpu.memory_space<hbm>>
      %dma_start3A_60 = tpu.memref_squeeze %dma_start3A_59 : memref<1x640x128xf32, #tpu.memory_space<hbm>> -> memref<640x128xf32, #tpu.memory_space<hbm>>
      %dma_start3A_61 = arith.constant 0 : i32
      %dma_start3A_62 = tpu.memref_slice %arg7[%mul3A_55, %dma_start3A_61] : memref<10240x128xf32, #tpu.memory_space<vmem_shared>> -> memref<640x128xf32, #tpu.memory_space<vmem_shared>>
      tpu.enqueue_dma source(%dma_start3A_62 : memref<640x128xf32, #tpu.memory_space<vmem_shared>>) target(%dma_start3A_60 : memref<640x128xf32, #tpu.memory_space<hbm>>) target_semaphore(%run_scoped3A : memref<!tpu.dma_semaphore, #tpu.memory_space<semaphore_mem>>)
      %dma_wait3A_63 = arith.constant 0 : i32
      %dma_wait3A_64 = tpu.memref_slice %arg6[%arg0, %mul3A_57, %dma_wait3A_63] : memref<2x10240x128xf32, #tpu.memory_space<hbm>> -> memref<1x640x128xf32, #tpu.memory_space<hbm>>
      %dma_wait3A_65 = tpu.memref_squeeze %dma_wait3A_64 : memref<1x640x128xf32, #tpu.memory_space<hbm>> -> memref<640x128xf32, #tpu.memory_space<hbm>>
      %dma_wait3A_66 = arith.constant 0 : i32
      %dma_wait3A_67 = tpu.memref_slice %arg7[%mul3A_55, %dma_wait3A_66] : memref<10240x128xf32, #tpu.memory_space<vmem_shared>> -> memref<640x128xf32, #tpu.memory_space<vmem_shared>>
      tpu.wait_dma2 semaphore(%run_scoped3A : memref<!tpu.dma_semaphore, #tpu.memory_space<semaphore_mem>>) src(%dma_wait3A_67 : memref<640x128xf32, #tpu.memory_space<vmem_shared>>) dst(%dma_wait3A_65 : memref<640x128xf32, #tpu.memory_space<hbm>>)
      tpu.yield
    }) : () -> ()
    return
  }
}

#map = affine_map<(d0, d1) -> (0)>
#map1 = affine_map<(d0, d1) -> (0, 0)>
#map2 = affine_map<(d0, d1) -> (0, 0, 0)>
module attributes {stable_mosaic.version = 14 : i64} {
  func.func @_sc_degree(%arg0: i32, %arg1: i32, %arg2: memref<327680xi32, #tpu.memory_space<hbm>>, %arg3: memref<128x16xf32, #tpu.memory_space<hbm>>, %arg4: memref<640x16xf32, #tpu.memory_space<hbm>>, %arg5: memref<2x10240x16xf32, #tpu.memory_space<hbm>>, %arg6: memref<10240x16xf32, #tpu.memory_space<vmem_shared>>, %arg7: memref<128xi32, #tpu.memory_space<vmem>>, %arg8: memref<128x16xf32, #tpu.memory_space<vmem>>) attributes {dimension_semantics = [#tpu.dimension_semantics<core_parallel>, #tpu.dimension_semantics<subcore_parallel>], iteration_bounds = array<i64: 2, 16>, scalar_prefetch = 0 : i64, scratch_operands = 3 : i64, tpu.core_type = #tpu.core_type<sc_vector_subcore>, window_params = [{transform_indices = #map}, {transform_indices = #map1}, {transform_indices = #map1}, {transform_indices = #map2}]} {
    %mul3A = arith.constant 16 : i32
    %mul3A_0 = arith.muli %arg0, %mul3A : i32
    %add3A = arith.addi %mul3A_0, %arg1 : i32
    "tpu.region"() ({
      %run_scoped3A = tpu.sem_alloc : memref<!tpu.dma_semaphore, #tpu.memory_space<semaphore_mem>>
      tpu.enqueue_dma source(%arg3 : memref<128x16xf32, #tpu.memory_space<hbm>>) target(%arg8 : memref<128x16xf32, #tpu.memory_space<vmem>>) target_semaphore(%run_scoped3A : memref<!tpu.dma_semaphore, #tpu.memory_space<semaphore_mem>>)
      tpu.wait_dma2 semaphore(%run_scoped3A : memref<!tpu.dma_semaphore, #tpu.memory_space<semaphore_mem>>) src(%arg3 : memref<128x16xf32, #tpu.memory_space<hbm>>) dst(%arg8 : memref<128x16xf32, #tpu.memory_space<vmem>>)
      tpu.yield
    }) : () -> ()
    %mul3A_1 = arith.constant 640 : i32
    %mul3A_2 = arith.muli %arg1, %mul3A_1 : i32
    "tpu.region"() ({
      %run_scoped3A = tpu.sem_alloc : memref<!tpu.dma_semaphore, #tpu.memory_space<semaphore_mem>>
      %dma_start3A = arith.constant 0 : i32
      %dma_start3A_12 = tpu.memref_slice %arg6[%mul3A_2, %dma_start3A] : memref<10240x16xf32, #tpu.memory_space<vmem_shared>> -> memref<640x16xf32, #tpu.memory_space<vmem_shared>>
      tpu.enqueue_dma source(%arg4 : memref<640x16xf32, #tpu.memory_space<hbm>>) target(%dma_start3A_12 : memref<640x16xf32, #tpu.memory_space<vmem_shared>>) target_semaphore(%run_scoped3A : memref<!tpu.dma_semaphore, #tpu.memory_space<semaphore_mem>>)
      %dma_wait3A = arith.constant 0 : i32
      %dma_wait3A_13 = tpu.memref_slice %arg6[%mul3A_2, %dma_wait3A] : memref<10240x16xf32, #tpu.memory_space<vmem_shared>> -> memref<640x16xf32, #tpu.memory_space<vmem_shared>>
      tpu.wait_dma2 semaphore(%run_scoped3A : memref<!tpu.dma_semaphore, #tpu.memory_space<semaphore_mem>>) src(%arg4 : memref<640x16xf32, #tpu.memory_space<hbm>>) dst(%dma_wait3A_13 : memref<640x16xf32, #tpu.memory_space<vmem_shared>>)
      tpu.yield
    }) : () -> ()
    %barrier3A = arith.constant 0 : index
    tpu.barrier barrier_id(%barrier3A)
    %scan3A = arith.constant 0 : i32
    %scan3A_3 = arith.constant 80 : i32
    %scan3A_4 = arith.addi %scan3A, %scan3A_3 : i32
    %scan3A_5 = arith.constant 1 : i32
    scf.for %scan3A_12 = %scan3A to %scan3A_4 step %scan3A_5  : i32 {
      %mul3A_13 = arith.constant 1 : i32
      %mul3A_14 = arith.muli %scan3A_12, %mul3A_13 : i32
      %add3A_15 = arith.constant 0 : i32
      %add3A_16 = arith.addi %add3A_15, %mul3A_14 : i32
      %mul3A_17 = arith.constant 80 : i32
      %mul3A_18 = arith.muli %add3A, %mul3A_17 : i32
      %add3A_19 = arith.addi %mul3A_18, %add3A_16 : i32
      %mul3A_20 = arith.constant 128 : i32
      %mul3A_21 = arith.muli %add3A_19, %mul3A_20 : i32
      "tpu.region"() ({
        %run_scoped3A = tpu.sem_alloc : memref<!tpu.dma_semaphore, #tpu.memory_space<semaphore_mem>>
        %dma_start3A = tpu.memref_slice %arg2[%mul3A_21] : memref<327680xi32, #tpu.memory_space<hbm>> -> memref<128xi32, #tpu.memory_space<hbm>>
        %dma_start3A_22 = tpu.memref_slice %arg2[%mul3A_21] : memref<327680xi32, #tpu.memory_space<hbm>> -> memref<128xi32, #tpu.memory_space<hbm>>
        tpu.enqueue_dma source(%dma_start3A_22 : memref<128xi32, #tpu.memory_space<hbm>>) target(%arg7 : memref<128xi32, #tpu.memory_space<vmem>>) target_semaphore(%run_scoped3A : memref<!tpu.dma_semaphore, #tpu.memory_space<semaphore_mem>>)
        %dma_wait3A = tpu.memref_slice %arg2[%mul3A_21] : memref<327680xi32, #tpu.memory_space<hbm>> -> memref<128xi32, #tpu.memory_space<hbm>>
        %dma_wait3A_23 = tpu.memref_slice %arg2[%mul3A_21] : memref<327680xi32, #tpu.memory_space<hbm>> -> memref<128xi32, #tpu.memory_space<hbm>>
        tpu.wait_dma2 semaphore(%run_scoped3A : memref<!tpu.dma_semaphore, #tpu.memory_space<semaphore_mem>>) src(%dma_wait3A_23 : memref<128xi32, #tpu.memory_space<hbm>>) dst(%arg7 : memref<128xi32, #tpu.memory_space<vmem>>)
        tpu.yield
      }) : () -> ()
      "tpu.region"() ({
        %run_scoped3A = tpu.sem_alloc : memref<!tpu.dma_semaphore, #tpu.memory_space<semaphore_mem>>
        %dma_start3A = arith.constant 0 : i32
        %dma_start3A_22 = arith.constant 0 : i32
        %dma_start3A_23 = tpu.memref_slice %arg6[%dma_start3A, %dma_start3A_22] : memref<10240x16xf32, #tpu.memory_space<vmem_shared>> -> memref<10240x16xf32, #tpu.memory_space<vmem_shared>>
        tpu.enqueue_indirect_dma source(%arg8 : memref<128x16xf32, #tpu.memory_space<vmem>>) target(%dma_start3A_23 : memref<10240x16xf32, #tpu.memory_space<vmem_shared>>) offsets(%arg7 : memref<128xi32, #tpu.memory_space<vmem>>) semaphore(%run_scoped3A : memref<!tpu.dma_semaphore, #tpu.memory_space<semaphore_mem>>) {add = true}
        %dma_wait3A = arith.constant 0 : i32
        %dma_wait3A_24 = arith.constant 0 : i32
        %dma_wait3A_25 = tpu.memref_slice %arg6[%dma_wait3A, %dma_wait3A_24] : memref<10240x16xf32, #tpu.memory_space<vmem_shared>> -> memref<10240x16xf32, #tpu.memory_space<vmem_shared>>
        tpu.wait_indirect_dma semaphore(%run_scoped3A : memref<!tpu.dma_semaphore, #tpu.memory_space<semaphore_mem>>) src(%arg8 : memref<128x16xf32, #tpu.memory_space<vmem>>) dst(%dma_wait3A_25 : memref<10240x16xf32, #tpu.memory_space<vmem_shared>>)
        tpu.yield
      }) : () -> ()
    }
    %scan3A_6 = arith.constant 80 : i32
    %barrier3A_7 = arith.constant 0 : index
    tpu.barrier barrier_id(%barrier3A_7)
    %mul3A_8 = arith.constant 640 : i32
    %mul3A_9 = arith.muli %arg1, %mul3A_8 : i32
    %mul3A_10 = arith.constant 640 : i32
    %mul3A_11 = arith.muli %arg1, %mul3A_10 : i32
    "tpu.region"() ({
      %run_scoped3A = tpu.sem_alloc : memref<!tpu.dma_semaphore, #tpu.memory_space<semaphore_mem>>
      %dma_start3A = arith.constant 0 : i32
      %dma_start3A_12 = tpu.memref_slice %arg5[%arg0, %mul3A_11, %dma_start3A] : memref<2x10240x16xf32, #tpu.memory_space<hbm>> -> memref<1x640x16xf32, #tpu.memory_space<hbm>>
      %dma_start3A_13 = tpu.memref_squeeze %dma_start3A_12 : memref<1x640x16xf32, #tpu.memory_space<hbm>> -> memref<640x16xf32, #tpu.memory_space<hbm>>
      %dma_start3A_14 = arith.constant 0 : i32
      %dma_start3A_15 = tpu.memref_slice %arg6[%mul3A_9, %dma_start3A_14] : memref<10240x16xf32, #tpu.memory_space<vmem_shared>> -> memref<640x16xf32, #tpu.memory_space<vmem_shared>>
      tpu.enqueue_dma source(%dma_start3A_15 : memref<640x16xf32, #tpu.memory_space<vmem_shared>>) target(%dma_start3A_13 : memref<640x16xf32, #tpu.memory_space<hbm>>) target_semaphore(%run_scoped3A : memref<!tpu.dma_semaphore, #tpu.memory_space<semaphore_mem>>)
      %dma_wait3A = arith.constant 0 : i32
      %dma_wait3A_16 = tpu.memref_slice %arg5[%arg0, %mul3A_11, %dma_wait3A] : memref<2x10240x16xf32, #tpu.memory_space<hbm>> -> memref<1x640x16xf32, #tpu.memory_space<hbm>>
      %dma_wait3A_17 = tpu.memref_squeeze %dma_wait3A_16 : memref<1x640x16xf32, #tpu.memory_space<hbm>> -> memref<640x16xf32, #tpu.memory_space<hbm>>
      %dma_wait3A_18 = arith.constant 0 : i32
      %dma_wait3A_19 = tpu.memref_slice %arg6[%mul3A_9, %dma_wait3A_18] : memref<10240x16xf32, #tpu.memory_space<vmem_shared>> -> memref<640x16xf32, #tpu.memory_space<vmem_shared>>
      tpu.wait_dma2 semaphore(%run_scoped3A : memref<!tpu.dma_semaphore, #tpu.memory_space<semaphore_mem>>) src(%dma_wait3A_19 : memref<640x16xf32, #tpu.memory_space<vmem_shared>>) dst(%dma_wait3A_17 : memref<640x16xf32, #tpu.memory_space<hbm>>)
      tpu.yield
    }) : () -> ()
    return
  }
}

module attributes {stable_mosaic.version = 14 : i64} {
  func.func @_tc_matmul_body(%arg0: i32, %arg1: memref<1000x128xf32, #tpu.memory_space<vmem>>, %arg2: memref<128x128xf32, #tpu.memory_space<vmem>>, %arg3: memref<1000x128xf32, #tpu.memory_space<vmem>>) attributes {dimension_semantics = [#tpu.dimension_semantics<arbitrary>], iteration_bounds = array<i64: 10>, scalar_prefetch = 0 : i64, scratch_operands = 0 : i64, tpu.core_type = #tpu.core_type<tc>, window_params = [{transform_indices = @transform_0, window_bounds = array<i64: 1000, 128>}, {pipeline_mode = #tpu.pipeline_mode<synchronous>, transform_indices = @transform_1, window_bounds = array<i64: 128, 128>}, {transform_indices = @transform_2, window_bounds = array<i64: 1000, 128>}]} {
    %get3A = arith.constant 0 : index
    %get3A_0 = arith.constant 0 : index
    %get3A_1 = vector.load %arg1[%get3A, %get3A_0] : memref<1000x128xf32, #tpu.memory_space<vmem>>, vector<1000x128xf32>
    %get3A_2 = arith.constant 0 : index
    %get3A_3 = arith.constant 0 : index
    %get3A_4 = vector.load %arg2[%get3A_2, %get3A_3] : memref<128x128xf32, #tpu.memory_space<vmem>>, vector<128x128xf32>
    %dot_general3A = arith.constant dense<0.000000e+00> : vector<1000x128xf32>
    %dot_general3A_5 = tpu.matmul %get3A_1, %get3A_4, %dot_general3A {dimension_numbers = #tpu.dot_dimension_numbers<[1], [0], [0], [1], [0, 0, 1, 1], [], []>, transpose_lhs_hint = false} : vector<1000x128xf32>, vector<128x128xf32>, vector<1000x128xf32> -> vector<1000x128xf32>
    %swap3A = arith.constant 0 : index
    %swap3A_6 = arith.constant 0 : index
    %swap3A_7 = vector.load %arg3[%swap3A, %swap3A_6] : memref<1000x128xf32, #tpu.memory_space<vmem>>, vector<1000x128xf32>
    tpu.vector_store %arg3[%swap3A, %swap3A_6], %dot_general3A_5 {strides = array<i32>} : memref<1000x128xf32, #tpu.memory_space<vmem>>, vector<1000x128xf32>,
    return
  }
  func.func @transform_0(%arg0: i32) -> (i32, i32) {
    %c0_i32 = arith.constant 0 : i32
    %c0_i32_0 = arith.constant 0 : i32
    return %arg0, %c0_i32 : i32, i32
  }
  func.func @transform_1(%arg0: i32) -> (i32, i32) {
    %c0_i32 = arith.constant 0 : i32
    %c0_i32_0 = arith.constant 0 : i32
    %c0_i32_1 = arith.constant 0 : i32
    return %c0_i32, %c0_i32_0 : i32, i32
  }
  func.func @transform_2(%arg0: i32) -> (i32, i32) {
    %c0_i32 = arith.constant 0 : i32
    %c0_i32_0 = arith.constant 0 : i32
    return %arg0, %c0_i32 : i32, i32
  }
}

module attributes {stable_mosaic.version = 14 : i64} {
  func.func @_tc_scale_body(%arg0: i32, %arg1: memref<1000x128xf32, #tpu.memory_space<vmem>>, %arg2: memref<2x1000x16xf32, #tpu.memory_space<vmem>>, %arg3: memref<1000x1xf32, #tpu.memory_space<vmem>>, %arg4: memref<1000x128xf32, #tpu.memory_space<vmem>>) attributes {dimension_semantics = [#tpu.dimension_semantics<arbitrary>], iteration_bounds = array<i64: 10>, scalar_prefetch = 0 : i64, scratch_operands = 0 : i64, tpu.core_type = #tpu.core_type<tc>, window_params = [{transform_indices = @transform_0, window_bounds = array<i64: 1000, 128>}, {transform_indices = @transform_1, window_bounds = array<i64: 2, 1000, 16>}, {transform_indices = @transform_2, window_bounds = array<i64: 1000, 1>}, {transform_indices = @transform_3, window_bounds = array<i64: 1000, 128>}]} {
    %get3A = arith.constant 0 : index
    %get3A_0 = arith.constant 0 : index
    %get3A_1 = arith.constant 0 : index
    %get3A_2 = vector.load %arg2[%get3A, %get3A_0, %get3A_1] : memref<2x1000x16xf32, #tpu.memory_space<vmem>>, vector<2x1000x16xf32>
    %slice3A = vector.extract_strided_slice %get3A_2 {offsets = [0, 0, 0], sizes = [1, 1000, 1], strides = [1, 1, 1]} : vector<2x1000x16xf32> to vector<1x1000x1xf32>
    %squeeze3A = vector.shape_cast %slice3A : vector<1x1000x1xf32> to vector<1000x1xf32>
    %slice3A_3 = vector.extract_strided_slice %get3A_2 {offsets = [1, 0, 0], sizes = [1, 1000, 1], strides = [1, 1, 1]} : vector<2x1000x16xf32> to vector<1x1000x1xf32>
    %squeeze3A_4 = vector.shape_cast %slice3A_3 : vector<1x1000x1xf32> to vector<1000x1xf32>
    %add3A = arith.addf %squeeze3A, %squeeze3A_4 : vector<1000x1xf32>
    %add3A_5 = arith.constant 1.000000e+00 : f32
    %add3A_6 = vector.broadcast %add3A_5 : f32 to vector<1000x1xf32>
    %add3A_7 = arith.addf %add3A, %add3A_6 : vector<1000x1xf32>
    %iota3A = tpu.iota {dimensions = array<i32: 0>} : vector<1000x1xi32>
    %mul3A = arith.constant 1000 : i32
    %mul3A_8 = arith.muli %arg0, %mul3A : i32
    %add3A_9 = vector.broadcast %mul3A_8 : i32 to vector<1000x1xi32>
    %add3A_10 = arith.addi %iota3A, %add3A_9 : vector<1000x1xi32>
    %lt3A = arith.constant 7680 : i32
    %lt3A_11 = vector.broadcast %lt3A : i32 to vector<1000x1xi32>
    %lt3A_12 = arith.cmpi slt, %add3A_10, %lt3A_11 : vector<1000x1xi32>
    %convert_element_type3A = arith.extui %lt3A_12 : vector<1000x1xi1> to vector<1000x1xi32>
    %convert_element_type3A_13 = arith.sitofp %convert_element_type3A : vector<1000x1xi32> to vector<1000x1xf32>
    %sub3A = arith.subf %add3A_7, %convert_element_type3A_13 : vector<1000x1xf32>
    %rsqrt3A = math.rsqrt %sub3A : vector<1000x1xf32>
    %swap3A = arith.constant 0 : index
    %swap3A_14 = arith.constant 0 : index
    %swap3A_15 = vector.load %arg3[%swap3A, %swap3A_14] : memref<1000x1xf32, #tpu.memory_space<vmem>>, vector<1000x1xf32>
    tpu.vector_store %arg3[%swap3A, %swap3A_14], %rsqrt3A {strides = array<i32>} : memref<1000x1xf32, #tpu.memory_space<vmem>>, vector<1000x1xf32>,
    %get3A_16 = arith.constant 0 : index
    %get3A_17 = arith.constant 0 : index
    %get3A_18 = vector.load %arg1[%get3A_16, %get3A_17] : memref<1000x128xf32, #tpu.memory_space<vmem>>, vector<1000x128xf32>
    %mul3A_19 = vector.broadcast %rsqrt3A : vector<1000x1xf32> to vector<1000x128xf32>
    %mul3A_20 = arith.mulf %get3A_18, %mul3A_19 : vector<1000x128xf32>
    %swap3A_21 = arith.constant 0 : index
    %swap3A_22 = arith.constant 0 : index
    %swap3A_23 = vector.load %arg4[%swap3A_21, %swap3A_22] : memref<1000x128xf32, #tpu.memory_space<vmem>>, vector<1000x128xf32>
    tpu.vector_store %arg4[%swap3A_21, %swap3A_22], %mul3A_20 {strides = array<i32>} : memref<1000x128xf32, #tpu.memory_space<vmem>>, vector<1000x128xf32>,
    return
  }
  func.func @transform_0(%arg0: i32) -> (i32, i32) {
    %c0_i32 = arith.constant 0 : i32
    %c0_i32_0 = arith.constant 0 : i32
    return %arg0, %c0_i32 : i32, i32
  }
  func.func @transform_1(%arg0: i32) -> (i32, i32, i32) {
    %c0_i32 = arith.constant 0 : i32
    %c0_i32_0 = arith.constant 0 : i32
    %c0_i32_1 = arith.constant 0 : i32
    return %c0_i32, %arg0, %c0_i32_0 : i32, i32, i32
  }
  func.func @transform_2(%arg0: i32) -> (i32, i32) {
    %c0_i32 = arith.constant 0 : i32
    %c0_i32_0 = arith.constant 0 : i32
    return %arg0, %c0_i32 : i32, i32
  }
  func.func @transform_3(%arg0: i32) -> (i32, i32) {
    %c0_i32 = arith.constant 0 : i32
    %c0_i32_0 = arith.constant 0 : i32
    return %arg0, %c0_i32 : i32, i32
  }
}

module attributes {stable_mosaic.version = 14 : i64} {
  func.func @_tc_mid_body(%arg0: i32, %arg1: memref<2x1000x128xf32, #tpu.memory_space<vmem>>, %arg2: memref<1000x128xf32, #tpu.memory_space<vmem>>, %arg3: memref<1000x1xf32, #tpu.memory_space<vmem>>, %arg4: memref<1x128xf32, #tpu.memory_space<vmem>>, %arg5: memref<128x128xf32, #tpu.memory_space<vmem>>, %arg6: memref<1000x128xf32, #tpu.memory_space<vmem>>) attributes {dimension_semantics = [#tpu.dimension_semantics<arbitrary>], iteration_bounds = array<i64: 10>, scalar_prefetch = 0 : i64, scratch_operands = 0 : i64, tpu.core_type = #tpu.core_type<tc>, window_params = [{transform_indices = @transform_0, window_bounds = array<i64: 2, 1000, 128>}, {transform_indices = @transform_1, window_bounds = array<i64: 1000, 128>}, {transform_indices = @transform_2, window_bounds = array<i64: 1000, 1>}, {pipeline_mode = #tpu.pipeline_mode<synchronous>, transform_indices = @transform_3, window_bounds = array<i64: 1, 128>}, {pipeline_mode = #tpu.pipeline_mode<synchronous>, transform_indices = @transform_4, window_bounds = array<i64: 128, 128>}, {transform_indices = @transform_5, window_bounds = array<i64: 1000, 128>}]} {
    %get3A = arith.constant 0 : index
    %get3A_0 = arith.constant 0 : index
    %get3A_1 = arith.constant 0 : index
    %get3A_2 = vector.load %arg1[%get3A, %get3A_0, %get3A_1] : memref<2x1000x128xf32, #tpu.memory_space<vmem>>, vector<2x1000x128xf32>
    %get3A_3 = arith.constant 0 : index
    %get3A_4 = arith.constant 0 : index
    %get3A_5 = vector.load %arg2[%get3A_3, %get3A_4] : memref<1000x128xf32, #tpu.memory_space<vmem>>, vector<1000x128xf32>
    %slice3A = vector.extract_strided_slice %get3A_2 {offsets = [0, 0, 0], sizes = [1, 1000, 128], strides = [1, 1, 1]} : vector<2x1000x128xf32> to vector<1x1000x128xf32>
    %squeeze3A = vector.shape_cast %slice3A : vector<1x1000x128xf32> to vector<1000x128xf32>
    %slice3A_6 = vector.extract_strided_slice %get3A_2 {offsets = [1, 0, 0], sizes = [1, 1000, 128], strides = [1, 1, 1]} : vector<2x1000x128xf32> to vector<1x1000x128xf32>
    %squeeze3A_7 = vector.shape_cast %slice3A_6 : vector<1x1000x128xf32> to vector<1000x128xf32>
    %add3A = arith.addf %squeeze3A, %squeeze3A_7 : vector<1000x128xf32>
    %iota3A = tpu.iota {dimensions = array<i32: 0>} : vector<1000x1xi32>
    %mul3A = arith.constant 1000 : i32
    %mul3A_8 = arith.muli %arg0, %mul3A : i32
    %add3A_9 = vector.broadcast %mul3A_8 : i32 to vector<1000x1xi32>
    %add3A_10 = arith.addi %iota3A, %add3A_9 : vector<1000x1xi32>
    %lt3A = arith.constant 7680 : i32
    %lt3A_11 = vector.broadcast %lt3A : i32 to vector<1000x1xi32>
    %lt3A_12 = arith.cmpi slt, %add3A_10, %lt3A_11 : vector<1000x1xi32>
    %convert_element_type3A = arith.extui %lt3A_12 : vector<1000x1xi1> to vector<1000x1xi32>
    %convert_element_type3A_13 = arith.sitofp %convert_element_type3A : vector<1000x1xi32> to vector<1000x1xf32>
    %sub3A = arith.constant 1.000000e+00 : f32
    %sub3A_14 = vector.broadcast %sub3A : f32 to vector<1000x1xf32>
    %sub3A_15 = arith.subf %sub3A_14, %convert_element_type3A_13 : vector<1000x1xf32>
    %mul3A_16 = vector.broadcast %sub3A_15 : vector<1000x1xf32> to vector<1000x128xf32>
    %mul3A_17 = arith.mulf %get3A_5, %mul3A_16 : vector<1000x128xf32>
    %add3A_18 = arith.addf %add3A, %mul3A_17 : vector<1000x128xf32>
    %get3A_19 = arith.constant 0 : index
    %get3A_20 = arith.constant 0 : index
    %get3A_21 = vector.load %arg3[%get3A_19, %get3A_20] : memref<1000x1xf32, #tpu.memory_space<vmem>>, vector<1000x1xf32>
    %mul3A_22 = vector.broadcast %get3A_21 : vector<1000x1xf32> to vector<1000x128xf32>
    %mul3A_23 = arith.mulf %mul3A_22, %add3A_18 : vector<1000x128xf32>
    %get3A_24 = arith.constant 0 : index
    %get3A_25 = arith.constant 0 : index
    %get3A_26 = vector.load %arg4[%get3A_24, %get3A_25] : memref<1x128xf32, #tpu.memory_space<vmem>>, vector<1x128xf32>
    %add3A_27 = vector.broadcast %get3A_26 : vector<1x128xf32> to vector<1000x128xf32>
    %add3A_28 = arith.addf %mul3A_23, %add3A_27 : vector<1000x128xf32>
    %max3A = arith.constant 0.000000e+00 : f32
    %max3A_29 = vector.broadcast %max3A : f32 to vector<1000x128xf32>
    %max3A_30 = arith.maximumf %add3A_28, %max3A_29 : vector<1000x128xf32>
    %get3A_31 = arith.constant 0 : index
    %get3A_32 = arith.constant 0 : index
    %get3A_33 = vector.load %arg5[%get3A_31, %get3A_32] : memref<128x128xf32, #tpu.memory_space<vmem>>, vector<128x128xf32>
    %dot_general3A = arith.constant dense<0.000000e+00> : vector<1000x128xf32>
    %dot_general3A_34 = tpu.matmul %max3A_30, %get3A_33, %dot_general3A {dimension_numbers = #tpu.dot_dimension_numbers<[1], [0], [0], [1], [0, 0, 1, 1], [], []>, transpose_lhs_hint = false} : vector<1000x128xf32>, vector<128x128xf32>, vector<1000x128xf32> -> vector<1000x128xf32>
    %mul3A_35 = vector.broadcast %get3A_21 : vector<1000x1xf32> to vector<1000x128xf32>
    %mul3A_36 = arith.mulf %dot_general3A_34, %mul3A_35 : vector<1000x128xf32>
    %swap3A = arith.constant 0 : index
    %swap3A_37 = arith.constant 0 : index
    %swap3A_38 = vector.load %arg6[%swap3A, %swap3A_37] : memref<1000x128xf32, #tpu.memory_space<vmem>>, vector<1000x128xf32>
    tpu.vector_store %arg6[%swap3A, %swap3A_37], %mul3A_36 {strides = array<i32>} : memref<1000x128xf32, #tpu.memory_space<vmem>>, vector<1000x128xf32>,
    return
  }
  func.func @transform_0(%arg0: i32) -> (i32, i32, i32) {
    %c0_i32 = arith.constant 0 : i32
    %c0_i32_0 = arith.constant 0 : i32
    %c0_i32_1 = arith.constant 0 : i32
    return %c0_i32, %arg0, %c0_i32_0 : i32, i32, i32
  }
  func.func @transform_1(%arg0: i32) -> (i32, i32) {
    %c0_i32 = arith.constant 0 : i32
    %c0_i32_0 = arith.constant 0 : i32
    return %arg0, %c0_i32 : i32, i32
  }
  func.func @transform_2(%arg0: i32) -> (i32, i32) {
    %c0_i32 = arith.constant 0 : i32
    %c0_i32_0 = arith.constant 0 : i32
    return %arg0, %c0_i32 : i32, i32
  }
  func.func @transform_3(%arg0: i32) -> (i32, i32) {
    %c0_i32 = arith.constant 0 : i32
    %c0_i32_0 = arith.constant 0 : i32
    %c0_i32_1 = arith.constant 0 : i32
    return %c0_i32, %c0_i32_0 : i32, i32
  }
  func.func @transform_4(%arg0: i32) -> (i32, i32) {
    %c0_i32 = arith.constant 0 : i32
    %c0_i32_0 = arith.constant 0 : i32
    %c0_i32_1 = arith.constant 0 : i32
    return %c0_i32, %c0_i32_0 : i32, i32
  }
  func.func @transform_5(%arg0: i32) -> (i32, i32) {
    %c0_i32 = arith.constant 0 : i32
    %c0_i32_0 = arith.constant 0 : i32
    return %arg0, %c0_i32 : i32, i32
  }
}

module attributes {stable_mosaic.version = 14 : i64} {
  func.func @_tc_final_body(%arg0: i32, %arg1: memref<2x1000x128xf32, #tpu.memory_space<vmem>>, %arg2: memref<1000x128xf32, #tpu.memory_space<vmem>>, %arg3: memref<1000x1xf32, #tpu.memory_space<vmem>>, %arg4: memref<1x128xf32, #tpu.memory_space<vmem>>, %arg5: memref<1x1x1000xi32, #tpu.memory_space<vmem>>, %arg6: memref<128x128xf32, #tpu.memory_space<vmem>>, %arg7: memref<1x128xf32, #tpu.memory_space<vmem>>, %arg8: memref<64x128xf32, #tpu.memory_space<vmem>>, %arg9: memref<64x128xf32, #tpu.memory_space<vmem>>, %arg10: memref<64x1xf32, #tpu.memory_space<vmem>>) attributes {dimension_semantics = [#tpu.dimension_semantics<arbitrary>], iteration_bounds = array<i64: 10>, scalar_prefetch = 0 : i64, scratch_operands = 2 : i64, tpu.core_type = #tpu.core_type<tc>, window_params = [{transform_indices = @transform_0, window_bounds = array<i64: 2, 1000, 128>}, {transform_indices = @transform_1, window_bounds = array<i64: 1000, 128>}, {transform_indices = @transform_2, window_bounds = array<i64: 1000, 1>}, {pipeline_mode = #tpu.pipeline_mode<synchronous>, transform_indices = @transform_3, window_bounds = array<i64: 1, 128>}, {transform_indices = @transform_4, window_bounds = array<i64: 1, 1, 1000>}, {pipeline_mode = #tpu.pipeline_mode<synchronous>, transform_indices = @transform_5, window_bounds = array<i64: 128, 128>}, {pipeline_mode = #tpu.pipeline_mode<synchronous>, transform_indices = @transform_6, window_bounds = array<i64: 1, 128>}, {pipeline_mode = #tpu.pipeline_mode<synchronous>, transform_indices = @transform_7, window_bounds = array<i64: 64, 128>}]} {
    %eq3A = arith.constant 0 : i32
    %eq3A_0 = arith.cmpi eq, %arg0, %eq3A : i32
    %convert_element_type3A = arith.extui %eq3A_0 : i1 to i32
    %cond3A = arith.constant 0 : i32
    %cond3A_1 = arith.cmpi ne, %convert_element_type3A, %cond3A : i32
    scf.if %cond3A_1 {
      %broadcast_in_dim3A_63 = arith.constant 0.000000e+00 : f32
      %broadcast_in_dim3A_64 = vector.broadcast %broadcast_in_dim3A_63 : f32 to vector<64x128xf32>
      %swap3A_65 = arith.constant 0 : index
      %swap3A_66 = arith.constant 0 : index
      %swap3A_67 = vector.load %arg9[%swap3A_65, %swap3A_66] : memref<64x128xf32, #tpu.memory_space<vmem>>, vector<64x128xf32>
      tpu.vector_store %arg9[%swap3A_65, %swap3A_66], %broadcast_in_dim3A_64 {strides = array<i32>} : memref<64x128xf32, #tpu.memory_space<vmem>>, vector<64x128xf32>,
      %broadcast_in_dim3A_68 = arith.constant 0.000000e+00 : f32
      %broadcast_in_dim3A_69 = vector.broadcast %broadcast_in_dim3A_68 : f32 to vector<64x1xf32>
      %swap3A_70 = arith.constant 0 : index
      %swap3A_71 = arith.constant 0 : index
      %swap3A_72 = vector.load %arg10[%swap3A_70, %swap3A_71] : memref<64x1xf32, #tpu.memory_space<vmem>>, vector<64x1xf32>
      tpu.vector_store %arg10[%swap3A_70, %swap3A_71], %broadcast_in_dim3A_69 {strides = array<i32>} : memref<64x1xf32, #tpu.memory_space<vmem>>, vector<64x1xf32>,
    } else {
    }
    %get3A = arith.constant 0 : index
    %get3A_2 = arith.constant 0 : index
    %get3A_3 = arith.constant 0 : index
    %get3A_4 = vector.load %arg1[%get3A, %get3A_2, %get3A_3] : memref<2x1000x128xf32, #tpu.memory_space<vmem>>, vector<2x1000x128xf32>
    %get3A_5 = arith.constant 0 : index
    %get3A_6 = arith.constant 0 : index
    %get3A_7 = vector.load %arg2[%get3A_5, %get3A_6] : memref<1000x128xf32, #tpu.memory_space<vmem>>, vector<1000x128xf32>
    %slice3A = vector.extract_strided_slice %get3A_4 {offsets = [0, 0, 0], sizes = [1, 1000, 128], strides = [1, 1, 1]} : vector<2x1000x128xf32> to vector<1x1000x128xf32>
    %squeeze3A = vector.shape_cast %slice3A : vector<1x1000x128xf32> to vector<1000x128xf32>
    %slice3A_8 = vector.extract_strided_slice %get3A_4 {offsets = [1, 0, 0], sizes = [1, 1000, 128], strides = [1, 1, 1]} : vector<2x1000x128xf32> to vector<1x1000x128xf32>
    %squeeze3A_9 = vector.shape_cast %slice3A_8 : vector<1x1000x128xf32> to vector<1000x128xf32>
    %add3A = arith.addf %squeeze3A, %squeeze3A_9 : vector<1000x128xf32>
    %iota3A = tpu.iota {dimensions = array<i32: 0>} : vector<1000x1xi32>
    %mul3A = arith.constant 1000 : i32
    %mul3A_10 = arith.muli %arg0, %mul3A : i32
    %add3A_11 = vector.broadcast %mul3A_10 : i32 to vector<1000x1xi32>
    %add3A_12 = arith.addi %iota3A, %add3A_11 : vector<1000x1xi32>
    %lt3A = arith.constant 7680 : i32
    %lt3A_13 = vector.broadcast %lt3A : i32 to vector<1000x1xi32>
    %lt3A_14 = arith.cmpi slt, %add3A_12, %lt3A_13 : vector<1000x1xi32>
    %convert_element_type3A_15 = arith.extui %lt3A_14 : vector<1000x1xi1> to vector<1000x1xi32>
    %convert_element_type3A_16 = arith.sitofp %convert_element_type3A_15 : vector<1000x1xi32> to vector<1000x1xf32>
    %sub3A = arith.constant 1.000000e+00 : f32
    %sub3A_17 = vector.broadcast %sub3A : f32 to vector<1000x1xf32>
    %sub3A_18 = arith.subf %sub3A_17, %convert_element_type3A_16 : vector<1000x1xf32>
    %mul3A_19 = vector.broadcast %sub3A_18 : vector<1000x1xf32> to vector<1000x128xf32>
    %mul3A_20 = arith.mulf %get3A_7, %mul3A_19 : vector<1000x128xf32>
    %add3A_21 = arith.addf %add3A, %mul3A_20 : vector<1000x128xf32>
    %get3A_22 = arith.constant 0 : index
    %get3A_23 = arith.constant 0 : index
    %get3A_24 = vector.load %arg3[%get3A_22, %get3A_23] : memref<1000x1xf32, #tpu.memory_space<vmem>>, vector<1000x1xf32>
    %mul3A_25 = vector.broadcast %get3A_24 : vector<1000x1xf32> to vector<1000x128xf32>
    %mul3A_26 = arith.mulf %mul3A_25, %add3A_21 : vector<1000x128xf32>
    %get3A_27 = arith.constant 0 : index
    %get3A_28 = arith.constant 0 : index
    %get3A_29 = vector.load %arg4[%get3A_27, %get3A_28] : memref<1x128xf32, #tpu.memory_space<vmem>>, vector<1x128xf32>
    %add3A_30 = vector.broadcast %get3A_29 : vector<1x128xf32> to vector<1000x128xf32>
    %add3A_31 = arith.addf %mul3A_26, %add3A_30 : vector<1000x128xf32>
    %max3A = arith.constant 0.000000e+00 : f32
    %max3A_32 = vector.broadcast %max3A : f32 to vector<1000x128xf32>
    %max3A_33 = arith.maximumf %add3A_31, %max3A_32 : vector<1000x128xf32>
    %iota3A_34 = tpu.iota {dimensions = array<i32: 0>} : vector<64x1000xi32>
    %get3A_35 = arith.constant 0 : index
    %get3A_36 = arith.constant 0 : index
    %get3A_37 = arith.constant 0 : index
    %get3A_38 = vector.load %arg5[%get3A_35, %get3A_36, %get3A_37] : memref<1x1x1000xi32, #tpu.memory_space<vmem>>, vector<1x1x1000xi32>
    %reshape3A = vector.shape_cast %get3A_38 : vector<1x1x1000xi32> to vector<1x1000xi32>
    %eq3A_39 = vector.broadcast %reshape3A : vector<1x1000xi32> to vector<64x1000xi32>
    %eq3A_40 = arith.cmpi eq, %iota3A_34, %eq3A_39 : vector<64x1000xi32>
    %convert_element_type3A_41 = arith.extui %eq3A_40 : vector<64x1000xi1> to vector<64x1000xi32>
    %convert_element_type3A_42 = arith.sitofp %convert_element_type3A_41 : vector<64x1000xi32> to vector<64x1000xf32>
    %get3A_43 = arith.constant 0 : index
    %get3A_44 = arith.constant 0 : index
    %get3A_45 = vector.load %arg9[%get3A_43, %get3A_44] : memref<64x128xf32, #tpu.memory_space<vmem>>, vector<64x128xf32>
    %dot_general3A = arith.constant dense<0.000000e+00> : vector<64x128xf32>
    %dot_general3A_46 = tpu.matmul %convert_element_type3A_42, %max3A_33, %dot_general3A {dimension_numbers = #tpu.dot_dimension_numbers<[1], [0], [0], [1], [0, 0, 1, 1], [], []>, transpose_lhs_hint = false} : vector<64x1000xf32>, vector<1000x128xf32>, vector<64x128xf32> -> vector<64x128xf32>
    %add3A_47 = arith.addf %get3A_45, %dot_general3A_46 : vector<64x128xf32>
    %swap3A = arith.constant 0 : index
    %swap3A_48 = arith.constant 0 : index
    %swap3A_49 = vector.load %arg9[%swap3A, %swap3A_48] : memref<64x128xf32, #tpu.memory_space<vmem>>, vector<64x128xf32>
    tpu.vector_store %arg9[%swap3A, %swap3A_48], %add3A_47 {strides = array<i32>} : memref<64x128xf32, #tpu.memory_space<vmem>>, vector<64x128xf32>,
    %get3A_50 = arith.constant 0 : index
    %get3A_51 = arith.constant 0 : index
    %get3A_52 = vector.load %arg10[%get3A_50, %get3A_51] : memref<64x1xf32, #tpu.memory_space<vmem>>, vector<64x1xf32>
    %reduce_sum3A = arith.constant dense<0.000000e+00> : vector<64xf32>
    %reduce_sum3A_53 = vector.multi_reduction <add>, %convert_element_type3A_42, %reduce_sum3A [1] : vector<64x1000xf32> to vector<64xf32>
    %broadcast_in_dim3A = vector.shape_cast %reduce_sum3A_53 : vector<64xf32> to vector<64x1xf32>
    %add3A_54 = arith.addf %get3A_52, %broadcast_in_dim3A : vector<64x1xf32>
    %swap3A_55 = arith.constant 0 : index
    %swap3A_56 = arith.constant 0 : index
    %swap3A_57 = vector.load %arg10[%swap3A_55, %swap3A_56] : memref<64x1xf32, #tpu.memory_space<vmem>>, vector<64x1xf32>
    tpu.vector_store %arg10[%swap3A_55, %swap3A_56], %add3A_54 {strides = array<i32>} : memref<64x1xf32, #tpu.memory_space<vmem>>, vector<64x1xf32>,
    %eq3A_58 = arith.constant 9 : i32
    %eq3A_59 = arith.cmpi eq, %arg0, %eq3A_58 : i32
    %convert_element_type3A_60 = arith.extui %eq3A_59 : i1 to i32
    %cond3A_61 = arith.constant 0 : i32
    %cond3A_62 = arith.cmpi ne, %convert_element_type3A_60, %cond3A_61 : i32
    scf.if %cond3A_62 {
      %get3A_63 = arith.constant 0 : index
      %get3A_64 = arith.constant 0 : index
      %get3A_65 = vector.load %arg9[%get3A_63, %get3A_64] : memref<64x128xf32, #tpu.memory_space<vmem>>, vector<64x128xf32>
      %get3A_66 = arith.constant 0 : index
      %get3A_67 = arith.constant 0 : index
      %get3A_68 = vector.load %arg10[%get3A_66, %get3A_67] : memref<64x1xf32, #tpu.memory_space<vmem>>, vector<64x1xf32>
      %max3A_69 = arith.constant 1.000000e+00 : f32
      %max3A_70 = vector.broadcast %max3A_69 : f32 to vector<64x1xf32>
      %max3A_71 = arith.maximumf %get3A_68, %max3A_70 : vector<64x1xf32>
      %div3A = vector.broadcast %max3A_71 : vector<64x1xf32> to vector<64x128xf32>
      %div3A_72 = arith.divf %get3A_65, %div3A : vector<64x128xf32>
      %get3A_73 = arith.constant 0 : index
      %get3A_74 = arith.constant 0 : index
      %get3A_75 = vector.load %arg6[%get3A_73, %get3A_74] : memref<128x128xf32, #tpu.memory_space<vmem>>, vector<128x128xf32>
      %dot_general3A_76 = arith.constant dense<0.000000e+00> : vector<64x128xf32>
      %dot_general3A_77 = tpu.matmul %div3A_72, %get3A_75, %dot_general3A_76 {dimension_numbers = #tpu.dot_dimension_numbers<[1], [0], [0], [1], [0, 0, 1, 1], [], []>, transpose_lhs_hint = false} : vector<64x128xf32>, vector<128x128xf32>, vector<64x128xf32> -> vector<64x128xf32>
      %get3A_78 = arith.constant 0 : index
      %get3A_79 = arith.constant 0 : index
      %get3A_80 = vector.load %arg7[%get3A_78, %get3A_79] : memref<1x128xf32, #tpu.memory_space<vmem>>, vector<1x128xf32>
      %add3A_81 = vector.broadcast %get3A_80 : vector<1x128xf32> to vector<64x128xf32>
      %add3A_82 = arith.addf %dot_general3A_77, %add3A_81 : vector<64x128xf32>
      %swap3A_83 = arith.constant 0 : index
      %swap3A_84 = arith.constant 0 : index
      %swap3A_85 = vector.load %arg8[%swap3A_83, %swap3A_84] : memref<64x128xf32, #tpu.memory_space<vmem>>, vector<64x128xf32>
      tpu.vector_store %arg8[%swap3A_83, %swap3A_84], %add3A_82 {strides = array<i32>} : memref<64x128xf32, #tpu.memory_space<vmem>>, vector<64x128xf32>,
    } else {
    }
    return
  }
  func.func @transform_0(%arg0: i32) -> (i32, i32, i32) {
    %c0_i32 = arith.constant 0 : i32
    %c0_i32_0 = arith.constant 0 : i32
    %c0_i32_1 = arith.constant 0 : i32
    return %c0_i32, %arg0, %c0_i32_0 : i32, i32, i32
  }
  func.func @transform_1(%arg0: i32) -> (i32, i32) {
    %c0_i32 = arith.constant 0 : i32
    %c0_i32_0 = arith.constant 0 : i32
    return %arg0, %c0_i32 : i32, i32
  }
  func.func @transform_2(%arg0: i32) -> (i32, i32) {
    %c0_i32 = arith.constant 0 : i32
    %c0_i32_0 = arith.constant 0 : i32
    return %arg0, %c0_i32 : i32, i32
  }
  func.func @transform_3(%arg0: i32) -> (i32, i32) {
    %c0_i32 = arith.constant 0 : i32
    %c0_i32_0 = arith.constant 0 : i32
    %c0_i32_1 = arith.constant 0 : i32
    return %c0_i32, %c0_i32_0 : i32, i32
  }
  func.func @transform_4(%arg0: i32) -> (i32, i32, i32) {
    %c0_i32 = arith.constant 0 : i32
    %c0_i32_0 = arith.constant 0 : i32
    %c0_i32_1 = arith.constant 0 : i32
    return %arg0, %c0_i32, %c0_i32_0 : i32, i32, i32
  }
  func.func @transform_5(%arg0: i32) -> (i32, i32) {
    %c0_i32 = arith.constant 0 : i32
    %c0_i32_0 = arith.constant 0 : i32
    %c0_i32_1 = arith.constant 0 : i32
    return %c0_i32, %c0_i32_0 : i32, i32
  }
  func.func @transform_6(%arg0: i32) -> (i32, i32) {
    %c0_i32 = arith.constant 0 : i32
    %c0_i32_0 = arith.constant 0 : i32
    %c0_i32_1 = arith.constant 0 : i32
    return %c0_i32, %c0_i32_0 : i32, i32
  }
  func.func @transform_7(%arg0: i32) -> (i32, i32) {
    %c0_i32 = arith.constant 0 : i32
    %c0_i32_0 = arith.constant 0 : i32
    %c0_i32_1 = arith.constant 0 : i32
    return %c0_i32, %c0_i32_0 : i32, i32
  }
}

</mosaic_0001>

<sc_bundles>
// kernel: kernel.12.cloned.1.call-start
scs
__scs_entry_jumppad:
0x0: {  	(pc) =	sbr.rel $0x88, $3  }
0x1: {  	(tag) =	ssettag $0x0;
	lr =	simm.s32 $0x1  }
0x2: {  	[smem:$0x3F98] =	sst lr;
	_ =	strace $0xD0000000  }
0x3: {  	_ = 	snop  }
0x4: {  	_ = 	snop  }
0x5: {  	_ = 	snop  }
0x6: {  	_ = 	snop  }
0x7: {  	_ = 	snop  }
__scs_overlays_trampoline_lowered:
0x8: {  	[smem:$0x3FA7] =	sst s0  }
0x9: {  	[smem:$0x3FA8] =	sst s1  }
0xa: {  	[smem:$0x3FA9] =	sst s2  }
0xb: {  	[smem:$0x3FAA] =	sst s3  }
0xc: {  	[smem:$0x3FAB] =	sst s4  }
0xd: {  	[smem:$0x3FAC] =	sst s5  }
0xe: {  	[smem:$0x3FAD] =	sst s6  }
0xf: {  	[smem:$0x3FAE] =	sst s7  }
0x10: {  	[smem:$0x3FAF] =	sst s8  }
0x11: {  	[smem:$0x3FB0] =	sst s9;
	s0 =	simm.s32 @!p0 $0x0  }
0x12: {  	s1 =	sld [smem:$0x3F96];
	s0 =	simm.s32 @p0 $0x1  }
0x13: {  	[smem:$0x3FB1] =	sst s0;
	s0 =	simm.s32 @!p1 $0x0  }
0x14: {  	s2 =	sld [smem:$0x3F95];
	s0 =	simm.s32 @p1 $0x1  }
0x15: {  	[smem:$0x3FB2] =	sst s0;
	s0 =	simm.s32 @!p2 $0x0  }
0x16: {  	s3 =	sld [smem:$0x3FDB];
	s0 =	simm.s32 @p2 $0x1  }
0x17: {  	s4 =	simm.s32 $0x1BF5;
	[smem:$0x3FB4] =	sst s0  }
0x18: {  	s0 =	sld [smem:$0x3F97];
	_ =	swait.ge [sflag:s4], $0x0  }
0x19: {  	s7 =	sld [smem:$0x3F98]  }
0x1a: {  	s8 =	sadd.s32 $0xFFFFE003, lr  }
0x1b: {  	s9 =	sadd.s32 $0xFFFFFEF7, lr;
	s5 =	simm.s32 $0xFFFFFFFF;
	p2 =	slt.u32 s8, $0xFFFFF086  }
0x1c: {  	p1 =	slt.u32 s9, $0xF7A;
	s5 =	simm.s32 @!p2 $0x0  }
0x1d: {  	s5 =	simm.s32 @p1 $0x1;
	p0 =	seq.s32 s7, s2  }
0x1e: {  	s7 =	smul.u32 @!p0 $0xF7A, s2;
	p2 =	seq.s32 @!p0 s5, $0x0  }
0x1f: {  	s9 =	smul.u32 $0xF7A, s1;
	s8 =	simm.s32 @!p0 $0x1BF5;
	p2 =	por !p2, p0  }
0x20: {  	[sflag:s8] =	ssyncset.s32 @!p0 $0xFFFFF086;
	s6 =	sadd.s32 @!p0 s3, s7;
	s7 =	simm.s32 @!p0 $0x108  }
0x21: {  	s3 =	sadd.s32 s3, s9;
	s6 =	sadd.s32 @!p0 $0x88, s6;
	s7 =	simm.s32 @p2 $0x1082  }
0x22: {  	[simem:s7], [sflag:s8] =	dma.local @!p0 [hbm:s6], $0xF7A  }
0x23: {  	s9 =	sor.u32 $0xD0000000, s2;
	s6 =	simm.s32 $0x108;
	_ =	swait.ge @!p0 [sflag:s8], $0x0  }
0x24: {  	s3 =	sadd.s32 $0x88, s3;
	s6 =	simm.s32 @!p1 $0x1082;
	[sflag:s4] =	ssyncset.s32 $0xFFFFF086  }
0x25: {  	[simem:s6], [sflag:s4] =	dma.local [hbm:s3], $0xF7A  }
0x26: {  	[smem:$0x3F98] =	sst s1;
	(tag) =	ssettag s2;
	_ =	strace s9  }
0x27: {  	s1 =	sld [smem:$0x3FA8]  }
0x28: {  	s2 =	sld [smem:$0x3FA9]  }
0x29: {  	s4 =	sld [smem:$0x3FAB]  }
0x2a: {  	p0 =	seq.s32 s5, $0x0;
	s5 =	sld [smem:$0x3FAC]  }
0x2b: {  	s6 =	sld [smem:$0x3FAD]  }
0x2c: {  	s7 =	sld [smem:$0x3FAE]  }
0x2d: {  	s3 =	simm.s32 $0x108;
	s8 =	sld [smem:$0x3FAF]  }
0x2e: {  	s3 =	simm.s32 @!p0 $0x1082;
	s9 =	sld [smem:$0x3FB0]  }
0x2f: {  	lr =	sadd.s32 s0, s3;
	s0 =	sld [smem:$0x3FA7]  }
0x30: {  	s3 =	sld [smem:$0x3FAA]  }
0x31: {  	[smem:$0x3FB3] =	sst s10  }
0x32: {  	s10 =	sld [smem:$0x3FB1];
	_ =	sdelay $0x3  }
0x33: {  	p0 =	seq.s32 s10, $0x1;
	s10 =	sld [smem:$0x3FB3];
	_ =	sdelay $0x3  }
0x34: {  	[smem:$0x3FB3] =	sst s10  }
0x35: {  	s10 =	sld [smem:$0x3FB2];
	_ =	sdelay $0x3  }
0x36: {  	p1 =	seq.s32 s10, $0x1;
	s10 =	sld [smem:$0x3FB3];
	_ =	sdelay $0x3  }
0x37: {  	[smem:$0x3FB3] =	sst s10  }
0x38: {  	s10 =	sld [smem:$0x3FB4]  }
0x39: {  	_ = 	snop;
	(pc) =	sbr.ind lr, $3  }
0x3a: {  	_ = 	snop  }
0x3b: {  	_ = 	snop  }
0x3c: {  	p2 =	seq.s32 s10, $0x1;
	s10 =	sld [smem:$0x3FB3]  }
0x3d: {  	_ =	shalt  }
0x3e: {  	_ =	shalt  }
0x3f: {  	_ =	shalt  }
0x40: {  	_ =	shalt  }
0x41: {  	_ =	shalt  }
0x42: {  	_ =	shalt  }
0x43: {  	_ =	shalt  }
0x44: {  	_ =	shalt  }
0x45: {  	_ =	shalt  }
0x46: {  	_ =	shalt  }
0x47: {  	_ =	shalt  }
0x48: {  	_ =	shalt  }
0x49: {  	_ =	shalt  }
0x4a: {  	_ =	shalt  }
0x4b: {  	_ =	shalt  }
0x4c: {  	_ =	shalt  }
0x4d: {  	_ =	shalt  }
0x4e: {  	_ =	shalt  }
0x4f: {  	_ =	shalt  }
0x50: {  	_ =	shalt  }
0x51: {  	_ =	shalt  }
0x52: {  	_ =	shalt  }
0x53: {  	_ =	shalt  }
0x54: {  	_ =	shalt  }
0x55: {  	_ =	shalt  }
0x56: {  	_ =	shalt  }
0x57: {  	_ =	shalt  }
0x58: {  	_ =	shalt  }
0x59: {  	_ =	shalt  }
0x5a: {  	_ =	shalt  }
0x5b: {  	_ =	shalt  }
0x5c: {  	_ =	shalt  }
0x5d: {  	_ =	shalt  }
0x5e: {  	_ =	shalt  }
0x5f: {  	_ =	shalt  }
0x60: {  	_ =	shalt  }
0x61: {  	_ =	shalt  }
0x62: {  	_ =	shalt  }
0x63: {  	_ =	shalt  }
0x64: {  	_ =	shalt  }
0x65: {  	_ =	shalt  }
0x66: {  	_ =	shalt  }
0x67: {  	_ =	shalt  }
0x68: {  	_ =	shalt  }
0x69: {  	_ =	shalt  }
0x6a: {  	_ =	shalt  }
0x6b: {  	_ =	shalt  }
0x6c: {  	_ =	shalt  }
0x6d: {  	_ =	shalt  }
0x6e: {  	_ =	shalt  }
0x6f: {  	_ =	shalt  }
0x70: {  	_ =	shalt  }
0x71: {  	_ =	shalt  }
0x72: {  	_ =	shalt  }
0x73: {  	_ =	shalt  }
0x74: {  	_ =	shalt  }
0x75: {  	_ =	shalt  }
0x76: {  	_ =	shalt  }
0x77: {  	_ =	shalt  }
0x78: {  	_ =	shalt  }
0x79: {  	_ =	shalt  }
0x7a: {  	_ =	shalt  }
0x7b: {  	_ =	shalt  }
0x7c: {  	_ =	shalt  }
0x7d: {  	_ =	shalt  }
0x7e: {  	_ =	shalt  }
0x7f: {  	_ =	shalt  }
0x80: {  	_ =	shalt  }
0x81: {  	_ =	shalt  }
0x82: {  	_ =	shalt  }
0x83: {  	_ =	shalt  }
0x84: {  	_ =	shalt  }
0x85: {  	_ =	shalt  }
0x86: {  	_ =	shalt  }
0x87: {  	_ =	shalt  }
.Lfunc_end0:
.L_simem_size_0:
called_computation.1_lowered:
.L_overlay_start_0:
0x88: {  	s2 =	sld [smem:$0x3FD9]  }
0x89: {  	s3 =	sld [smem:$0x3FFE];
	_ =	sdelay $0x1  }
0x8a: {  	s1 =	srdreg.scid  }
0x8b: {  	s0 =	sand.u32 $0x1, s1  }
0x8c: {  	s16 =	sshll.u32 s0, $0xA;
	s2 =	sadd.s32 s3, s2  }
0x8d: {  	s2 =	sadd.s32 s2, s16  }
0x8e: {  	[smem:$0x3FBF] =	sst s2  }
0x8f: {  	_ = 	snop  }
0x90: {  	(tm) =	ssettm $0x1  }
0x91: {  	s17 =	sld [smem:$0x3FFB];
	_ =	sdelay $0x3  }
0x92: {  	_ =	strace s17  }
0x93: {  	s2 =	sld [smem:$0x3FFC];
	_ =	sdelay $0x3  }
0x94: {  	_ =	strace s2  }
0x95: {  	s2 =	sld [smem:$0x3FFD];
	_ =	sdelay $0x3  }
0x96: {  	_ =	strace s2  }
0x97: {  	_ =	strace $0x8FFFFFFF  }
0x98: {  	s18 =	sld [smem:$0x3FDB];
	_ =	sdelay $0x1  }
0x99: {  	s19 =	simm.s32 $_scs_section_size  }
0x9a: {  	s4 =	simm.s32 $_size__tile_overlayer_lowered;
	s5 =	simm.s32 $_tile_overlayer_lowered  }
0x9b: {  	s22 =	simm.s32 $0x1BFF;
	s21 =	sshll.u32 s5, $0x1;
	s2 =	sadd.s32 s19, s18  }
0x9c: {  	s6 =	simm.s32 $0x0;
	s20 =	sshll.u32 s4, $0x1;
	s4 =	sadd.s32 s21, s2  }
0x9d: {  	[timem:s6], [sflag:s22] =	dma.local [hbm:s4], s20  }
0x9e: {  	_ =	swait.ge [sflag:s22], s20  }
0x9f: {  	s3 =	ssub.s32 $0x0, s20;
	[sflag:s22] =	ssyncset.done $0x0  }
0xa0: {  	[sflag:s22] =	ssyncadd.s32 s3;
	_ =	sdelay $0x1  }
0xa1: {  	s23 =	simm.s32 $0x1B8B  }
0xa2: {  	_ =	swait.ge [sflag:s23], $0x1  }
0xa3: {  	[sflag:s23] =	ssyncset.done $0x0  }
0xa4: {  	s25 =	simm.s32 $0x1B8E;
	s24 =	sld [smem:$0x3FFE];
	[sflag:s23] =	ssyncadd.s32 $0xFFFFFFFF  }
0xa5: {  	s26 =	simm.s32 $execute0_lowered;
	[smem:$0x3FD2] =	sst s25  }
0xa6: {  	s4 =	sshll.u32 s26, $0x1;
	_ =	strace $0x80000049;
	[dreg:$0x1] =	wrdreg $0xFFFFFFFF  }
0xa7: {  	s28 =	simm.s32 $_size_execute0_lowered;
	s2 =	sadd.s32 s2, s4;
	[dreg:$0x0] =	wrdreg $0x0  }
0xa8: {  	s4 =	sshll.u32 s28, $0x1;
	[dreg:$0x2] =	wrdreg s2  }
0xa9: {  	[dreg:$0x3] =	wrdreg s4  }
0xaa: {  	[dreg:$0x4] =	wrdreg $0xC0  }
0xab: {  	_ =	task [dreg:s6], $0x5FFFF  }
0xac: {  	[dreg:$0x1] =	wrdreg $0xFFFFFFFF  }
0xad: {  	[dreg:$0x0] =	wrdreg $0x60  }
0xae: {  	[dreg:$0x2] =	wrdreg s24  }
0xaf: {  	[dreg:$0x3] =	wrdreg $0x0  }
0xb0: {  	[dreg:$0x4] =	wrdreg $0x9  }
0xb1: {  	_ =	task.clear_ibuf [dreg:s6], $0x5FFFF;
	_ =	strace $0x90000049  }
0xb2: {  	s29 =	simm.s32 $0x9;
	_ =	strace $0x8000004B  }
0xb3: {  	_ =	swait.ge [sflag:s29], $0x1  }
0xb4: {  	[sflag:s29] =	ssyncadd.s32 $0xFFFFFFFF  }
0xb5: {  	_ =	strace $0x9000004B  }
0xb6: {  	_ =	sfence  }
0xb7: {  	s30 =	sld [smem:$0x0];
	_ =	sdelay $0x2  }
0xb8: {  	s31 =	sshll.u32 s1, $0xD;
	s1 =	sshrl.u32 s1, $0x2  }
0xb9: {  	s3 =	sand.u32 $0x4000, s31;
	s1 =	sadd.s32 s1, s30  }
0xba: {  	s0 =	sor.u32 s3, s0;
	s1 =	sshll.u32 s1, $0x11  }
0xbb: {  	s0 =	sor.u32 s1, s0  }
0xbc: {  	s0 =	sadd.s32 $0x8F2B, s0  }
0xbd: {  	[sflag:s0] =	ssyncadd.remote.s32 $0x1  }
0xbe: {  	_ =	sfence.sel $0xFFFF  }
0xbf: {  	[dreg:$0x0] =	wrdreg $0xFFFFFFFF;
	(pc) =	sbr.abs _section_cstart, $3  }
0xc0: {  	[dreg:$0x1] =	wrdreg $0xFFFFFFFF  }
0xc1: {  	_ =	task.clear_ibuf [dreg:s6], $0x2FFFF;
	_ =	strace $0x9FFFFFFF  }
0xc2: {  	(tm) =	ssettm $0x7FFFFFFF  }
0xc3: {  	_ =	shalt  }
tec
execute0_lowered:
.L_overlay_start_1:
0x0: {  	(tag) =	ssettag $0x1  }
0x1: {  	s0 =	rddreg [dreg:$0x0]  }
0x2: {  	s1 =	rddreg [dreg:$0x1];
	s2 =	srdreg.scid;
	s3 =	simm.s32 $0x0  }
0x3: {  	s12 =	stileid.u32;
	s28 =	simm.s32 $0x14300;
	s29 =	simm.s32 $0x18400  }
0x4: {  	s30 =	simm.s32 $0x14180;
	s31 =	simm.s32 $0x14380;
	s2 =	sand.u32 $0x1, s2  }
0x5: {  	[smem:$0x7FF] =	sst s3;
	s6 =	smul.u32 $0x14000, s12;
	s4 =	sadd.s32 $0x16E00, s0  }
0x6: {  	s8 =	sadd.s32 $0x2E00, s0;
	s9 =	sadd.s32 $0xCE00, s0;
	s11 =	smul.u32 $0x50000, s12  }
0x7: {  	s7 =	sadd.s32 $0x3E000, s0;
	s24 =	sshll.u32 s12, $0x6;
	s25 =	smul.u32 $0xA0, s12  }
0x8: {  	s5 =	smul.u32 $0x140000, s2;
	_ =	strace $0x8000004A;
	[dreg:$0x9] =	wrdreg s7  }
0x9: {  	s20 =	ssub.s32 $0x2, s2;
	s21 =	sshll.u32 s2, $0x4;
	s2 =	smul.u32 $0xA00, s2  }
0xa: {  	s10 =	sshrl.u32 s20, $0x1;
	s7 =	sor.u32 s12, s21;
	s23 =	sshrl.u32 s11, $0x2  }
0xb: {  	s5 =	sadd.s32 s6, s5;
	s22 =	smul.u32 $0x500, s7;
	s7 =	sadd.s32 s23, s1  }
0xc: {  	s2 =	sadd.s32 s25, s2;
	s5 =	sshrl.u32 s5, $0x3;
	[dreg:$0xa] =	wrdreg s7  }
0xd: {  	s7 =	sor.u32 $0x1C05, s24;
	s2 =	sshll.u32 s2, $0x3;
	s26 =	sadd.s32 s8, s22  }
0xe: {  	s0 =	sadd.s32 s5, s0;
	s12 =	sadd.s32 s9, s22;
	[dreg:$0xb] =	wrdreg s26  }
0xf: {  	s5 =	ssub.s32 s20, s10;
	s19 =	sadd.s32 s2, s8;
	[dreg:$0xc] =	wrdreg s12  }
0x10: {  	s13 =	sor.u32 $0x8, s22;
	s20 =	sadd.s32 s2, s9;
	[dreg:$0x3] =	wrdreg s19  }
0x11: {  	s15 =	sor.u32 $0x10, s22;
	s14 =	sadd.s32 s8, s13;
	[dreg:$0x4] =	wrdreg s20  }
0x12: {  	s6 =	sor.u32 $0x18, s22;
	s16 =	sadd.s32 s9, s13;
	[dreg:$0xd] =	wrdreg s14  }
0x13: {  	s21 =	sor.u32 $0x30, s2;
	s17 =	sadd.s32 s8, s15;
	[dreg:$0xe] =	wrdreg s16  }
0x14: {  	s2 =	sor.u32 $0x20, s2;
	s18 =	sadd.s32 s9, s15;
	[dreg:$0xf] =	wrdreg s17  }
0x15: {  	s22 =	sadd.s32 s8, s6;
	s23 =	sadd.s32 s21, s8;
	[dreg:$0x10] =	wrdreg s18  }
0x16: {  	s24 =	sadd.s32 s21, s9;
	s6 =	sadd.s32 s9, s6;
	[dreg:$0x11] =	wrdreg s22  }
0x17: {  	s25 =	sadd.s32 s2, s8;
	s26 =	sadd.s32 s2, s9;
	[dreg:$0x5] =	wrdreg s23  }
0x18: {  	s19 =	simm.s32 $0x14000;
	s20 =	simm.s32 $0x14200;
	[dreg:$0x12] =	wrdreg s6  }
0x19: {  	s21 =	simm.s32 $0x40;
	s2 =	simm.s32 $0x1;
	[dreg:$0x6] =	wrdreg s24  }
0x1a: {  	s8 =	simm.s32 $0x4;
	s9 =	simm.s32 $0x0;
	[dreg:$0x7] =	wrdreg s25  }
0x1b: {  	s16 =	sadd.s32 $0x40800, s0;
	s17 =	smax.u32 s5, $0x1;
	[dreg:$0x8] =	wrdreg s26  }
0x1c: {  	s18 =	simm.s32 $0x5;
	s22 =	simm.s32 $0x14400;
	s23 =	simm.s32 $0x14080  }
0x1d: {  	s24 =	simm.s32 $0x14280;
	s25 =	simm.s32 $0x16400;
	s26 =	simm.s32 $0x14100  }
0x1e: {  	s0 =	simm.s32 $0x1A400;
	s5 =	simm.s32 $0x2;
	s6 =	simm.s32 $0x3  }
.LBB2_1:
0x1f: {  	s10 =	rddreg [dreg:$0xa]  }
0x20: {  	s11 =	rddreg [dreg:$0x9];
	s10 =	sshrl.u32 s10, $0x3  }
0x21: {  	[spmem:s10], [sflag:s7] =	dma.local [hbm:s11], $0x2800  }
0x22: {  	_ =	swait.ge [sflag:s18], $0x2800  }
0x23: {  	[sflag:s18] =	ssyncset.done $0x0  }
0x24: {  	[sflag:s18] =	ssyncadd.s32 $0xFFFFD800  }
0x25: {  	[bflag:$0x0] =	sbarrier.arrive $0xFFFF  }
0x26: {  	s15 =	rddreg [dreg:$0xb]  }
0x27: {  	[tilespmem:s19], [sflag:$0x5] =	stream.linear.gather [hbm4b:s15+s3], $0x40, $0x38;
	[tilespmem:$0x1C400] =	vst v63  }
0x28: {  	_ =	swait.ge [sflag:s18], $0x40  }
0x29: {  	[sflag:s18] =	ssyncset.done $0x0  }
0x2a: {  	s12 =	rddreg [dreg:$0xc];
	[sflag:s18] =	ssyncadd.s32 $0xFFFFFFC0  }
0x2b: {  	[tilespmem:s20], [sflag:$0x5] =	stream.linear.gather [hbm4b:s12+s3], $0x40, $0x38;
	[tilespmem:$0x1C400] =	vst v63  }
0x2c: {  	_ =	swait.ge [sflag:s18], $0x40  }
0x2d: {  	[sflag:s18] =	ssyncset.done $0x0  }
0x2e: {  	[sflag:s18] =	ssyncadd.s32 $0xFFFFFFC0  }
0x2f: {  	[tilespmem:s22], [sflag:$0x1] =	stream.indirect.gather [hbm4b:s4+s21], $0x80, s19, s21, $0xb8;
	[tilespmem:$0x1C400] =	vst v63  }
0x30: {  	s13 =	rddreg [dreg:$0xd]  }
0x31: {  	[tilespmem:s23], [sflag:$0x5] =	stream.linear.gather [hbm4b:s13+s3], $0x40, $0x38;
	[tilespmem:$0x1C400] =	vst v63  }
0x32: {  	_ =	swait.ge [sflag:s18], $0x40  }
0x33: {  	[sflag:s18] =	ssyncset.done $0x0  }
0x34: {  	s14 =	rddreg [dreg:$0xe];
	[sflag:s18] =	ssyncadd.s32 $0xFFFFFFC0  }
0x35: {  	[tilespmem:s24], [sflag:$0x5] =	stream.linear.gather [hbm4b:s14+s3], $0x40, $0x38;
	[tilespmem:$0x1C400] =	vst v63  }
0x36: {  	_ =	swait.ge [sflag:s18], $0x40  }
0x37: {  	[sflag:s18] =	ssyncset.done $0x0  }
0x38: {  	[sflag:s18] =	ssyncadd.s32 $0xFFFFFFC0  }
0x39: {  	[tilespmem:s25], [sflag:$0x2] =	stream.indirect.gather [hbm4b:s4+s21], $0x80, s23, s21, $0xb8;
	[tilespmem:$0x1C400] =	vst v63  }
0x3a: {  	s15 =	rddreg [dreg:$0xf]  }
0x3b: {  	[tilespmem:s26], [sflag:$0x5] =	stream.linear.gather [hbm4b:s15+s3], $0x40, $0x38;
	[tilespmem:$0x1C400] =	vst v63  }
0x3c: {  	_ =	swait.ge [sflag:s18], $0x40  }
0x3d: {  	[sflag:s18] =	ssyncset.done $0x0  }
0x3e: {  	s12 =	rddreg [dreg:$0x10];
	[sflag:s18] =	ssyncadd.s32 $0xFFFFFFC0  }
0x3f: {  	[tilespmem:s28], [sflag:$0x5] =	stream.linear.gather [hbm4b:s12+s3], $0x40, $0x38;
	[tilespmem:$0x1C400] =	vst v63  }
0x40: {  	_ =	swait.ge [sflag:s18], $0x40  }
0x41: {  	[sflag:s18] =	ssyncset.done $0x0  }
0x42: {  	[sflag:s18] =	ssyncadd.s32 $0xFFFFFFC0  }
0x43: {  	[tilespmem:s29], [sflag:$0x3] =	stream.indirect.gather [hbm4b:s4+s21], $0x80, s26, s21, $0xb8;
	[tilespmem:$0x1C400] =	vst v63  }
0x44: {  	s13 =	rddreg [dreg:$0x11]  }
0x45: {  	[tilespmem:s30], [sflag:$0x5] =	stream.linear.gather [hbm4b:s13+s3], $0x40, $0x38;
	[tilespmem:$0x1C400] =	vst v63  }
0x46: {  	_ =	swait.ge [sflag:s18], $0x40  }
0x47: {  	[sflag:s18] =	ssyncset.done $0x0  }
0x48: {  	s14 =	rddreg [dreg:$0x12];
	[sflag:s18] =	ssyncadd.s32 $0xFFFFFFC0  }
0x49: {  	[tilespmem:s31], [sflag:$0x5] =	stream.linear.gather [hbm4b:s14+s3], $0x40, $0x38;
	[tilespmem:$0x1C400] =	vst v63  }
0x4a: {  	_ =	swait.ge [sflag:s18], $0x40  }
0x4b: {  	[sflag:s18] =	ssyncset.done $0x0  }
0x4c: {  	[sflag:s18] =	ssyncadd.s32 $0xFFFFFFC0  }
0x4d: {  	[tilespmem:s0], [sflag:$0x4] =	stream.indirect.gather [hbm4b:s4+s21], $0x80, s30, s21, $0xb8;
	[tilespmem:$0x1C400] =	vst v63  }
0x4e: {  	_ =	swait.ge [sflag:s2], $0x2000  }
0x4f: {  	[sflag:s2] =	ssyncset.done $0x0  }
0x50: {  	[sflag:s2] =	ssyncadd.s32 $0xFFFFE000  }
0x51: {  	[spmem:s1] =	stream.indirect.scatter.add.f32 [tilespmem:s22], [sflag:$0x5], $0x80, s20, s21, $0xb8;
	[tilespmem:$0x1C400] =	vst v63  }
0x52: {  	_ =	swait.ge [sflag:s18], $0x2000  }
0x53: {  	s15 =	rddreg [dreg:$0x7];
	[sflag:s18] =	ssyncset.done $0x0  }
0x54: {  	[sflag:s18] =	ssyncadd.s32 $0xFFFFE000;
	s11 =	sadd.s32 $0x0, s15  }
0x55: {  	[tilespmem:s19], [sflag:$0x5] =	stream.linear.gather [hbm4b:s11+s3], $0x40, $0x38;
	[tilespmem:$0x1C400] =	vst v63  }
0x56: {  	_ =	swait.ge [sflag:s18], $0x40  }
0x57: {  	s12 =	rddreg [dreg:$0x8];
	[sflag:s18] =	ssyncset.done $0x0  }
0x58: {  	[sflag:s18] =	ssyncadd.s32 $0xFFFFFFC0;
	s11 =	sadd.s32 $0x0, s12  }
0x59: {  	[tilespmem:s20], [sflag:$0x5] =	stream.linear.gather [hbm4b:s11+s3], $0x40, $0x38;
	[tilespmem:$0x1C400] =	vst v63  }
0x5a: {  	_ =	swait.ge [sflag:s18], $0x40  }
0x5b: {  	[sflag:s18] =	ssyncset.done $0x0  }
0x5c: {  	[sflag:s18] =	ssyncadd.s32 $0xFFFFFFC0  }
0x5d: {  	[tilespmem:s22], [sflag:$0x1] =	stream.indirect.gather [hbm4b:s4+s21], $0x80, s19, s21, $0xb8;
	[tilespmem:$0x1C400] =	vst v63  }
0x5e: {  	_ =	swait.ge [sflag:s5], $0x2000  }
0x5f: {  	[sflag:s5] =	ssyncset.done $0x0  }
0x60: {  	[sflag:s5] =	ssyncadd.s32 $0xFFFFE000  }
0x61: {  	[spmem:s1] =	stream.indirect.scatter.add.f32 [tilespmem:s25], [sflag:$0x5], $0x80, s24, s21, $0xb8;
	[tilespmem:$0x1C400] =	vst v63  }
0x62: {  	_ =	swait.ge [sflag:s18], $0x2000  }
0x63: {  	s13 =	rddreg [dreg:$0x3]  }
0x64: {  	[sflag:s18] =	ssyncset.done $0x0;
	s11 =	sadd.s32 $0x0, s13  }
0x65: {  	[sflag:s18] =	ssyncadd.s32 $0xFFFFE000;
	s12 =	sadd.s32 $0x28, s11  }
0x66: {  	[tilespmem:s23], [sflag:$0x5] =	stream.linear.gather [hbm4b:s12+s3], $0x40, $0x38;
	[tilespmem:$0x1C400] =	vst v63  }
0x67: {  	_ =	swait.ge [sflag:s18], $0x40  }
0x68: {  	s14 =	rddreg [dreg:$0x4]  }
0x69: {  	[sflag:s18] =	ssyncset.done $0x0;
	s12 =	sadd.s32 $0x0, s14  }
0x6a: {  	[sflag:s18] =	ssyncadd.s32 $0xFFFFFFC0;
	s13 =	sadd.s32 $0x28, s12  }
0x6b: {  	[tilespmem:s24], [sflag:$0x5] =	stream.linear.gather [hbm4b:s13+s3], $0x40, $0x38;
	[tilespmem:$0x1C400] =	vst v63  }
0x6c: {  	_ =	swait.ge [sflag:s18], $0x40  }
0x6d: {  	[sflag:s18] =	ssyncset.done $0x0  }
0x6e: {  	[sflag:s18] =	ssyncadd.s32 $0xFFFFFFC0  }
0x6f: {  	[tilespmem:s25], [sflag:$0x2] =	stream.indirect.gather [hbm4b:s4+s21], $0x80, s23, s21, $0xb8;
	[tilespmem:$0x1C400] =	vst v63  }
0x70: {  	_ =	swait.ge [sflag:s6], $0x2000  }
0x71: {  	[sflag:s6] =	ssyncset.done $0x0  }
0x72: {  	[sflag:s6] =	ssyncadd.s32 $0xFFFFE000  }
0x73: {  	[spmem:s1] =	stream.indirect.scatter.add.f32 [tilespmem:s29], [sflag:$0x5], $0x80, s28, s21, $0xb8;
	[tilespmem:$0x1C400] =	vst v63  }
0x74: {  	_ =	swait.ge [sflag:s18], $0x2000  }
0x75: {  	s15 =	rddreg [dreg:$0x5];
	[sflag:s18] =	ssyncset.done $0x0  }
0x76: {  	[sflag:s18] =	ssyncadd.s32 $0xFFFFE000;
	s13 =	sadd.s32 $0x0, s15  }
0x77: {  	[tilespmem:s26], [sflag:$0x5] =	stream.linear.gather [hbm4b:s13+s3], $0x40, $0x38;
	[tilespmem:$0x1C400] =	vst v63  }
0x78: {  	_ =	swait.ge [sflag:s18], $0x40  }
0x79: {  	s14 =	rddreg [dreg:$0x6];
	[sflag:s18] =	ssyncset.done $0x0  }
0x7a: {  	[sflag:s18] =	ssyncadd.s32 $0xFFFFFFC0;
	s13 =	sadd.s32 $0x0, s14  }
0x7b: {  	[tilespmem:s28], [sflag:$0x5] =	stream.linear.gather [hbm4b:s13+s3], $0x40, $0x38;
	[tilespmem:$0x1C400] =	vst v63  }
0x7c: {  	_ =	swait.ge [sflag:s18], $0x40  }
0x7d: {  	[sflag:s18] =	ssyncset.done $0x0  }
0x7e: {  	[sflag:s18] =	ssyncadd.s32 $0xFFFFFFC0  }
0x7f: {  	[tilespmem:s29], [sflag:$0x3] =	stream.indirect.gather [hbm4b:s4+s21], $0x80, s26, s21, $0xb8;
	[tilespmem:$0x1C400] =	vst v63  }
0x80: {  	_ =	swait.ge [sflag:s8], $0x2000  }
0x81: {  	[sflag:s8] =	ssyncset.done $0x0  }
0x82: {  	[sflag:s8] =	ssyncadd.s32 $0xFFFFE000  }
0x83: {  	[spmem:s1] =	stream.indirect.scatter.add.f32 [tilespmem:s0], [sflag:$0x5], $0x80, s31, s21, $0xb8;
	[tilespmem:$0x1C400] =	vst v63  }
0x84: {  	_ =	swait.ge [sflag:s18], $0x2000  }
0x85: {  	[sflag:s18] =	ssyncset.done $0x0  }
0x86: {  	s11 =	sadd.s32 $0x38, s11;
	[sflag:s18] =	ssyncadd.s32 $0xFFFFE000  }
0x87: {  	[tilespmem:s30], [sflag:$0x5] =	stream.linear.gather [hbm4b:s11+s3], $0x40, $0x38;
	[tilespmem:$0x1C400] =	vst v63  }
0x88: {  	_ =	swait.ge [sflag:s18], $0x40  }
0x89: {  	[sflag:s18] =	ssyncset.done $0x0  }
0x8a: {  	s15 =	sadd.s32 $0x38, s12;
	[sflag:s18] =	ssyncadd.s32 $0xFFFFFFC0  }
0x8b: {  	[tilespmem:s31], [sflag:$0x5] =	stream.linear.gather [hbm4b:s15+s3], $0x40, $0x38;
	[tilespmem:$0x1C400] =	vst v63  }
0x8c: {  	_ =	swait.ge [sflag:s18], $0x40  }
0x8d: {  	[sflag:s18] =	ssyncset.done $0x0  }
0x8e: {  	s11 =	simm.s32 $0x20;
	[sflag:s18] =	ssyncadd.s32 $0xFFFFFFC0  }
.LBB2_2:
0x8f: {  	[tilespmem:s0], [sflag:$0x4] =	stream.indirect.gather [hbm4b:s4+s21], $0x80, s30, s21, $0xb8;
	[tilespmem:$0x1C400] =	vst v63  }
0x90: {  	_ =	swait.ge [sflag:s2], $0x2000  }
0x91: {  	[sflag:s2] =	ssyncset.done $0x0  }
0x92: {  	[sflag:s2] =	ssyncadd.s32 $0xFFFFE000  }
0x93: {  	[spmem:s1] =	stream.indirect.scatter.add.f32 [tilespmem:s22], [sflag:$0x5], $0x80, s20, s21, $0xb8;
	[tilespmem:$0x1C400] =	vst v63  }
0x94: {  	_ =	swait.ge [sflag:s18], $0x2000  }
0x95: {  	s12 =	smov.u32 s11;
	s13 =	rddreg [dreg:$0x7];
	[sflag:s18] =	ssyncset.done $0x0  }
0x96: {  	[sflag:s18] =	ssyncadd.s32 $0xFFFFE000;
	s13 =	sadd.s32 s12, s13  }
0x97: {  	[tilespmem:s19], [sflag:$0x5] =	stream.linear.gather [hbm4b:s13+s3], $0x40, $0x38;
	[tilespmem:$0x1C400] =	vst v63  }
0x98: {  	_ =	swait.ge [sflag:s18], $0x40  }
0x99: {  	s15 =	rddreg [dreg:$0x8];
	[sflag:s18] =	ssyncset.done $0x0  }
0x9a: {  	[sflag:s18] =	ssyncadd.s32 $0xFFFFFFC0;
	s13 =	sadd.s32 s12, s15  }
0x9b: {  	[tilespmem:s20], [sflag:$0x5] =	stream.linear.gather [hbm4b:s13+s3], $0x40, $0x38;
	[tilespmem:$0x1C400] =	vst v63  }
0x9c: {  	_ =	swait.ge [sflag:s18], $0x40  }
0x9d: {  	[sflag:s18] =	ssyncset.done $0x0  }
0x9e: {  	[sflag:s18] =	ssyncadd.s32 $0xFFFFFFC0  }
0x9f: {  	[tilespmem:s22], [sflag:$0x1] =	stream.indirect.gather [hbm4b:s4+s21], $0x80, s19, s21, $0xb8;
	[tilespmem:$0x1C400] =	vst v63  }
0xa0: {  	_ =	swait.ge [sflag:s5], $0x2000  }
0xa1: {  	[sflag:s5] =	ssyncset.done $0x0  }
0xa2: {  	[sflag:s5] =	ssyncadd.s32 $0xFFFFE000  }
0xa3: {  	[spmem:s1] =	stream.indirect.scatter.add.f32 [tilespmem:s25], [sflag:$0x5], $0x80, s24, s21, $0xb8;
	[tilespmem:$0x1C400] =	vst v63  }
0xa4: {  	_ =	swait.ge [sflag:s18], $0x2000  }
0xa5: {  	s14 =	rddreg [dreg:$0x3]  }
0xa6: {  	[sflag:s18] =	ssyncset.done $0x0;
	s13 =	sadd.s32 s12, s14  }
0xa7: {  	[sflag:s18] =	ssyncadd.s32 $0xFFFFE000;
	s14 =	sadd.s32 $0x28, s13  }
0xa8: {  	[tilespmem:s23], [sflag:$0x5] =	stream.linear.gather [hbm4b:s14+s3], $0x40, $0x38;
	[tilespmem:$0x1C400] =	vst v63  }
0xa9: {  	_ =	swait.ge [sflag:s18], $0x40  }
0xaa: {  	s15 =	rddreg [dreg:$0x4]  }
0xab: {  	[sflag:s18] =	ssyncset.done $0x0;
	s14 =	sadd.s32 s12, s15  }
0xac: {  	[sflag:s18] =	ssyncadd.s32 $0xFFFFFFC0;
	s15 =	sadd.s32 $0x28, s14  }
0xad: {  	[tilespmem:s24], [sflag:$0x5] =	stream.linear.gather [hbm4b:s15+s3], $0x40, $0x38;
	[tilespmem:$0x1C400] =	vst v63  }
0xae: {  	_ =	swait.ge [sflag:s18], $0x40  }
0xaf: {  	[sflag:s18] =	ssyncset.done $0x0  }
0xb0: {  	[sflag:s18] =	ssyncadd.s32 $0xFFFFFFC0  }
0xb1: {  	[tilespmem:s25], [sflag:$0x2] =	stream.indirect.gather [hbm4b:s4+s21], $0x80, s23, s21, $0xb8;
	[tilespmem:$0x1C400] =	vst v63  }
0xb2: {  	_ =	swait.ge [sflag:s6], $0x2000  }
0xb3: {  	[sflag:s6] =	ssyncset.done $0x0  }
0xb4: {  	[sflag:s6] =	ssyncadd.s32 $0xFFFFE000  }
0xb5: {  	[spmem:s1] =	stream.indirect.scatter.add.f32 [tilespmem:s29], [sflag:$0x5], $0x80, s28, s21, $0xb8;
	[tilespmem:$0x1C400] =	vst v63  }
0xb6: {  	_ =	swait.ge [sflag:s18], $0x2000  }
0xb7: {  	s15 =	rddreg [dreg:$0x5];
	[sflag:s18] =	ssyncset.done $0x0  }
0xb8: {  	[sflag:s18] =	ssyncadd.s32 $0xFFFFE000;
	s15 =	sadd.s32 s12, s15  }
0xb9: {  	[tilespmem:s26], [sflag:$0x5] =	stream.linear.gather [hbm4b:s15+s3], $0x40, $0x38;
	[tilespmem:$0x1C400] =	vst v63  }
0xba: {  	_ =	swait.ge [sflag:s18], $0x40  }
0xbb: {  	s15 =	rddreg [dreg:$0x6];
	[sflag:s18] =	ssyncset.done $0x0  }
0xbc: {  	[sflag:s18] =	ssyncadd.s32 $0xFFFFFFC0;
	s12 =	sadd.s32 s12, s15  }
0xbd: {  	[tilespmem:s28], [sflag:$0x5] =	stream.linear.gather [hbm4b:s12+s3], $0x40, $0x38;
	[tilespmem:$0x1C400] =	vst v63  }
0xbe: {  	_ =	swait.ge [sflag:s18], $0x40  }
0xbf: {  	[sflag:s18] =	ssyncset.done $0x0  }
0xc0: {  	[sflag:s18] =	ssyncadd.s32 $0xFFFFFFC0  }
0xc1: {  	[tilespmem:s29], [sflag:$0x3] =	stream.indirect.gather [hbm4b:s4+s21], $0x80, s26, s21, $0xb8;
	[tilespmem:$0x1C400] =	vst v63  }
0xc2: {  	_ =	swait.ge [sflag:s8], $0x2000  }
0xc3: {  	[sflag:s8] =	ssyncset.done $0x0  }
0xc4: {  	[sflag:s8] =	ssyncadd.s32 $0xFFFFE000  }
0xc5: {  	[spmem:s1] =	stream.indirect.scatter.add.f32 [tilespmem:s0], [sflag:$0x5], $0x80, s31, s21, $0xb8;
	[tilespmem:$0x1C400] =	vst v63  }
0xc6: {  	_ =	swait.ge [sflag:s18], $0x2000  }
0xc7: {  	[sflag:s18] =	ssyncset.done $0x0  }
0xc8: {  	s13 =	sadd.s32 $0x38, s13;
	[sflag:s18] =	ssyncadd.s32 $0xFFFFE000  }
0xc9: {  	[tilespmem:s30], [sflag:$0x5] =	stream.linear.gather [hbm4b:s13+s3], $0x40, $0x38;
	[tilespmem:$0x1C400] =	vst v63  }
0xca: {  	_ =	swait.ge [sflag:s18], $0x40  }
0xcb: {  	p0 =	sne.s32 s11, $0x4C0;
	[sflag:s18] =	ssyncset.done $0x0  }
.Ltmp0:
0xcc: {  	s15 =	sadd.s32 $0x38, s14;
	[sflag:s18] =	ssyncadd.s32 $0xFFFFFFC0;
	(pc) =	sbr.rel @p0 .LBB2_2-.Ltmp0, $4  }
0xcd: {  	[tilespmem:s31], [sflag:$0x5] =	stream.linear.gather [hbm4b:s15+s3], $0x40, $0x38;
	[tilespmem:$0x1C400] =	vst v63  }
0xce: {  	_ =	swait.ge [sflag:s18], $0x40  }
0xcf: {  	[sflag:s18] =	ssyncset.done $0x0  }
0xd0: {  	s11 =	sadd.s32 $0x20, s11;
	[sflag:s18] =	ssyncadd.s32 $0xFFFFFFC0  }
0xd1: {  	[tilespmem:s0], [sflag:$0x4] =	stream.indirect.gather [hbm4b:s4+s21], $0x80, s30, s21, $0xb8;
	[tilespmem:$0x1C400] =	vst v63  }
0xd2: {  	_ =	swait.ge [sflag:s2], $0x2000  }
0xd3: {  	[sflag:s2] =	ssyncset.done $0x0  }
0xd4: {  	[sflag:s2] =	ssyncadd.s32 $0xFFFFE000  }
0xd5: {  	[spmem:s1] =	stream.indirect.scatter.add.f32 [tilespmem:s22], [sflag:$0x5], $0x80, s20, s21, $0xb8;
	[tilespmem:$0x1C400] =	vst v63  }
0xd6: {  	_ =	swait.ge [sflag:s18], $0x2000  }
0xd7: {  	[sflag:s18] =	ssyncset.done $0x0  }
0xd8: {  	[sflag:s18] =	ssyncadd.s32 $0xFFFFE000  }
0xd9: {  	_ =	swait.ge [sflag:s5], $0x2000  }
0xda: {  	[sflag:s5] =	ssyncset.done $0x0  }
0xdb: {  	[sflag:s5] =	ssyncadd.s32 $0xFFFFE000  }
0xdc: {  	[spmem:s1] =	stream.indirect.scatter.add.f32 [tilespmem:s25], [sflag:$0x5], $0x80, s24, s21, $0xb8;
	[tilespmem:$0x1C400] =	vst v63  }
0xdd: {  	_ =	swait.ge [sflag:s18], $0x2000  }
0xde: {  	[sflag:s18] =	ssyncset.done $0x0  }
0xdf: {  	[sflag:s18] =	ssyncadd.s32 $0xFFFFE000  }
0xe0: {  	_ =	swait.ge [sflag:s6], $0x2000  }
0xe1: {  	[sflag:s6] =	ssyncset.done $0x0  }
0xe2: {  	[sflag:s6] =	ssyncadd.s32 $0xFFFFE000  }
0xe3: {  	[spmem:s1] =	stream.indirect.scatter.add.f32 [tilespmem:s29], [sflag:$0x5], $0x80, s28, s21, $0xb8;
	[tilespmem:$0x1C400] =	vst v63  }
0xe4: {  	_ =	swait.ge [sflag:s18], $0x2000  }
0xe5: {  	[sflag:s18] =	ssyncset.done $0x0  }
0xe6: {  	[sflag:s18] =	ssyncadd.s32 $0xFFFFE000  }
0xe7: {  	_ =	swait.ge [sflag:s8], $0x2000  }
0xe8: {  	[sflag:s8] =	ssyncset.done $0x0  }
0xe9: {  	[sflag:s8] =	ssyncadd.s32 $0xFFFFE000  }
0xea: {  	[spmem:s1] =	stream.indirect.scatter.add.f32 [tilespmem:s0], [sflag:$0x5], $0x80, s31, s21, $0xb8;
	[tilespmem:$0x1C400] =	vst v63  }
0xeb: {  	_ =	swait.ge [sflag:s18], $0x2000  }
0xec: {  	s9 =	sadd.s32 $0x1, s9;
	[sflag:s18] =	ssyncset.done $0x0  }
0xed: {  	p0 =	sne.s32 s9, s17;
	[sflag:s18] =	ssyncadd.s32 $0xFFFFE000  }
.Ltmp1:
0xee: {  	[bflag:$0x0] =	sbarrier.arrive $0xFFFF;
	(pc) =	sbr.rel @p0 .LBB2_1-.Ltmp1, $4  }
0xef: {  	[hbm:s16], [sflag:s7] =	dma.local [spmem:s10], $0x2800  }
0xf0: {  	_ =	swait.ge [sflag:s18], $0x2800  }
0xf1: {  	[sflag:s18] =	ssyncset.done $0x0  }
0xf2: {  	[sflag:s18] =	ssyncadd.s32 $0xFFFFD800  }
0xf3: {  	_ =	sfence.sel $0x180000  }
0xf4: {  	[bflag:$0x0] =	sbarrier.arrive $0xFFFF  }
0xf5: {  	_ =	strace $0x9000004A  }
0xf6: {  	s0 =	stileid.u32;
	[bflag:$0x2] =	sbarrier.arrive $0xFFFF  }
0xf7: {  	p0 =	sne.s32 s0, $0x0;
	s0 =	rddreg [dreg:$0x2]  }
0xf8: {  	s0 =	sadd.s32 @!p0 $0x100000, s0  }
0xf9: {  	[sflag:s0] =	ssyncadd.tile.s32 @!p0 $0x1;
	_ =	shalt  }
.Lfunc_end2:
_tile_overlayer_lowered:
.L_overlay_start_2:
0xfa: {  	(tag) =	ssettag $0x2  }
0xfb: {  	s0 =	rddreg [dreg:$0x0];
	s2 =	stileid.u32  }
0xfc: {  	s1 =	rddreg [dreg:$0x1];
	p0 =	sne.s32 s2, $0x0  }
0xfd: {  	s3 =	rddreg [dreg:$0x2];
	[bflag:$0x3] =	sbarrier.arrive $0xFFFF;
	s2 =	simm.s32 @!p0 $0x1C05  }
0xfe: {  	[timem:s3], [sflag:s2] =	dma.local @!p0 [hbm:s0], s1  }
0xff: {  	s0 =	simm.s32 @!p0 $0x5  }
0x100: {  	_ =	swait.ge @!p0 [sflag:s0], s1  }
0x101: {  	s1 =	ssub.s32 @!p0 $0x0, s1;
	[sflag:s0] =	ssyncset.done @!p0 $0x0  }
0x102: {  	[sflag:s0] =	ssyncadd.s32 @!p0 s1  }
0x103: {  	[bflag:$0x3] =	sbarrier.arrive $0xFFFF  }
0x104: {  	_ =	shalt  }

// kernel: kernel.15.cloned.1.call-start
scs
__scs_entry_jumppad:
0x0: {  	(pc) =	sbr.rel $0x88, $3  }
0x1: {  	(tag) =	ssettag $0x0;
	lr =	simm.s32 $0x1  }
0x2: {  	[smem:$0x3F98] =	sst lr;
	_ =	strace $0xD0000000  }
0x3: {  	_ = 	snop  }
0x4: {  	_ = 	snop  }
0x5: {  	_ = 	snop  }
0x6: {  	_ = 	snop  }
0x7: {  	_ = 	snop  }
__scs_overlays_trampoline_lowered:
0x8: {  	[smem:$0x3FA7] =	sst s0  }
0x9: {  	[smem:$0x3FA8] =	sst s1  }
0xa: {  	[smem:$0x3FA9] =	sst s2  }
0xb: {  	[smem:$0x3FAA] =	sst s3  }
0xc: {  	[smem:$0x3FAB] =	sst s4  }
0xd: {  	[smem:$0x3FAC] =	sst s5  }
0xe: {  	[smem:$0x3FAD] =	sst s6  }
0xf: {  	[smem:$0x3FAE] =	sst s7  }
0x10: {  	[smem:$0x3FAF] =	sst s8  }
0x11: {  	[smem:$0x3FB0] =	sst s9;
	s0 =	simm.s32 @!p0 $0x0  }
0x12: {  	s1 =	sld [smem:$0x3F96];
	s0 =	simm.s32 @p0 $0x1  }
0x13: {  	[smem:$0x3FB1] =	sst s0;
	s0 =	simm.s32 @!p1 $0x0  }
0x14: {  	s2 =	sld [smem:$0x3F95];
	s0 =	simm.s32 @p1 $0x1  }
0x15: {  	[smem:$0x3FB2] =	sst s0;
	s0 =	simm.s32 @!p2 $0x0  }
0x16: {  	s3 =	sld [smem:$0x3FDB];
	s0 =	simm.s32 @p2 $0x1  }
0x17: {  	s4 =	simm.s32 $0x1BF5;
	[smem:$0x3FB4] =	sst s0  }
0x18: {  	s0 =	sld [smem:$0x3F97];
	_ =	swait.ge [sflag:s4], $0x0  }
0x19: {  	s7 =	sld [smem:$0x3F98]  }
0x1a: {  	s8 =	sadd.s32 $0xFFFFE003, lr  }
0x1b: {  	s9 =	sadd.s32 $0xFFFFFEF7, lr;
	s5 =	simm.s32 $0xFFFFFFFF;
	p2 =	slt.u32 s8, $0xFFFFF086  }
0x1c: {  	p1 =	slt.u32 s9, $0xF7A;
	s5 =	simm.s32 @!p2 $0x0  }
0x1d: {  	s5 =	simm.s32 @p1 $0x1;
	p0 =	seq.s32 s7, s2  }
0x1e: {  	s7 =	smul.u32 @!p0 $0xF7A, s2;
	p2 =	seq.s32 @!p0 s5, $0x0  }
0x1f: {  	s9 =	smul.u32 $0xF7A, s1;
	s8 =	simm.s32 @!p0 $0x1BF5;
	p2 =	por !p2, p0  }
0x20: {  	[sflag:s8] =	ssyncset.s32 @!p0 $0xFFFFF086;
	s6 =	sadd.s32 @!p0 s3, s7;
	s7 =	simm.s32 @!p0 $0x108  }
0x21: {  	s3 =	sadd.s32 s3, s9;
	s6 =	sadd.s32 @!p0 $0x88, s6;
	s7 =	simm.s32 @p2 $0x1082  }
0x22: {  	[simem:s7], [sflag:s8] =	dma.local @!p0 [hbm:s6], $0xF7A  }
0x23: {  	s9 =	sor.u32 $0xD0000000, s2;
	s6 =	simm.s32 $0x108;
	_ =	swait.ge @!p0 [sflag:s8], $0x0  }
0x24: {  	s3 =	sadd.s32 $0x88, s3;
	s6 =	simm.s32 @!p1 $0x1082;
	[sflag:s4] =	ssyncset.s32 $0xFFFFF086  }
0x25: {  	[simem:s6], [sflag:s4] =	dma.local [hbm:s3], $0xF7A  }
0x26: {  	[smem:$0x3F98] =	sst s1;
	(tag) =	ssettag s2;
	_ =	strace s9  }
0x27: {  	s1 =	sld [smem:$0x3FA8]  }
0x28: {  	s2 =	sld [smem:$0x3FA9]  }
0x29: {  	s4 =	sld [smem:$0x3FAB]  }
0x2a: {  	p0 =	seq.s32 s5, $0x0;
	s5 =	sld [smem:$0x3FAC]  }
0x2b: {  	s6 =	sld [smem:$0x3FAD]  }
0x2c: {  	s7 =	sld [smem:$0x3FAE]  }
0x2d: {  	s3 =	simm.s32 $0x108;
	s8 =	sld [smem:$0x3FAF]  }
0x2e: {  	s3 =	simm.s32 @!p0 $0x1082;
	s9 =	sld [smem:$0x3FB0]  }
0x2f: {  	lr =	sadd.s32 s0, s3;
	s0 =	sld [smem:$0x3FA7]  }
0x30: {  	s3 =	sld [smem:$0x3FAA]  }
0x31: {  	[smem:$0x3FB3] =	sst s10  }
0x32: {  	s10 =	sld [smem:$0x3FB1];
	_ =	sdelay $0x3  }
0x33: {  	p0 =	seq.s32 s10, $0x1;
	s10 =	sld [smem:$0x3FB3];
	_ =	sdelay $0x3  }
0x34: {  	[smem:$0x3FB3] =	sst s10  }
0x35: {  	s10 =	sld [smem:$0x3FB2];
	_ =	sdelay $0x3  }
0x36: {  	p1 =	seq.s32 s10, $0x1;
	s10 =	sld [smem:$0x3FB3];
	_ =	sdelay $0x3  }
0x37: {  	[smem:$0x3FB3] =	sst s10  }
0x38: {  	s10 =	sld [smem:$0x3FB4]  }
0x39: {  	_ = 	snop;
	(pc) =	sbr.ind lr, $3  }
0x3a: {  	_ = 	snop  }
0x3b: {  	_ = 	snop  }
0x3c: {  	p2 =	seq.s32 s10, $0x1;
	s10 =	sld [smem:$0x3FB3]  }
0x3d: {  	_ =	shalt  }
0x3e: {  	_ =	shalt  }
0x3f: {  	_ =	shalt  }
0x40: {  	_ =	shalt  }
0x41: {  	_ =	shalt  }
0x42: {  	_ =	shalt  }
0x43: {  	_ =	shalt  }
0x44: {  	_ =	shalt  }
0x45: {  	_ =	shalt  }
0x46: {  	_ =	shalt  }
0x47: {  	_ =	shalt  }
0x48: {  	_ =	shalt  }
0x49: {  	_ =	shalt  }
0x4a: {  	_ =	shalt  }
0x4b: {  	_ =	shalt  }
0x4c: {  	_ =	shalt  }
0x4d: {  	_ =	shalt  }
0x4e: {  	_ =	shalt  }
0x4f: {  	_ =	shalt  }
0x50: {  	_ =	shalt  }
0x51: {  	_ =	shalt  }
0x52: {  	_ =	shalt  }
0x53: {  	_ =	shalt  }
0x54: {  	_ =	shalt  }
0x55: {  	_ =	shalt  }
0x56: {  	_ =	shalt  }
0x57: {  	_ =	shalt  }
0x58: {  	_ =	shalt  }
0x59: {  	_ =	shalt  }
0x5a: {  	_ =	shalt  }
0x5b: {  	_ =	shalt  }
0x5c: {  	_ =	shalt  }
0x5d: {  	_ =	shalt  }
0x5e: {  	_ =	shalt  }
0x5f: {  	_ =	shalt  }
0x60: {  	_ =	shalt  }
0x61: {  	_ =	shalt  }
0x62: {  	_ =	shalt  }
0x63: {  	_ =	shalt  }
0x64: {  	_ =	shalt  }
0x65: {  	_ =	shalt  }
0x66: {  	_ =	shalt  }
0x67: {  	_ =	shalt  }
0x68: {  	_ =	shalt  }
0x69: {  	_ =	shalt  }
0x6a: {  	_ =	shalt  }
0x6b: {  	_ =	shalt  }
0x6c: {  	_ =	shalt  }
0x6d: {  	_ =	shalt  }
0x6e: {  	_ =	shalt  }
0x6f: {  	_ =	shalt  }
0x70: {  	_ =	shalt  }
0x71: {  	_ =	shalt  }
0x72: {  	_ =	shalt  }
0x73: {  	_ =	shalt  }
0x74: {  	_ =	shalt  }
0x75: {  	_ =	shalt  }
0x76: {  	_ =	shalt  }
0x77: {  	_ =	shalt  }
0x78: {  	_ =	shalt  }
0x79: {  	_ =	shalt  }
0x7a: {  	_ =	shalt  }
0x7b: {  	_ =	shalt  }
0x7c: {  	_ =	shalt  }
0x7d: {  	_ =	shalt  }
0x7e: {  	_ =	shalt  }
0x7f: {  	_ =	shalt  }
0x80: {  	_ =	shalt  }
0x81: {  	_ =	shalt  }
0x82: {  	_ =	shalt  }
0x83: {  	_ =	shalt  }
0x84: {  	_ =	shalt  }
0x85: {  	_ =	shalt  }
0x86: {  	_ =	shalt  }
0x87: {  	_ =	shalt  }
.Lfunc_end0:
.L_simem_size_0:
called_computation.2_lowered:
.L_overlay_start_0:
0x88: {  	s2 =	sld [smem:$0x3FD9]  }
0x89: {  	s3 =	sld [smem:$0x3FFE];
	_ =	sdelay $0x1  }
0x8a: {  	s1 =	srdreg.scid  }
0x8b: {  	s0 =	sand.u32 $0x1, s1  }
0x8c: {  	s16 =	sshll.u32 s0, $0xA;
	s2 =	sadd.s32 s3, s2  }
0x8d: {  	s2 =	sadd.s32 s2, s16  }
0x8e: {  	[smem:$0x3FBF] =	sst s2  }
0x8f: {  	_ = 	snop  }
0x90: {  	(tm) =	ssettm $0x1  }
0x91: {  	s17 =	sld [smem:$0x3FFB];
	_ =	sdelay $0x3  }
0x92: {  	_ =	strace s17  }
0x93: {  	s2 =	sld [smem:$0x3FFC];
	_ =	sdelay $0x3  }
0x94: {  	_ =	strace s2  }
0x95: {  	s2 =	sld [smem:$0x3FFD];
	_ =	sdelay $0x3  }
0x96: {  	_ =	strace s2  }
0x97: {  	_ =	strace $0x8FFFFFFF  }
0x98: {  	s18 =	sld [smem:$0x3FDB];
	_ =	sdelay $0x1  }
0x99: {  	s19 =	simm.s32 $_scs_section_size  }
0x9a: {  	s4 =	simm.s32 $_size__tile_overlayer_lowered;
	s5 =	simm.s32 $_tile_overlayer_lowered  }
0x9b: {  	s22 =	simm.s32 $0x1BFF;
	s21 =	sshll.u32 s5, $0x1;
	s2 =	sadd.s32 s19, s18  }
0x9c: {  	s6 =	simm.s32 $0x0;
	s20 =	sshll.u32 s4, $0x1;
	s4 =	sadd.s32 s21, s2  }
0x9d: {  	[timem:s6], [sflag:s22] =	dma.local [hbm:s4], s20  }
0x9e: {  	_ =	swait.ge [sflag:s22], s20  }
0x9f: {  	s3 =	ssub.s32 $0x0, s20;
	[sflag:s22] =	ssyncset.done $0x0  }
0xa0: {  	[sflag:s22] =	ssyncadd.s32 s3;
	_ =	sdelay $0x1  }
0xa1: {  	s23 =	simm.s32 $0x1B8B  }
0xa2: {  	_ =	swait.ge [sflag:s23], $0x1  }
0xa3: {  	[sflag:s23] =	ssyncset.done $0x0  }
0xa4: {  	s25 =	simm.s32 $0x1B8E;
	s24 =	sld [smem:$0x3FFE];
	[sflag:s23] =	ssyncadd.s32 $0xFFFFFFFF  }
0xa5: {  	s26 =	simm.s32 $execute0_lowered;
	[smem:$0x3FD2] =	sst s25  }
0xa6: {  	s4 =	sshll.u32 s26, $0x1;
	_ =	strace $0x8000004C;
	[dreg:$0x1] =	wrdreg $0xFFFFFFFF  }
0xa7: {  	s28 =	simm.s32 $_size_execute0_lowered;
	s2 =	sadd.s32 s2, s4;
	[dreg:$0x0] =	wrdreg $0x0  }
0xa8: {  	s4 =	sshll.u32 s28, $0x1;
	[dreg:$0x2] =	wrdreg s2  }
0xa9: {  	[dreg:$0x3] =	wrdreg s4  }
0xaa: {  	[dreg:$0x4] =	wrdreg $0xC0  }
0xab: {  	_ =	task [dreg:s6], $0x5FFFF  }
0xac: {  	[dreg:$0x1] =	wrdreg $0xFFFFFFFF  }
0xad: {  	[dreg:$0x0] =	wrdreg $0x60  }
0xae: {  	[dreg:$0x2] =	wrdreg s24  }
0xaf: {  	[dreg:$0x3] =	wrdreg $0x0  }
0xb0: {  	[dreg:$0x4] =	wrdreg $0x9  }
0xb1: {  	_ =	task.clear_ibuf [dreg:s6], $0x5FFFF;
	_ =	strace $0x9000004C  }
0xb2: {  	s29 =	simm.s32 $0x9;
	_ =	strace $0x8000004E  }
0xb3: {  	_ =	swait.ge [sflag:s29], $0x1  }
0xb4: {  	[sflag:s29] =	ssyncadd.s32 $0xFFFFFFFF  }
0xb5: {  	_ =	strace $0x9000004E  }
0xb6: {  	_ =	sfence  }
0xb7: {  	s30 =	sld [smem:$0x0];
	_ =	sdelay $0x2  }
0xb8: {  	s31 =	sshll.u32 s1, $0xD;
	s1 =	sshrl.u32 s1, $0x2  }
0xb9: {  	s3 =	sand.u32 $0x4000, s31;
	s1 =	sadd.s32 s1, s30  }
0xba: {  	s0 =	sor.u32 s3, s0;
	s1 =	sshll.u32 s1, $0x11  }
0xbb: {  	s0 =	sor.u32 s1, s0  }
0xbc: {  	s0 =	sadd.s32 $0x8F2B, s0  }
0xbd: {  	[sflag:s0] =	ssyncadd.remote.s32 $0x1  }
0xbe: {  	_ =	sfence.sel $0xFFFF  }
0xbf: {  	[dreg:$0x0] =	wrdreg $0xFFFFFFFF;
	(pc) =	sbr.abs _section_cstart, $3  }
0xc0: {  	[dreg:$0x1] =	wrdreg $0xFFFFFFFF  }
0xc1: {  	_ =	task.clear_ibuf [dreg:s6], $0x2FFFF;
	_ =	strace $0x9FFFFFFF  }
0xc2: {  	(tm) =	ssettm $0x7FFFFFFF  }
0xc3: {  	_ =	shalt  }
tec
execute0_lowered:
.L_overlay_start_1:
0x0: {  	(tag) =	ssettag $0x1  }
0x1: {  	s0 =	rddreg [dreg:$0x0]  }
0x2: {  	s1 =	rddreg [dreg:$0x1];
	s2 =	srdreg.scid;
	s3 =	simm.s32 $0x0  }
0x3: {  	s12 =	stileid.u32;
	s28 =	simm.s32 $0x14300;
	s29 =	simm.s32 $0x18400  }
0x4: {  	s30 =	simm.s32 $0x14180;
	s31 =	simm.s32 $0x14380;
	s2 =	sand.u32 $0x1, s2  }
0x5: {  	[smem:$0x7FF] =	sst s3;
	s6 =	smul.u32 $0x14000, s12;
	s4 =	sadd.s32 $0x16E00, s0  }
0x6: {  	s8 =	sadd.s32 $0x2E00, s0;
	s9 =	sadd.s32 $0xCE00, s0;
	s11 =	smul.u32 $0x50000, s12  }
0x7: {  	s7 =	sadd.s32 $0x3E000, s0;
	s24 =	sshll.u32 s12, $0x6;
	s25 =	smul.u32 $0xA0, s12  }
0x8: {  	s5 =	smul.u32 $0x140000, s2;
	_ =	strace $0x8000004D;
	[dreg:$0x9] =	wrdreg s7  }
0x9: {  	s20 =	ssub.s32 $0x2, s2;
	s21 =	sshll.u32 s2, $0x4;
	s2 =	smul.u32 $0xA00, s2  }
0xa: {  	s10 =	sshrl.u32 s20, $0x1;
	s7 =	sor.u32 s12, s21;
	s23 =	sshrl.u32 s11, $0x2  }
0xb: {  	s5 =	sadd.s32 s6, s5;
	s22 =	smul.u32 $0x500, s7;
	s7 =	sadd.s32 s23, s1  }
0xc: {  	s2 =	sadd.s32 s25, s2;
	s5 =	sshrl.u32 s5, $0x3;
	[dreg:$0xa] =	wrdreg s7  }
0xd: {  	s7 =	sor.u32 $0x1C05, s24;
	s2 =	sshll.u32 s2, $0x3;
	s26 =	sadd.s32 s8, s22  }
0xe: {  	s0 =	sadd.s32 s5, s0;
	s12 =	sadd.s32 s9, s22;
	[dreg:$0xb] =	wrdreg s26  }
0xf: {  	s5 =	ssub.s32 s20, s10;
	s19 =	sadd.s32 s2, s8;
	[dreg:$0xc] =	wrdreg s12  }
0x10: {  	s13 =	sor.u32 $0x8, s22;
	s20 =	sadd.s32 s2, s9;
	[dreg:$0x3] =	wrdreg s19  }
0x11: {  	s15 =	sor.u32 $0x10, s22;
	s14 =	sadd.s32 s8, s13;
	[dreg:$0x4] =	wrdreg s20  }
0x12: {  	s6 =	sor.u32 $0x18, s22;
	s16 =	sadd.s32 s9, s13;
	[dreg:$0xd] =	wrdreg s14  }
0x13: {  	s21 =	sor.u32 $0x30, s2;
	s17 =	sadd.s32 s8, s15;
	[dreg:$0xe] =	wrdreg s16  }
0x14: {  	s2 =	sor.u32 $0x20, s2;
	s18 =	sadd.s32 s9, s15;
	[dreg:$0xf] =	wrdreg s17  }
0x15: {  	s22 =	sadd.s32 s8, s6;
	s23 =	sadd.s32 s21, s8;
	[dreg:$0x10] =	wrdreg s18  }
0x16: {  	s24 =	sadd.s32 s21, s9;
	s6 =	sadd.s32 s9, s6;
	[dreg:$0x11] =	wrdreg s22  }
0x17: {  	s25 =	sadd.s32 s2, s8;
	s26 =	sadd.s32 s2, s9;
	[dreg:$0x5] =	wrdreg s23  }
0x18: {  	s19 =	simm.s32 $0x14000;
	s20 =	simm.s32 $0x14200;
	[dreg:$0x12] =	wrdreg s6  }
0x19: {  	s21 =	simm.s32 $0x40;
	s2 =	simm.s32 $0x1;
	[dreg:$0x6] =	wrdreg s24  }
0x1a: {  	s8 =	simm.s32 $0x4;
	s9 =	simm.s32 $0x0;
	[dreg:$0x7] =	wrdreg s25  }
0x1b: {  	s16 =	sadd.s32 $0x40800, s0;
	s17 =	smax.u32 s5, $0x1;
	[dreg:$0x8] =	wrdreg s26  }
0x1c: {  	s18 =	simm.s32 $0x5;
	s22 =	simm.s32 $0x14400;
	s23 =	simm.s32 $0x14080  }
0x1d: {  	s24 =	simm.s32 $0x14280;
	s25 =	simm.s32 $0x16400;
	s26 =	simm.s32 $0x14100  }
0x1e: {  	s0 =	simm.s32 $0x1A400;
	s5 =	simm.s32 $0x2;
	s6 =	simm.s32 $0x3  }
.LBB2_1:
0x1f: {  	s10 =	rddreg [dreg:$0xa]  }
0x20: {  	s11 =	rddreg [dreg:$0x9];
	s10 =	sshrl.u32 s10, $0x3  }
0x21: {  	[spmem:s10], [sflag:s7] =	dma.local [hbm:s11], $0x2800  }
0x22: {  	_ =	swait.ge [sflag:s18], $0x2800  }
0x23: {  	[sflag:s18] =	ssyncset.done $0x0  }
0x24: {  	[sflag:s18] =	ssyncadd.s32 $0xFFFFD800  }
0x25: {  	[bflag:$0x0] =	sbarrier.arrive $0xFFFF  }
0x26: {  	s15 =	rddreg [dreg:$0xb]  }
0x27: {  	[tilespmem:s19], [sflag:$0x5] =	stream.linear.gather [hbm4b:s15+s3], $0x40, $0x38;
	[tilespmem:$0x1C400] =	vst v63  }
0x28: {  	_ =	swait.ge [sflag:s18], $0x40  }
0x29: {  	[sflag:s18] =	ssyncset.done $0x0  }
0x2a: {  	s12 =	rddreg [dreg:$0xc];
	[sflag:s18] =	ssyncadd.s32 $0xFFFFFFC0  }
0x2b: {  	[tilespmem:s20], [sflag:$0x5] =	stream.linear.gather [hbm4b:s12+s3], $0x40, $0x38;
	[tilespmem:$0x1C400] =	vst v63  }
0x2c: {  	_ =	swait.ge [sflag:s18], $0x40  }
0x2d: {  	[sflag:s18] =	ssyncset.done $0x0  }
0x2e: {  	[sflag:s18] =	ssyncadd.s32 $0xFFFFFFC0  }
0x2f: {  	[tilespmem:s22], [sflag:$0x1] =	stream.indirect.gather [hbm4b:s4+s21], $0x80, s19, s21, $0xb8;
	[tilespmem:$0x1C400] =	vst v63  }
0x30: {  	s13 =	rddreg [dreg:$0xd]  }
0x31: {  	[tilespmem:s23], [sflag:$0x5] =	stream.linear.gather [hbm4b:s13+s3], $0x40, $0x38;
	[tilespmem:$0x1C400] =	vst v63  }
0x32: {  	_ =	swait.ge [sflag:s18], $0x40  }
0x33: {  	[sflag:s18] =	ssyncset.done $0x0  }
0x34: {  	s14 =	rddreg [dreg:$0xe];
	[sflag:s18] =	ssyncadd.s32 $0xFFFFFFC0  }
0x35: {  	[tilespmem:s24], [sflag:$0x5] =	stream.linear.gather [hbm4b:s14+s3], $0x40, $0x38;
	[tilespmem:$0x1C400] =	vst v63  }
0x36: {  	_ =	swait.ge [sflag:s18], $0x40  }
0x37: {  	[sflag:s18] =	ssyncset.done $0x0  }
0x38: {  	[sflag:s18] =	ssyncadd.s32 $0xFFFFFFC0  }
0x39: {  	[tilespmem:s25], [sflag:$0x2] =	stream.indirect.gather [hbm4b:s4+s21], $0x80, s23, s21, $0xb8;
	[tilespmem:$0x1C400] =	vst v63  }
0x3a: {  	s15 =	rddreg [dreg:$0xf]  }
0x3b: {  	[tilespmem:s26], [sflag:$0x5] =	stream.linear.gather [hbm4b:s15+s3], $0x40, $0x38;
	[tilespmem:$0x1C400] =	vst v63  }
0x3c: {  	_ =	swait.ge [sflag:s18], $0x40  }
0x3d: {  	[sflag:s18] =	ssyncset.done $0x0  }
0x3e: {  	s12 =	rddreg [dreg:$0x10];
	[sflag:s18] =	ssyncadd.s32 $0xFFFFFFC0  }
0x3f: {  	[tilespmem:s28], [sflag:$0x5] =	stream.linear.gather [hbm4b:s12+s3], $0x40, $0x38;
	[tilespmem:$0x1C400] =	vst v63  }
0x40: {  	_ =	swait.ge [sflag:s18], $0x40  }
0x41: {  	[sflag:s18] =	ssyncset.done $0x0  }
0x42: {  	[sflag:s18] =	ssyncadd.s32 $0xFFFFFFC0  }
0x43: {  	[tilespmem:s29], [sflag:$0x3] =	stream.indirect.gather [hbm4b:s4+s21], $0x80, s26, s21, $0xb8;
	[tilespmem:$0x1C400] =	vst v63  }
0x44: {  	s13 =	rddreg [dreg:$0x11]  }
0x45: {  	[tilespmem:s30], [sflag:$0x5] =	stream.linear.gather [hbm4b:s13+s3], $0x40, $0x38;
	[tilespmem:$0x1C400] =	vst v63  }
0x46: {  	_ =	swait.ge [sflag:s18], $0x40  }
0x47: {  	[sflag:s18] =	ssyncset.done $0x0  }
0x48: {  	s14 =	rddreg [dreg:$0x12];
	[sflag:s18] =	ssyncadd.s32 $0xFFFFFFC0  }
0x49: {  	[tilespmem:s31], [sflag:$0x5] =	stream.linear.gather [hbm4b:s14+s3], $0x40, $0x38;
	[tilespmem:$0x1C400] =	vst v63  }
0x4a: {  	_ =	swait.ge [sflag:s18], $0x40  }
0x4b: {  	[sflag:s18] =	ssyncset.done $0x0  }
0x4c: {  	[sflag:s18] =	ssyncadd.s32 $0xFFFFFFC0  }
0x4d: {  	[tilespmem:s0], [sflag:$0x4] =	stream.indirect.gather [hbm4b:s4+s21], $0x80, s30, s21, $0xb8;
	[tilespmem:$0x1C400] =	vst v63  }
0x4e: {  	_ =	swait.ge [sflag:s2], $0x2000  }
0x4f: {  	[sflag:s2] =	ssyncset.done $0x0  }
0x50: {  	[sflag:s2] =	ssyncadd.s32 $0xFFFFE000  }
0x51: {  	[spmem:s1] =	stream.indirect.scatter.add.f32 [tilespmem:s22], [sflag:$0x5], $0x80, s20, s21, $0xb8;
	[tilespmem:$0x1C400] =	vst v63  }
0x52: {  	_ =	swait.ge [sflag:s18], $0x2000  }
0x53: {  	s15 =	rddreg [dreg:$0x7];
	[sflag:s18] =	ssyncset.done $0x0  }
0x54: {  	[sflag:s18] =	ssyncadd.s32 $0xFFFFE000;
	s11 =	sadd.s32 $0x0, s15  }
0x55: {  	[tilespmem:s19], [sflag:$0x5] =	stream.linear.gather [hbm4b:s11+s3], $0x40, $0x38;
	[tilespmem:$0x1C400] =	vst v63  }
0x56: {  	_ =	swait.ge [sflag:s18], $0x40  }
0x57: {  	s12 =	rddreg [dreg:$0x8];
	[sflag:s18] =	ssyncset.done $0x0  }
0x58: {  	[sflag:s18] =	ssyncadd.s32 $0xFFFFFFC0;
	s11 =	sadd.s32 $0x0, s12  }
0x59: {  	[tilespmem:s20], [sflag:$0x5] =	stream.linear.gather [hbm4b:s11+s3], $0x40, $0x38;
	[tilespmem:$0x1C400] =	vst v63  }
0x5a: {  	_ =	swait.ge [sflag:s18], $0x40  }
0x5b: {  	[sflag:s18] =	ssyncset.done $0x0  }
0x5c: {  	[sflag:s18] =	ssyncadd.s32 $0xFFFFFFC0  }
0x5d: {  	[tilespmem:s22], [sflag:$0x1] =	stream.indirect.gather [hbm4b:s4+s21], $0x80, s19, s21, $0xb8;
	[tilespmem:$0x1C400] =	vst v63  }
0x5e: {  	_ =	swait.ge [sflag:s5], $0x2000  }
0x5f: {  	[sflag:s5] =	ssyncset.done $0x0  }
0x60: {  	[sflag:s5] =	ssyncadd.s32 $0xFFFFE000  }
0x61: {  	[spmem:s1] =	stream.indirect.scatter.add.f32 [tilespmem:s25], [sflag:$0x5], $0x80, s24, s21, $0xb8;
	[tilespmem:$0x1C400] =	vst v63  }
0x62: {  	_ =	swait.ge [sflag:s18], $0x2000  }
0x63: {  	s13 =	rddreg [dreg:$0x3]  }
0x64: {  	[sflag:s18] =	ssyncset.done $0x0;
	s11 =	sadd.s32 $0x0, s13  }
0x65: {  	[sflag:s18] =	ssyncadd.s32 $0xFFFFE000;
	s12 =	sadd.s32 $0x28, s11  }
0x66: {  	[tilespmem:s23], [sflag:$0x5] =	stream.linear.gather [hbm4b:s12+s3], $0x40, $0x38;
	[tilespmem:$0x1C400] =	vst v63  }
0x67: {  	_ =	swait.ge [sflag:s18], $0x40  }
0x68: {  	s14 =	rddreg [dreg:$0x4]  }
0x69: {  	[sflag:s18] =	ssyncset.done $0x0;
	s12 =	sadd.s32 $0x0, s14  }
0x6a: {  	[sflag:s18] =	ssyncadd.s32 $0xFFFFFFC0;
	s13 =	sadd.s32 $0x28, s12  }
0x6b: {  	[tilespmem:s24], [sflag:$0x5] =	stream.linear.gather [hbm4b:s13+s3], $0x40, $0x38;
	[tilespmem:$0x1C400] =	vst v63  }
0x6c: {  	_ =	swait.ge [sflag:s18], $0x40  }
0x6d: {  	[sflag:s18] =	ssyncset.done $0x0  }
0x6e: {  	[sflag:s18] =	ssyncadd.s32 $0xFFFFFFC0  }
0x6f: {  	[tilespmem:s25], [sflag:$0x2] =	stream.indirect.gather [hbm4b:s4+s21], $0x80, s23, s21, $0xb8;
	[tilespmem:$0x1C400] =	vst v63  }
0x70: {  	_ =	swait.ge [sflag:s6], $0x2000  }
0x71: {  	[sflag:s6] =	ssyncset.done $0x0  }
0x72: {  	[sflag:s6] =	ssyncadd.s32 $0xFFFFE000  }
0x73: {  	[spmem:s1] =	stream.indirect.scatter.add.f32 [tilespmem:s29], [sflag:$0x5], $0x80, s28, s21, $0xb8;
	[tilespmem:$0x1C400] =	vst v63  }
0x74: {  	_ =	swait.ge [sflag:s18], $0x2000  }
0x75: {  	s15 =	rddreg [dreg:$0x5];
	[sflag:s18] =	ssyncset.done $0x0  }
0x76: {  	[sflag:s18] =	ssyncadd.s32 $0xFFFFE000;
	s13 =	sadd.s32 $0x0, s15  }
0x77: {  	[tilespmem:s26], [sflag:$0x5] =	stream.linear.gather [hbm4b:s13+s3], $0x40, $0x38;
	[tilespmem:$0x1C400] =	vst v63  }
0x78: {  	_ =	swait.ge [sflag:s18], $0x40  }
0x79: {  	s14 =	rddreg [dreg:$0x6];
	[sflag:s18] =	ssyncset.done $0x0  }
0x7a: {  	[sflag:s18] =	ssyncadd.s32 $0xFFFFFFC0;
	s13 =	sadd.s32 $0x0, s14  }
0x7b: {  	[tilespmem:s28], [sflag:$0x5] =	stream.linear.gather [hbm4b:s13+s3], $0x40, $0x38;
	[tilespmem:$0x1C400] =	vst v63  }
0x7c: {  	_ =	swait.ge [sflag:s18], $0x40  }
0x7d: {  	[sflag:s18] =	ssyncset.done $0x0  }
0x7e: {  	[sflag:s18] =	ssyncadd.s32 $0xFFFFFFC0  }
0x7f: {  	[tilespmem:s29], [sflag:$0x3] =	stream.indirect.gather [hbm4b:s4+s21], $0x80, s26, s21, $0xb8;
	[tilespmem:$0x1C400] =	vst v63  }
0x80: {  	_ =	swait.ge [sflag:s8], $0x2000  }
0x81: {  	[sflag:s8] =	ssyncset.done $0x0  }
0x82: {  	[sflag:s8] =	ssyncadd.s32 $0xFFFFE000  }
0x83: {  	[spmem:s1] =	stream.indirect.scatter.add.f32 [tilespmem:s0], [sflag:$0x5], $0x80, s31, s21, $0xb8;
	[tilespmem:$0x1C400] =	vst v63  }
0x84: {  	_ =	swait.ge [sflag:s18], $0x2000  }
0x85: {  	[sflag:s18] =	ssyncset.done $0x0  }
0x86: {  	s11 =	sadd.s32 $0x38, s11;
	[sflag:s18] =	ssyncadd.s32 $0xFFFFE000  }
0x87: {  	[tilespmem:s30], [sflag:$0x5] =	stream.linear.gather [hbm4b:s11+s3], $0x40, $0x38;
	[tilespmem:$0x1C400] =	vst v63  }
0x88: {  	_ =	swait.ge [sflag:s18], $0x40  }
0x89: {  	[sflag:s18] =	ssyncset.done $0x0  }
0x8a: {  	s15 =	sadd.s32 $0x38, s12;
	[sflag:s18] =	ssyncadd.s32 $0xFFFFFFC0  }
0x8b: {  	[tilespmem:s31], [sflag:$0x5] =	stream.linear.gather [hbm4b:s15+s3], $0x40, $0x38;
	[tilespmem:$0x1C400] =	vst v63  }
0x8c: {  	_ =	swait.ge [sflag:s18], $0x40  }
0x8d: {  	[sflag:s18] =	ssyncset.done $0x0  }
0x8e: {  	s11 =	simm.s32 $0x20;
	[sflag:s18] =	ssyncadd.s32 $0xFFFFFFC0  }
.LBB2_2:
0x8f: {  	[tilespmem:s0], [sflag:$0x4] =	stream.indirect.gather [hbm4b:s4+s21], $0x80, s30, s21, $0xb8;
	[tilespmem:$0x1C400] =	vst v63  }
0x90: {  	_ =	swait.ge [sflag:s2], $0x2000  }
0x91: {  	[sflag:s2] =	ssyncset.done $0x0  }
0x92: {  	[sflag:s2] =	ssyncadd.s32 $0xFFFFE000  }
0x93: {  	[spmem:s1] =	stream.indirect.scatter.add.f32 [tilespmem:s22], [sflag:$0x5], $0x80, s20, s21, $0xb8;
	[tilespmem:$0x1C400] =	vst v63  }
0x94: {  	_ =	swait.ge [sflag:s18], $0x2000  }
0x95: {  	s12 =	smov.u32 s11;
	s13 =	rddreg [dreg:$0x7];
	[sflag:s18] =	ssyncset.done $0x0  }
0x96: {  	[sflag:s18] =	ssyncadd.s32 $0xFFFFE000;
	s13 =	sadd.s32 s12, s13  }
0x97: {  	[tilespmem:s19], [sflag:$0x5] =	stream.linear.gather [hbm4b:s13+s3], $0x40, $0x38;
	[tilespmem:$0x1C400] =	vst v63  }
0x98: {  	_ =	swait.ge [sflag:s18], $0x40  }
0x99: {  	s15 =	rddreg [dreg:$0x8];
	[sflag:s18] =	ssyncset.done $0x0  }
0x9a: {  	[sflag:s18] =	ssyncadd.s32 $0xFFFFFFC0;
	s13 =	sadd.s32 s12, s15  }
0x9b: {  	[tilespmem:s20], [sflag:$0x5] =	stream.linear.gather [hbm4b:s13+s3], $0x40, $0x38;
	[tilespmem:$0x1C400] =	vst v63  }
0x9c: {  	_ =	swait.ge [sflag:s18], $0x40  }
0x9d: {  	[sflag:s18] =	ssyncset.done $0x0  }
0x9e: {  	[sflag:s18] =	ssyncadd.s32 $0xFFFFFFC0  }
0x9f: {  	[tilespmem:s22], [sflag:$0x1] =	stream.indirect.gather [hbm4b:s4+s21], $0x80, s19, s21, $0xb8;
	[tilespmem:$0x1C400] =	vst v63  }
0xa0: {  	_ =	swait.ge [sflag:s5], $0x2000  }
0xa1: {  	[sflag:s5] =	ssyncset.done $0x0  }
0xa2: {  	[sflag:s5] =	ssyncadd.s32 $0xFFFFE000  }
0xa3: {  	[spmem:s1] =	stream.indirect.scatter.add.f32 [tilespmem:s25], [sflag:$0x5], $0x80, s24, s21, $0xb8;
	[tilespmem:$0x1C400] =	vst v63  }
0xa4: {  	_ =	swait.ge [sflag:s18], $0x2000  }
0xa5: {  	s14 =	rddreg [dreg:$0x3]  }
0xa6: {  	[sflag:s18] =	ssyncset.done $0x0;
	s13 =	sadd.s32 s12, s14  }
0xa7: {  	[sflag:s18] =	ssyncadd.s32 $0xFFFFE000;
	s14 =	sadd.s32 $0x28, s13  }
0xa8: {  	[tilespmem:s23], [sflag:$0x5] =	stream.linear.gather [hbm4b:s14+s3], $0x40, $0x38;
	[tilespmem:$0x1C400] =	vst v63  }
0xa9: {  	_ =	swait.ge [sflag:s18], $0x40  }
0xaa: {  	s15 =	rddreg [dreg:$0x4]  }
0xab: {  	[sflag:s18] =	ssyncset.done $0x0;
	s14 =	sadd.s32 s12, s15  }
0xac: {  	[sflag:s18] =	ssyncadd.s32 $0xFFFFFFC0;
	s15 =	sadd.s32 $0x28, s14  }
0xad: {  	[tilespmem:s24], [sflag:$0x5] =	stream.linear.gather [hbm4b:s15+s3], $0x40, $0x38;
	[tilespmem:$0x1C400] =	vst v63  }
0xae: {  	_ =	swait.ge [sflag:s18], $0x40  }
0xaf: {  	[sflag:s18] =	ssyncset.done $0x0  }
0xb0: {  	[sflag:s18] =	ssyncadd.s32 $0xFFFFFFC0  }
0xb1: {  	[tilespmem:s25], [sflag:$0x2] =	stream.indirect.gather [hbm4b:s4+s21], $0x80, s23, s21, $0xb8;
	[tilespmem:$0x1C400] =	vst v63  }
0xb2: {  	_ =	swait.ge [sflag:s6], $0x2000  }
0xb3: {  	[sflag:s6] =	ssyncset.done $0x0  }
0xb4: {  	[sflag:s6] =	ssyncadd.s32 $0xFFFFE000  }
0xb5: {  	[spmem:s1] =	stream.indirect.scatter.add.f32 [tilespmem:s29], [sflag:$0x5], $0x80, s28, s21, $0xb8;
	[tilespmem:$0x1C400] =	vst v63  }
0xb6: {  	_ =	swait.ge [sflag:s18], $0x2000  }
0xb7: {  	s15 =	rddreg [dreg:$0x5];
	[sflag:s18] =	ssyncset.done $0x0  }
0xb8: {  	[sflag:s18] =	ssyncadd.s32 $0xFFFFE000;
	s15 =	sadd.s32 s12, s15  }
0xb9: {  	[tilespmem:s26], [sflag:$0x5] =	stream.linear.gather [hbm4b:s15+s3], $0x40, $0x38;
	[tilespmem:$0x1C400] =	vst v63  }
0xba: {  	_ =	swait.ge [sflag:s18], $0x40  }
0xbb: {  	s15 =	rddreg [dreg:$0x6];
	[sflag:s18] =	ssyncset.done $0x0  }
0xbc: {  	[sflag:s18] =	ssyncadd.s32 $0xFFFFFFC0;
	s12 =	sadd.s32 s12, s15  }
0xbd: {  	[tilespmem:s28], [sflag:$0x5] =	stream.linear.gather [hbm4b:s12+s3], $0x40, $0x38;
	[tilespmem:$0x1C400] =	vst v63  }
0xbe: {  	_ =	swait.ge [sflag:s18], $0x40  }
0xbf: {  	[sflag:s18] =	ssyncset.done $0x0  }
0xc0: {  	[sflag:s18] =	ssyncadd.s32 $0xFFFFFFC0  }
0xc1: {  	[tilespmem:s29], [sflag:$0x3] =	stream.indirect.gather [hbm4b:s4+s21], $0x80, s26, s21, $0xb8;
	[tilespmem:$0x1C400] =	vst v63  }
0xc2: {  	_ =	swait.ge [sflag:s8], $0x2000  }
0xc3: {  	[sflag:s8] =	ssyncset.done $0x0  }
0xc4: {  	[sflag:s8] =	ssyncadd.s32 $0xFFFFE000  }
0xc5: {  	[spmem:s1] =	stream.indirect.scatter.add.f32 [tilespmem:s0], [sflag:$0x5], $0x80, s31, s21, $0xb8;
	[tilespmem:$0x1C400] =	vst v63  }
0xc6: {  	_ =	swait.ge [sflag:s18], $0x2000  }
0xc7: {  	[sflag:s18] =	ssyncset.done $0x0  }
0xc8: {  	s13 =	sadd.s32 $0x38, s13;
	[sflag:s18] =	ssyncadd.s32 $0xFFFFE000  }
0xc9: {  	[tilespmem:s30], [sflag:$0x5] =	stream.linear.gather [hbm4b:s13+s3], $0x40, $0x38;
	[tilespmem:$0x1C400] =	vst v63  }
0xca: {  	_ =	swait.ge [sflag:s18], $0x40  }
0xcb: {  	p0 =	sne.s32 s11, $0x4C0;
	[sflag:s18] =	ssyncset.done $0x0  }
.Ltmp0:
0xcc: {  	s15 =	sadd.s32 $0x38, s14;
	[sflag:s18] =	ssyncadd.s32 $0xFFFFFFC0;
	(pc) =	sbr.rel @p0 .LBB2_2-.Ltmp0, $4  }
0xcd: {  	[tilespmem:s31], [sflag:$0x5] =	stream.linear.gather [hbm4b:s15+s3], $0x40, $0x38;
	[tilespmem:$0x1C400] =	vst v63  }
0xce: {  	_ =	swait.ge [sflag:s18], $0x40  }
0xcf: {  	[sflag:s18] =	ssyncset.done $0x0  }
0xd0: {  	s11 =	sadd.s32 $0x20, s11;
	[sflag:s18] =	ssyncadd.s32 $0xFFFFFFC0  }
0xd1: {  	[tilespmem:s0], [sflag:$0x4] =	stream.indirect.gather [hbm4b:s4+s21], $0x80, s30, s21, $0xb8;
	[tilespmem:$0x1C400] =	vst v63  }
0xd2: {  	_ =	swait.ge [sflag:s2], $0x2000  }
0xd3: {  	[sflag:s2] =	ssyncset.done $0x0  }
0xd4: {  	[sflag:s2] =	ssyncadd.s32 $0xFFFFE000  }
0xd5: {  	[spmem:s1] =	stream.indirect.scatter.add.f32 [tilespmem:s22], [sflag:$0x5], $0x80, s20, s21, $0xb8;
	[tilespmem:$0x1C400] =	vst v63  }
0xd6: {  	_ =	swait.ge [sflag:s18], $0x2000  }
0xd7: {  	[sflag:s18] =	ssyncset.done $0x0  }
0xd8: {  	[sflag:s18] =	ssyncadd.s32 $0xFFFFE000  }
0xd9: {  	_ =	swait.ge [sflag:s5], $0x2000  }
0xda: {  	[sflag:s5] =	ssyncset.done $0x0  }
0xdb: {  	[sflag:s5] =	ssyncadd.s32 $0xFFFFE000  }
0xdc: {  	[spmem:s1] =	stream.indirect.scatter.add.f32 [tilespmem:s25], [sflag:$0x5], $0x80, s24, s21, $0xb8;
	[tilespmem:$0x1C400] =	vst v63  }
0xdd: {  	_ =	swait.ge [sflag:s18], $0x2000  }
0xde: {  	[sflag:s18] =	ssyncset.done $0x0  }
0xdf: {  	[sflag:s18] =	ssyncadd.s32 $0xFFFFE000  }
0xe0: {  	_ =	swait.ge [sflag:s6], $0x2000  }
0xe1: {  	[sflag:s6] =	ssyncset.done $0x0  }
0xe2: {  	[sflag:s6] =	ssyncadd.s32 $0xFFFFE000  }
0xe3: {  	[spmem:s1] =	stream.indirect.scatter.add.f32 [tilespmem:s29], [sflag:$0x5], $0x80, s28, s21, $0xb8;
	[tilespmem:$0x1C400] =	vst v63  }
0xe4: {  	_ =	swait.ge [sflag:s18], $0x2000  }
0xe5: {  	[sflag:s18] =	ssyncset.done $0x0  }
0xe6: {  	[sflag:s18] =	ssyncadd.s32 $0xFFFFE000  }
0xe7: {  	_ =	swait.ge [sflag:s8], $0x2000  }
0xe8: {  	[sflag:s8] =	ssyncset.done $0x0  }
0xe9: {  	[sflag:s8] =	ssyncadd.s32 $0xFFFFE000  }
0xea: {  	[spmem:s1] =	stream.indirect.scatter.add.f32 [tilespmem:s0], [sflag:$0x5], $0x80, s31, s21, $0xb8;
	[tilespmem:$0x1C400] =	vst v63  }
0xeb: {  	_ =	swait.ge [sflag:s18], $0x2000  }
0xec: {  	s9 =	sadd.s32 $0x1, s9;
	[sflag:s18] =	ssyncset.done $0x0  }
0xed: {  	p0 =	sne.s32 s9, s17;
	[sflag:s18] =	ssyncadd.s32 $0xFFFFE000  }
.Ltmp1:
0xee: {  	[bflag:$0x0] =	sbarrier.arrive $0xFFFF;
	(pc) =	sbr.rel @p0 .LBB2_1-.Ltmp1, $4  }
0xef: {  	[hbm:s16], [sflag:s7] =	dma.local [spmem:s10], $0x2800  }
0xf0: {  	_ =	swait.ge [sflag:s18], $0x2800  }
0xf1: {  	[sflag:s18] =	ssyncset.done $0x0  }
0xf2: {  	[sflag:s18] =	ssyncadd.s32 $0xFFFFD800  }
0xf3: {  	_ =	sfence.sel $0x180000  }
0xf4: {  	[bflag:$0x0] =	sbarrier.arrive $0xFFFF  }
0xf5: {  	_ =	strace $0x9000004D  }
0xf6: {  	s0 =	stileid.u32;
	[bflag:$0x2] =	sbarrier.arrive $0xFFFF  }
0xf7: {  	p0 =	sne.s32 s0, $0x0;
	s0 =	rddreg [dreg:$0x2]  }
0xf8: {  	s0 =	sadd.s32 @!p0 $0x100000, s0  }
0xf9: {  	[sflag:s0] =	ssyncadd.tile.s32 @!p0 $0x1;
	_ =	shalt  }
.Lfunc_end2:
_tile_overlayer_lowered:
.L_overlay_start_2:
0xfa: {  	(tag) =	ssettag $0x2  }
0xfb: {  	s0 =	rddreg [dreg:$0x0];
	s2 =	stileid.u32  }
0xfc: {  	s1 =	rddreg [dreg:$0x1];
	p0 =	sne.s32 s2, $0x0  }
0xfd: {  	s3 =	rddreg [dreg:$0x2];
	[bflag:$0x3] =	sbarrier.arrive $0xFFFF;
	s2 =	simm.s32 @!p0 $0x1C05  }
0xfe: {  	[timem:s3], [sflag:s2] =	dma.local @!p0 [hbm:s0], s1  }
0xff: {  	s0 =	simm.s32 @!p0 $0x5  }
0x100: {  	_ =	swait.ge @!p0 [sflag:s0], s1  }
0x101: {  	s1 =	ssub.s32 @!p0 $0x0, s1;
	[sflag:s0] =	ssyncset.done @!p0 $0x0  }
0x102: {  	[sflag:s0] =	ssyncadd.s32 @!p0 s1  }
0x103: {  	[bflag:$0x3] =	sbarrier.arrive $0xFFFF  }
0x104: {  	_ =	shalt  }

// kernel: kernel.9.cloned.1.call-start
scs
__scs_entry_jumppad:
0x0: {  	(pc) =	sbr.rel $0x88, $3  }
0x1: {  	(tag) =	ssettag $0x0;
	lr =	simm.s32 $0x1  }
0x2: {  	[smem:$0x3F98] =	sst lr;
	_ =	strace $0xD0000000  }
0x3: {  	_ = 	snop  }
0x4: {  	_ = 	snop  }
0x5: {  	_ = 	snop  }
0x6: {  	_ = 	snop  }
0x7: {  	_ = 	snop  }
__scs_overlays_trampoline_lowered:
0x8: {  	[smem:$0x3FA7] =	sst s0  }
0x9: {  	[smem:$0x3FA8] =	sst s1  }
0xa: {  	[smem:$0x3FA9] =	sst s2  }
0xb: {  	[smem:$0x3FAA] =	sst s3  }
0xc: {  	[smem:$0x3FAB] =	sst s4  }
0xd: {  	[smem:$0x3FAC] =	sst s5  }
0xe: {  	[smem:$0x3FAD] =	sst s6  }
0xf: {  	[smem:$0x3FAE] =	sst s7  }
0x10: {  	[smem:$0x3FAF] =	sst s8  }
0x11: {  	[smem:$0x3FB0] =	sst s9;
	s0 =	simm.s32 @!p0 $0x0  }
0x12: {  	s1 =	sld [smem:$0x3F96];
	s0 =	simm.s32 @p0 $0x1  }
0x13: {  	[smem:$0x3FB1] =	sst s0;
	s0 =	simm.s32 @!p1 $0x0  }
0x14: {  	s2 =	sld [smem:$0x3F95];
	s0 =	simm.s32 @p1 $0x1  }
0x15: {  	[smem:$0x3FB2] =	sst s0;
	s0 =	simm.s32 @!p2 $0x0  }
0x16: {  	s3 =	sld [smem:$0x3FDB];
	s0 =	simm.s32 @p2 $0x1  }
0x17: {  	s4 =	simm.s32 $0x1BF5;
	[smem:$0x3FB4] =	sst s0  }
0x18: {  	s0 =	sld [smem:$0x3F97];
	_ =	swait.ge [sflag:s4], $0x0  }
0x19: {  	s7 =	sld [smem:$0x3F98]  }
0x1a: {  	s8 =	sadd.s32 $0xFFFFE003, lr  }
0x1b: {  	s9 =	sadd.s32 $0xFFFFFEF7, lr;
	s5 =	simm.s32 $0xFFFFFFFF;
	p2 =	slt.u32 s8, $0xFFFFF086  }
0x1c: {  	p1 =	slt.u32 s9, $0xF7A;
	s5 =	simm.s32 @!p2 $0x0  }
0x1d: {  	s5 =	simm.s32 @p1 $0x1;
	p0 =	seq.s32 s7, s2  }
0x1e: {  	s7 =	smul.u32 @!p0 $0xF7A, s2;
	p2 =	seq.s32 @!p0 s5, $0x0  }
0x1f: {  	s9 =	smul.u32 $0xF7A, s1;
	s8 =	simm.s32 @!p0 $0x1BF5;
	p2 =	por !p2, p0  }
0x20: {  	[sflag:s8] =	ssyncset.s32 @!p0 $0xFFFFF086;
	s6 =	sadd.s32 @!p0 s3, s7;
	s7 =	simm.s32 @!p0 $0x108  }
0x21: {  	s3 =	sadd.s32 s3, s9;
	s6 =	sadd.s32 @!p0 $0x88, s6;
	s7 =	simm.s32 @p2 $0x1082  }
0x22: {  	[simem:s7], [sflag:s8] =	dma.local @!p0 [hbm:s6], $0xF7A  }
0x23: {  	s9 =	sor.u32 $0xD0000000, s2;
	s6 =	simm.s32 $0x108;
	_ =	swait.ge @!p0 [sflag:s8], $0x0  }
0x24: {  	s3 =	sadd.s32 $0x88, s3;
	s6 =	simm.s32 @!p1 $0x1082;
	[sflag:s4] =	ssyncset.s32 $0xFFFFF086  }
0x25: {  	[simem:s6], [sflag:s4] =	dma.local [hbm:s3], $0xF7A  }
0x26: {  	[smem:$0x3F98] =	sst s1;
	(tag) =	ssettag s2;
	_ =	strace s9  }
0x27: {  	s1 =	sld [smem:$0x3FA8]  }
0x28: {  	s2 =	sld [smem:$0x3FA9]  }
0x29: {  	s4 =	sld [smem:$0x3FAB]  }
0x2a: {  	p0 =	seq.s32 s5, $0x0;
	s5 =	sld [smem:$0x3FAC]  }
0x2b: {  	s6 =	sld [smem:$0x3FAD]  }
0x2c: {  	s7 =	sld [smem:$0x3FAE]  }
0x2d: {  	s3 =	simm.s32 $0x108;
	s8 =	sld [smem:$0x3FAF]  }
0x2e: {  	s3 =	simm.s32 @!p0 $0x1082;
	s9 =	sld [smem:$0x3FB0]  }
0x2f: {  	lr =	sadd.s32 s0, s3;
	s0 =	sld [smem:$0x3FA7]  }
0x30: {  	s3 =	sld [smem:$0x3FAA]  }
0x31: {  	[smem:$0x3FB3] =	sst s10  }
0x32: {  	s10 =	sld [smem:$0x3FB1];
	_ =	sdelay $0x3  }
0x33: {  	p0 =	seq.s32 s10, $0x1;
	s10 =	sld [smem:$0x3FB3];
	_ =	sdelay $0x3  }
0x34: {  	[smem:$0x3FB3] =	sst s10  }
0x35: {  	s10 =	sld [smem:$0x3FB2];
	_ =	sdelay $0x3  }
0x36: {  	p1 =	seq.s32 s10, $0x1;
	s10 =	sld [smem:$0x3FB3];
	_ =	sdelay $0x3  }
0x37: {  	[smem:$0x3FB3] =	sst s10  }
0x38: {  	s10 =	sld [smem:$0x3FB4]  }
0x39: {  	_ = 	snop;
	(pc) =	sbr.ind lr, $3  }
0x3a: {  	_ = 	snop  }
0x3b: {  	_ = 	snop  }
0x3c: {  	p2 =	seq.s32 s10, $0x1;
	s10 =	sld [smem:$0x3FB3]  }
0x3d: {  	_ =	shalt  }
0x3e: {  	_ =	shalt  }
0x3f: {  	_ =	shalt  }
0x40: {  	_ =	shalt  }
0x41: {  	_ =	shalt  }
0x42: {  	_ =	shalt  }
0x43: {  	_ =	shalt  }
0x44: {  	_ =	shalt  }
0x45: {  	_ =	shalt  }
0x46: {  	_ =	shalt  }
0x47: {  	_ =	shalt  }
0x48: {  	_ =	shalt  }
0x49: {  	_ =	shalt  }
0x4a: {  	_ =	shalt  }
0x4b: {  	_ =	shalt  }
0x4c: {  	_ =	shalt  }
0x4d: {  	_ =	shalt  }
0x4e: {  	_ =	shalt  }
0x4f: {  	_ =	shalt  }
0x50: {  	_ =	shalt  }
0x51: {  	_ =	shalt  }
0x52: {  	_ =	shalt  }
0x53: {  	_ =	shalt  }
0x54: {  	_ =	shalt  }
0x55: {  	_ =	shalt  }
0x56: {  	_ =	shalt  }
0x57: {  	_ =	shalt  }
0x58: {  	_ =	shalt  }
0x59: {  	_ =	shalt  }
0x5a: {  	_ =	shalt  }
0x5b: {  	_ =	shalt  }
0x5c: {  	_ =	shalt  }
0x5d: {  	_ =	shalt  }
0x5e: {  	_ =	shalt  }
0x5f: {  	_ =	shalt  }
0x60: {  	_ =	shalt  }
0x61: {  	_ =	shalt  }
0x62: {  	_ =	shalt  }
0x63: {  	_ =	shalt  }
0x64: {  	_ =	shalt  }
0x65: {  	_ =	shalt  }
0x66: {  	_ =	shalt  }
0x67: {  	_ =	shalt  }
0x68: {  	_ =	shalt  }
0x69: {  	_ =	shalt  }
0x6a: {  	_ =	shalt  }
0x6b: {  	_ =	shalt  }
0x6c: {  	_ =	shalt  }
0x6d: {  	_ =	shalt  }
0x6e: {  	_ =	shalt  }
0x6f: {  	_ =	shalt  }
0x70: {  	_ =	shalt  }
0x71: {  	_ =	shalt  }
0x72: {  	_ =	shalt  }
0x73: {  	_ =	shalt  }
0x74: {  	_ =	shalt  }
0x75: {  	_ =	shalt  }
0x76: {  	_ =	shalt  }
0x77: {  	_ =	shalt  }
0x78: {  	_ =	shalt  }
0x79: {  	_ =	shalt  }
0x7a: {  	_ =	shalt  }
0x7b: {  	_ =	shalt  }
0x7c: {  	_ =	shalt  }
0x7d: {  	_ =	shalt  }
0x7e: {  	_ =	shalt  }
0x7f: {  	_ =	shalt  }
0x80: {  	_ =	shalt  }
0x81: {  	_ =	shalt  }
0x82: {  	_ =	shalt  }
0x83: {  	_ =	shalt  }
0x84: {  	_ =	shalt  }
0x85: {  	_ =	shalt  }
0x86: {  	_ =	shalt  }
0x87: {  	_ =	shalt  }
.Lfunc_end0:
.L_simem_size_0:
called_computation_lowered:
.L_overlay_start_0:
0x88: {  	s2 =	sld [smem:$0x3FD9]  }
0x89: {  	s3 =	sld [smem:$0x3FFE];
	_ =	sdelay $0x1  }
0x8a: {  	s1 =	srdreg.scid  }
0x8b: {  	s0 =	sand.u32 $0x1, s1  }
0x8c: {  	s16 =	sshll.u32 s0, $0xA;
	s2 =	sadd.s32 s3, s2  }
0x8d: {  	s2 =	sadd.s32 s2, s16  }
0x8e: {  	[smem:$0x3FBF] =	sst s2  }
0x8f: {  	_ = 	snop  }
0x90: {  	(tm) =	ssettm $0x1  }
0x91: {  	s17 =	sld [smem:$0x3FFB];
	_ =	sdelay $0x3  }
0x92: {  	_ =	strace s17  }
0x93: {  	s2 =	sld [smem:$0x3FFC];
	_ =	sdelay $0x3  }
0x94: {  	_ =	strace s2  }
0x95: {  	s2 =	sld [smem:$0x3FFD];
	_ =	sdelay $0x3  }
0x96: {  	_ =	strace s2  }
0x97: {  	_ =	strace $0x8FFFFFFF  }
0x98: {  	s18 =	sld [smem:$0x3FDB];
	_ =	sdelay $0x1  }
0x99: {  	s19 =	simm.s32 $_scs_section_size  }
0x9a: {  	s4 =	simm.s32 $_size__tile_overlayer_lowered;
	s5 =	simm.s32 $_tile_overlayer_lowered  }
0x9b: {  	s22 =	simm.s32 $0x1BFF;
	s21 =	sshll.u32 s5, $0x1;
	s2 =	sadd.s32 s19, s18  }
0x9c: {  	s6 =	simm.s32 $0x0;
	s20 =	sshll.u32 s4, $0x1;
	s4 =	sadd.s32 s21, s2  }
0x9d: {  	[timem:s6], [sflag:s22] =	dma.local [hbm:s4], s20  }
0x9e: {  	_ =	swait.ge [sflag:s22], s20  }
0x9f: {  	s3 =	ssub.s32 $0x0, s20;
	[sflag:s22] =	ssyncset.done $0x0  }
0xa0: {  	[sflag:s22] =	ssyncadd.s32 s3;
	_ =	sdelay $0x1  }
0xa1: {  	s23 =	simm.s32 $0x1B8B  }
0xa2: {  	_ =	swait.ge [sflag:s23], $0x1  }
0xa3: {  	[sflag:s23] =	ssyncset.done $0x0  }
0xa4: {  	s25 =	simm.s32 $0x1B8E;
	s24 =	sld [smem:$0x3FFE];
	[sflag:s23] =	ssyncadd.s32 $0xFFFFFFFF  }
0xa5: {  	s26 =	simm.s32 $execute0_lowered;
	[smem:$0x3FD2] =	sst s25  }
0xa6: {  	s4 =	sshll.u32 s26, $0x1;
	_ =	strace $0x80000046;
	[dreg:$0x1] =	wrdreg $0xFFFFFFFF  }
0xa7: {  	s28 =	simm.s32 $_size_execute0_lowered;
	s2 =	sadd.s32 s2, s4;
	[dreg:$0x0] =	wrdreg $0x0  }
0xa8: {  	s4 =	sshll.u32 s28, $0x1;
	[dreg:$0x2] =	wrdreg s2  }
0xa9: {  	[dreg:$0x3] =	wrdreg s4  }
0xaa: {  	[dreg:$0x4] =	wrdreg $0xC0  }
0xab: {  	_ =	task [dreg:s6], $0x5FFFF  }
0xac: {  	[dreg:$0x1] =	wrdreg $0xFFFFFFFF  }
0xad: {  	[dreg:$0x0] =	wrdreg $0x60  }
0xae: {  	[dreg:$0x2] =	wrdreg s24  }
0xaf: {  	[dreg:$0x3] =	wrdreg $0x0  }
0xb0: {  	[dreg:$0x4] =	wrdreg $0x9  }
0xb1: {  	_ =	task.clear_ibuf [dreg:s6], $0x5FFFF;
	_ =	strace $0x90000046  }
0xb2: {  	s29 =	simm.s32 $0x9;
	_ =	strace $0x80000048  }
0xb3: {  	_ =	swait.ge [sflag:s29], $0x1  }
0xb4: {  	[sflag:s29] =	ssyncadd.s32 $0xFFFFFFFF  }
0xb5: {  	_ =	strace $0x90000048  }
0xb6: {  	_ =	sfence  }
0xb7: {  	s30 =	sld [smem:$0x0];
	_ =	sdelay $0x2  }
0xb8: {  	s31 =	sshll.u32 s1, $0xD;
	s1 =	sshrl.u32 s1, $0x2  }
0xb9: {  	s3 =	sand.u32 $0x4000, s31;
	s1 =	sadd.s32 s1, s30  }
0xba: {  	s0 =	sor.u32 s3, s0;
	s1 =	sshll.u32 s1, $0x11  }
0xbb: {  	s0 =	sor.u32 s1, s0  }
0xbc: {  	s0 =	sadd.s32 $0x8F2B, s0  }
0xbd: {  	[sflag:s0] =	ssyncadd.remote.s32 $0x1  }
0xbe: {  	_ =	sfence.sel $0xFFFF  }
0xbf: {  	[dreg:$0x0] =	wrdreg $0xFFFFFFFF;
	(pc) =	sbr.abs _section_cstart, $3  }
0xc0: {  	[dreg:$0x1] =	wrdreg $0xFFFFFFFF  }
0xc1: {  	_ =	task.clear_ibuf [dreg:s6], $0x2FFFF;
	_ =	strace $0x9FFFFFFF  }
0xc2: {  	(tm) =	ssettm $0x7FFFFFFF  }
0xc3: {  	_ =	shalt  }
tec
execute0_lowered:
.L_overlay_start_1:
0x0: {  	(tag) =	ssettag $0x1  }
0x1: {  	s6 =	rddreg [dreg:$0x0];
	s2 =	stileid.u32  }
0x2: {  	s0 =	srdreg.scid;
	s8 =	smul.u32 $0x14000, s2  }
0x3: {  	s1 =	rddreg [dreg:$0x1];
	s3 =	simm.s32 $0x0;
	s10 =	smul.u32 $0x50000, s2  }
0x4: {  	s14 =	simm.s32 $0x80;
	s7 =	sand.u32 $0x1, s0;
	s12 =	smul.u32 $0x500, s2  }
0x5: {  	s15 =	simm.s32 $0x0;
	s0 =	rddreg [dreg:$0x2];
	s4 =	smul.u32 $0x5000, s7  }
0x6: {  	[smem:$0x7FF] =	sst s3;
	s5 =	smul.u32 $0x140000, s7;
	s7 =	ssub.s32 $0x2, s7  }
0x7: {  	s31 =	sshll.u32 s2, $0x6;
	_ =	strace $0x80000047;
	s11 =	sshrl.u32 s7, $0x1  }
0x8: {  	s10 =	sshrl.u32 s10, $0x2;
	s9 =	sadd.s32 s4, s6;
	s4 =	sadd.s32 $0x19600, s6  }
0x9: {  	s8 =	sadd.s32 s8, s5;
	s5 =	sadd.s32 $0x16E00, s6;
	s7 =	ssub.s32 s7, s11  }
0xa: {  	s13 =	sadd.s32 s10, s1;
	s10 =	simm.s32 $0x1;
	s11 =	sor.u32 $0x1C01, s31  }
0xb: {  	s8 =	sshrl.u32 s8, $0x3;
	s7 =	smax.u32 s7, $0x1;
	s30 =	sadd.s32 s12, s9  }
0xc: {  	s9 =	simm.s32 $0x2880;
	s12 =	sshrl.u32 s13, $0x3;
	s6 =	sadd.s32 s8, s6  }
0xd: {  	s13 =	simm.s32 $0x2800;
	s8 =	sadd.s32 $0xCE00, s30;
	s6 =	sadd.s32 $0x19E00, s6  }
.LBB2_1:
0xe: {  	[tilespmem:s9], [sflag:$0x1] =	stream.linear.gather [hbm4b:s4+s3], $0x4000, $0x38;
	[tilespmem:$0x6880] =	vst v63  }
0xf: {  	_ =	swait.ge [sflag:s10], $0x4000  }
0x10: {  	[sflag:s10] =	ssyncset.done $0x0  }
0x11: {  	[sflag:s10] =	ssyncadd.s32 $0xFFFFC000  }
0x12: {  	[spmem:s12], [sflag:s11] =	dma.local [hbm:s5], $0x2800  }
0x13: {  	_ =	swait.ge [sflag:s10], $0x2800  }
0x14: {  	[sflag:s10] =	ssyncset.done $0x0  }
0x15: {  	[sflag:s10] =	ssyncadd.s32 $0xFFFFD800  }
0x16: {  	s16 =	sadd.s32 $0x0, s8;
	[bflag:$0x0] =	sbarrier.arrive $0xFFFF  }
0x17: {  	[tilespmem:s13], [sflag:$0x1] =	stream.linear.gather [hbm4b:s16+s3], $0x80, $0x38;
	[tilespmem:$0x6880] =	vst v63  }
0x18: {  	_ =	swait.ge [sflag:s10], $0x80  }
0x19: {  	[sflag:s10] =	ssyncset.done $0x0  }
0x1a: {  	[sflag:s10] =	ssyncadd.s32 $0xFFFFFF80  }
0x1b: {  	[spmem:s1] =	stream.indirect.scatter.add.f32 [tilespmem:s9], [sflag:$0x1], $0x10, s13, s14, $0xb8;
	[tilespmem:$0x6880] =	vst v63  }
0x1c: {  	_ =	swait.ge [sflag:s10], $0x800  }
0x1d: {  	s17 =	simm.s32 $0x20;
	s16 =	simm.s32 $0x10;
	[sflag:s10] =	ssyncset.done $0x0  }
.LBB2_2:
0x1e: {  	s18 =	sadd.s32 s16, s8  }
0x1f: {  	[sflag:s10] =	ssyncadd.s32 $0xFFFFF800;
	s16 =	smov.u32 s17;
	s19 =	sadd.s32 $0x10, s17  }
0x20: {  	[tilespmem:s13], [sflag:$0x1] =	stream.linear.gather [hbm4b:s18+s3], $0x80, $0x38;
	[tilespmem:$0x6880] =	vst v63  }
0x21: {  	p0 =	sne.s32 s17, $0x4F0;
	_ =	swait.ge [sflag:s10], $0x80  }
.Ltmp0:
0x22: {  	[sflag:s10] =	ssyncset.done $0x0;
	(pc) =	sbr.rel @p0 .LBB2_2-.Ltmp0, $4  }
0x23: {  	[sflag:s10] =	ssyncadd.s32 $0xFFFFFF80  }
0x24: {  	[spmem:s1] =	stream.indirect.scatter.add.f32 [tilespmem:s9], [sflag:$0x1], $0x10, s13, s14, $0xb8;
	[tilespmem:$0x6880] =	vst v63  }
0x25: {  	_ =	swait.ge [sflag:s10], $0x800  }
0x26: {  	s17 =	smov.u32 s19;
	[sflag:s10] =	ssyncset.done $0x0  }
0x27: {  	s16 =	sadd.s32 s16, s8;
	[sflag:s10] =	ssyncadd.s32 $0xFFFFF800  }
0x28: {  	[tilespmem:s13], [sflag:$0x1] =	stream.linear.gather [hbm4b:s16+s3], $0x80, $0x38;
	[tilespmem:$0x6880] =	vst v63  }
0x29: {  	_ =	swait.ge [sflag:s10], $0x80  }
0x2a: {  	[sflag:s10] =	ssyncset.done $0x0  }
0x2b: {  	[sflag:s10] =	ssyncadd.s32 $0xFFFFFF80  }
0x2c: {  	[spmem:s1] =	stream.indirect.scatter.add.f32 [tilespmem:s9], [sflag:$0x1], $0x10, s13, s14, $0xb8;
	[tilespmem:$0x6880] =	vst v63  }
0x2d: {  	_ =	swait.ge [sflag:s10], $0x800  }
0x2e: {  	s15 =	sadd.s32 $0x1, s15;
	[sflag:s10] =	ssyncset.done $0x0  }
0x2f: {  	p0 =	sne.s32 s15, s7;
	[sflag:s10] =	ssyncadd.s32 $0xFFFFF800  }
.Ltmp1:
0x30: {  	[bflag:$0x0] =	sbarrier.arrive $0xFFFF;
	(pc) =	sbr.rel @p0 .LBB2_1-.Ltmp1, $4  }
0x31: {  	[hbm:s6], [sflag:s11] =	dma.local [spmem:s12], $0x2800  }
0x32: {  	_ =	swait.ge [sflag:s10], $0x2800  }
0x33: {  	[sflag:s10] =	ssyncset.done $0x0  }
0x34: {  	[sflag:s10] =	ssyncadd.s32 $0xFFFFD800  }
0x35: {  	_ =	sfence.sel $0x180000  }
0x36: {  	[bflag:$0x0] =	sbarrier.arrive $0xFFFF  }
0x37: {  	p0 =	sne.s32 s2, $0x0;
	_ =	strace $0x90000047  }
0x38: {  	s0 =	sadd.s32 @!p0 $0x100000, s0;
	[bflag:$0x2] =	sbarrier.arrive $0xFFFF  }
0x39: {  	[sflag:s0] =	ssyncadd.tile.s32 @!p0 $0x1;
	_ =	shalt  }
.Lfunc_end2:
_tile_overlayer_lowered:
.L_overlay_start_2:
0x3a: {  	(tag) =	ssettag $0x2  }
0x3b: {  	s0 =	rddreg [dreg:$0x0];
	s2 =	stileid.u32  }
0x3c: {  	s1 =	rddreg [dreg:$0x1];
	p0 =	sne.s32 s2, $0x0  }
0x3d: {  	s3 =	rddreg [dreg:$0x2];
	[bflag:$0x3] =	sbarrier.arrive $0xFFFF;
	s2 =	simm.s32 @!p0 $0x1C01  }
0x3e: {  	[timem:s3], [sflag:s2] =	dma.local @!p0 [hbm:s0], s1  }
0x3f: {  	s0 =	simm.s32 @!p0 $0x1  }
0x40: {  	_ =	swait.ge @!p0 [sflag:s0], s1  }
0x41: {  	s1 =	ssub.s32 @!p0 $0x0, s1;
	[sflag:s0] =	ssyncset.done @!p0 $0x0  }
0x42: {  	[sflag:s0] =	ssyncadd.s32 @!p0 s1  }
0x43: {  	[bflag:$0x3] =	sbarrier.arrive $0xFFFF  }
0x44: {  	_ =	shalt  }

</sc_bundles>
